<compile_context>
chip_gen: v7x
topology: tpu7x:2x2x1
jax: 0.10.2.dev20260603
libtpu: 0.0.44.dev20260713+nightly
codegen_flags: <defaults>
</compile_context>

<pallas_src>
import functools

import jax
import jax.numpy as jnp
from jax import lax
from jax.experimental import pallas as pl
from jax.experimental.pallas import tpu as pltpu
from jax.experimental.pallas import tpu_sc as plsc

N = 10000
F = 128
E = 320000
NC, NS = 2, 16
NW = NC * NS
NPAD = 10240
K = 128
NCH = 80
EPW = NCH * K
EPAD = EPW * NW
PADNODE = N + 100
RPT = NPAD // NS
DW = 16
TCH = EPAD // K
N0, N1 = 48, 112

_MESH = plsc.VectorSubcoreMesh(core_axis_name="c", subcore_axis_name="s",
                               num_cores=NC, num_subcores=NS)


def _deg_body(dst_hbm, out_hbm, didx, ones, acc):
    c = lax.axis_index("c")
    s = lax.axis_index("s")
    wid = s * NC + c

    def fill(r, carry):
        for j in range(8):
            ones[r, pl.ds(j * 16, 16)] = jnp.full((16,), 1.0, jnp.float32)
        return carry

    lax.fori_loop(0, K, fill, 0)

    def zero(i, carry):
        pltpu.sync_copy(ones, acc.at[pl.ds(s * RPT + i * K, K)])
        return carry

    def zfill(r, carry):
        for j in range(8):
            ones[r, pl.ds(j * 16, 16)] = jnp.zeros((16,), jnp.float32)
        return carry

    lax.fori_loop(0, K, zfill, 0)
    lax.fori_loop(0, RPT // K, zero, 0)
    lax.fori_loop(0, K, fill, 0)
    plsc.subcore_barrier()

    def chunk(i, carry):
        pltpu.sync_copy(dst_hbm.at[wid * NCH + i], didx)
        pltpu.sync_copy(ones, acc.at[didx], add=True)
        return carry

    lax.fori_loop(0, NCH, chunk, 0)
    plsc.subcore_barrier()
    pltpu.sync_copy(acc.at[pl.ds(s * RPT, RPT)],
                    out_hbm.at[c, pl.ds(s * RPT, RPT)])


_sc_degree = functools.partial(
    pl.kernel,
    out_type=jax.ShapeDtypeStruct((NC, NPAD, F), jnp.float32),
    mesh=_MESH,
    scratch_types=[
        pltpu.VMEM((K,), jnp.int32),
        pltpu.VMEM((K, F), jnp.float32),
        pltpu.VMEM_SHARED((NPAD, F), jnp.float32),
    ],
)(_deg_body)


def _agg_body(hs_hbm, src_hbm, dst_hbm, out_hbm,
              sidxa, didxa, sidxb, didxb, rowsa, rowsb, acc,
              sga, sgb, ssa, ssb):
    c = lax.axis_index("c")
    s = lax.axis_index("s")
    wid = s * NC + c

    def fill(r, carry):
        for j in range(8):
            rowsa[r, pl.ds(j * 16, 16)] = jnp.zeros((16,), jnp.float32)
        return carry

    lax.fori_loop(0, K, fill, 0)

    def zero(i, carry):
        pltpu.sync_copy(rowsa, acc.at[pl.ds(s * RPT + i * K, K)])
        return carry

    lax.fori_loop(0, RPT // K, zero, 0)
    plsc.subcore_barrier()

    start = jnp.where(c == 0, s * N0, NS * N0 + s * N1)
    half = jnp.where(c == 0, N0 // 2, N1 // 2)

    def load_and_gather(i, sidx_, didx_, rows_, gsem_):
        pltpu.sync_copy(src_hbm.at[start + i], sidx_)
        pltpu.sync_copy(dst_hbm.at[start + i], didx_)
        pltpu.async_copy(hs_hbm.at[sidx_], rows_, gsem_)

    load_and_gather(0, sidxa, didxa, rowsa, sga)
    load_and_gather(1, sidxb, didxb, rowsb, sgb)

    def body(j, carry):
        pltpu.make_async_copy(hs_hbm.at[sidxa], rowsa, sga).wait()
        pltpu.async_copy(rowsa, acc.at[didxa], ssa, add=True)
        pltpu.make_async_copy(hs_hbm.at[sidxb], rowsb, sgb).wait()
        pltpu.async_copy(rowsb, acc.at[didxb], ssb, add=True)

        @pl.when(j < half - 1)
        def _():
            pltpu.make_async_copy(rowsa, acc.at[didxa], ssa).wait()
            load_and_gather(2 * j + 2, sidxa, didxa, rowsa, sga)
            pltpu.make_async_copy(rowsb, acc.at[didxb], ssb).wait()
            load_and_gather(2 * j + 3, sidxb, didxb, rowsb, sgb)

        return carry

    lax.fori_loop(0, half, body, 0)
    pltpu.make_async_copy(rowsa, acc.at[didxa], ssa).wait()
    pltpu.make_async_copy(rowsb, acc.at[didxb], ssb).wait()
    plsc.subcore_barrier()
    pltpu.sync_copy(acc.at[pl.ds(s * RPT, RPT)],
                    out_hbm.at[c, pl.ds(s * RPT, RPT)])


_sc_aggregate = functools.partial(
    pl.kernel,
    out_type=jax.ShapeDtypeStruct((NC, NPAD, F), jnp.float32),
    mesh=_MESH,
    scratch_types=[
        pltpu.VMEM((K,), jnp.int32),
        pltpu.VMEM((K,), jnp.int32),
        pltpu.VMEM((K,), jnp.int32),
        pltpu.VMEM((K,), jnp.int32),
        pltpu.VMEM((K, F), jnp.float32),
        pltpu.VMEM((K, F), jnp.float32),
        pltpu.VMEM_SHARED((NPAD, F), jnp.float32),
        pltpu.SemaphoreType.DMA,
        pltpu.SemaphoreType.DMA,
        pltpu.SemaphoreType.DMA,
        pltpu.SemaphoreType.DMA,
    ],
)(_agg_body)


BLK = 1024


def _dis_from(degp_ref):
    deg = degp_ref[0, :, 0:1] + degp_ref[1, :, 0:1] + 1.0
    return lax.rsqrt(deg)


def _prep_body(x_ref, w_ref, degp_ref, h_ref, hs_ref):
    h = jnp.dot(x_ref[...], w_ref[...], preferred_element_type=jnp.float32)
    dis = _dis_from(degp_ref)
    h_ref[...] = h
    hs_ref[...] = h * dis


def _mid_body(p_ref, h1_ref, degp_ref, b_ref, w_ref, h2_ref, hs2_ref):
    dis = _dis_from(degp_ref)
    agg = p_ref[0] + p_ref[1]
    x2 = jnp.maximum(dis * agg + (dis * dis) * h1_ref[...] + b_ref[...], 0.0)
    h2 = jnp.dot(x2, w_ref[...], preferred_element_type=jnp.float32)
    h2_ref[...] = h2
    hs2_ref[...] = h2 * dis


def _fin_body(p_ref, h2_ref, degp_ref, b_ref, out_ref):
    dis = _dis_from(degp_ref)
    agg = p_ref[0] + p_ref[1]
    out_ref[...] = dis * agg + (dis * dis) * h2_ref[...] + b_ref[...]


def _row_spec():
    return pl.BlockSpec((BLK, F), lambda i: (i, 0))


def _part_spec():
    return pl.BlockSpec((NC, BLK, F), lambda i: (0, i, 0))


def _deg_spec():
    return pl.BlockSpec((NC, BLK, F), lambda i: (0, i, 0))


def _w_spec():
    return pl.BlockSpec((F, F), lambda i: (0, 0))


def _b_spec():
    return pl.BlockSpec((1, F), lambda i: (0, 0))


_GRID = (NPAD // BLK,)

_tc_prep = pl.pallas_call(
    _prep_body,
    grid=_GRID,
    in_specs=[_row_spec(), _w_spec(), _deg_spec()],
    out_specs=[_row_spec(), _row_spec()],
    out_shape=[jax.ShapeDtypeStruct((NPAD, F), jnp.float32)] * 2,
)

_tc_mid = pl.pallas_call(
    _mid_body,
    grid=_GRID,
    in_specs=[_part_spec(), _row_spec(), _deg_spec(), _b_spec(), _w_spec()],
    out_specs=[_row_spec(), _row_spec()],
    out_shape=[jax.ShapeDtypeStruct((NPAD, F), jnp.float32)] * 2,
)

_tc_fin = pl.pallas_call(
    _fin_body,
    grid=_GRID,
    in_specs=[_part_spec(), _row_spec(), _deg_spec(), _b_spec()],
    out_specs=_row_spec(),
    out_shape=jax.ShapeDtypeStruct((NPAD, F), jnp.float32),
)


def kernel(node_features, edge_index, W1, b1, W2, b2):
    ei = edge_index.astype(jnp.int32)
    pad = N + jnp.arange(EPAD - E, dtype=jnp.int32) % (NPAD - N)
    srcp = jnp.concatenate([ei[0], pad]).reshape(TCH, K)
    dstp = jnp.concatenate([ei[1], pad]).reshape(TCH, K)
    x_p = jnp.concatenate(
        [node_features, jnp.zeros((NPAD - N, F), jnp.float32)])
    b1r = b1.reshape(1, F)
    b2r = b2.reshape(1, F)

    degp = _sc_degree(dstp)
    h1, hs1 = _tc_prep(x_p, W1, degp)
    parts1 = _sc_aggregate(hs1, srcp, dstp)
    h2, hs2 = _tc_mid(parts1, h1, degp, b1r, W2)
    parts2 = _sc_aggregate(hs2, srcp, dstp)
    out = _tc_fin(parts2, h2, degp, b2r)
    return out[:N]

# --- scband reference (transcript-rebuilt; emitter-appended) ---
"""Pipeline reference for scband-gnn-27109833572650 (READ-ONLY COPY).

The authoritative reference and input builder live on the scoring server;
editing this copy changes nothing except your own understanding.
"""

import jax, jax.numpy as jnp
import numpy as np

N_NODES = 10000


def gcn_conv(x, edge_index, W, b, num_nodes):
    # PyG-style GCNConv: linear transform, add self-loops, symmetric normalization,
    # scatter-add aggregation, then bias.
    x = x @ W
    src = edge_index[0]
    dst = edge_index[1]
    loop = jnp.arange(num_nodes, dtype=edge_index.dtype)
    src = jnp.concatenate([src, loop])
    dst = jnp.concatenate([dst, loop])
    deg = jnp.zeros((num_nodes,), dtype=x.dtype).at[dst].add(1.0)
    deg_inv_sqrt = jnp.where(deg > 0, 1.0 / jnp.sqrt(deg), 0.0)
    norm = deg_inv_sqrt[src] * deg_inv_sqrt[dst]
    msg = x[src] * norm[:, None]
    out = jnp.zeros_like(x).at[dst].add(msg)
    return out + b


def setup_inputs(seed: int = 0) -> dict:
    key = jax.random.key(seed)
    k1, k2, k3, k4, k5, k6 = jax.random.split(key, 6)
    node_features = jax.random.normal(k1, (N_NODES, 128), dtype=jnp.float32)
    edge_index = jax.random.randint(k2, (2, 320000), 0, N_NODES, dtype=jnp.int64)
    # glorot-style init for GCN layer weights
    s1 = 1.0 / np.sqrt(128.0)
    W1 = jax.random.uniform(k3, (128, 128), dtype=jnp.float32, minval=-s1, maxval=s1)
    b1 = jnp.zeros((128,), dtype=jnp.float32)
    W2 = jax.random.uniform(k4, (128, 128), dtype=jnp.float32, minval=-s1, maxval=s1)
    b2 = jnp.zeros((128,), dtype=jnp.float32)
    return {"node_features": node_features, "edge_index": edge_index,
            "W1": W1, "b1": b1, "W2": W2, "b2": b2}


def reference(node_features, edge_index, W1, b1, W2, b2):
    x = gcn_conv(node_features, edge_index, W1, b1, N_NODES)
    x = jax.nn.relu(x)
    x = gcn_conv(x, edge_index, W2, b2, N_NODES)
    return x

if __name__ == "__main__":
    import jax
    _d = setup_inputs()
    print(jax.jit(kernel)(*tuple(_d.values())))

</pallas_src>

<mosaic_0001>
#map = affine_map<(d0, d1) -> (0, 0)>
#map1 = affine_map<(d0, d1) -> (0, 0, 0)>
module attributes {stable_mosaic.version = 14 : i64} {
  func.func @_agg_body(%arg0: i32, %arg1: i32, %arg2: memref<10240x128xf32, #tpu.memory_space<hbm>>, %arg3: memref<2560x128xi32, #tpu.memory_space<hbm>>, %arg4: memref<2560x128xi32, #tpu.memory_space<hbm>>, %arg5: memref<2x10240x128xf32, #tpu.memory_space<hbm>>, %arg6: memref<128xi32, #tpu.memory_space<vmem>>, %arg7: memref<128xi32, #tpu.memory_space<vmem>>, %arg8: memref<128xi32, #tpu.memory_space<vmem>>, %arg9: memref<128xi32, #tpu.memory_space<vmem>>, %arg10: memref<128x128xf32, #tpu.memory_space<vmem>>, %arg11: memref<128x128xf32, #tpu.memory_space<vmem>>, %arg12: memref<10240x128xf32, #tpu.memory_space<vmem_shared>>, %arg13: memref<!tpu.dma_semaphore, #tpu.memory_space<semaphore_mem>>, %arg14: memref<!tpu.dma_semaphore, #tpu.memory_space<semaphore_mem>>, %arg15: memref<!tpu.dma_semaphore, #tpu.memory_space<semaphore_mem>>, %arg16: memref<!tpu.dma_semaphore, #tpu.memory_space<semaphore_mem>>) attributes {dimension_semantics = [#tpu.dimension_semantics<core_parallel>, #tpu.dimension_semantics<subcore_parallel>], iteration_bounds = array<i64: 2, 16>, scalar_prefetch = 0 : i64, scratch_operands = 11 : i64, tpu.core_type = #tpu.core_type<sc_vector_subcore>, window_params = [{transform_indices = #map}, {transform_indices = #map}, {transform_indices = #map}, {transform_indices = #map1}]} {
    %mul3A = arith.constant 2 : i32
    %mul3A_0 = arith.muli %arg1, %mul3A : i32
    %add3A = arith.addi %mul3A_0, %arg0 : i32
    %scan3A = arith.constant 0 : i32
    %scan3A_1 = arith.constant 0 : i32
    %scan3A_2 = arith.constant 128 : i32
    %scan3A_3 = arith.addi %scan3A_1, %scan3A_2 : i32
    %scan3A_4 = arith.constant 1 : i32
    scf.for %scan3A_55 = %scan3A_1 to %scan3A_3 step %scan3A_4  : i32 {
      %broadcast_in_dim3A = arith.constant 0.000000e+00 : f32
      %broadcast_in_dim3A_56 = vector.broadcast %broadcast_in_dim3A : f32 to vector<16xf32>
      %swap3A = arith.index_cast %scan3A_55 : i32 to index
      %swap3A_57 = arith.constant 0 : index
      %swap3A_58 = tpu.vector_load %arg10[%swap3A, %swap3A_57] {strides = array<i32>} : memref<128x128xf32, #tpu.memory_space<vmem>>, vector<1x16xf32>,
      %swap3A_59 = vector.shape_cast %swap3A_58 : vector<1x16xf32> to vector<16xf32>
      %swap3A_60 = vector.shape_cast %broadcast_in_dim3A_56 : vector<16xf32> to vector<1x16xf32>
      tpu.vector_store %arg10[%swap3A, %swap3A_57], %swap3A_60 {strides = array<i32>} : memref<128x128xf32, #tpu.memory_space<vmem>>, vector<1x16xf32>,
      %broadcast_in_dim3A_61 = arith.constant 0.000000e+00 : f32
      %broadcast_in_dim3A_62 = vector.broadcast %broadcast_in_dim3A_61 : f32 to vector<16xf32>
      %swap3A_63 = arith.index_cast %scan3A_55 : i32 to index
      %swap3A_64 = arith.constant 16 : index
      %swap3A_65 = tpu.vector_load %arg10[%swap3A_63, %swap3A_64] {strides = array<i32>} : memref<128x128xf32, #tpu.memory_space<vmem>>, vector<1x16xf32>,
      %swap3A_66 = vector.shape_cast %swap3A_65 : vector<1x16xf32> to vector<16xf32>
      %swap3A_67 = vector.shape_cast %broadcast_in_dim3A_62 : vector<16xf32> to vector<1x16xf32>
      tpu.vector_store %arg10[%swap3A_63, %swap3A_64], %swap3A_67 {strides = array<i32>} : memref<128x128xf32, #tpu.memory_space<vmem>>, vector<1x16xf32>,
      %broadcast_in_dim3A_68 = arith.constant 0.000000e+00 : f32
      %broadcast_in_dim3A_69 = vector.broadcast %broadcast_in_dim3A_68 : f32 to vector<16xf32>
      %swap3A_70 = arith.index_cast %scan3A_55 : i32 to index
      %swap3A_71 = arith.constant 32 : index
      %swap3A_72 = tpu.vector_load %arg10[%swap3A_70, %swap3A_71] {strides = array<i32>} : memref<128x128xf32, #tpu.memory_space<vmem>>, vector<1x16xf32>,
      %swap3A_73 = vector.shape_cast %swap3A_72 : vector<1x16xf32> to vector<16xf32>
      %swap3A_74 = vector.shape_cast %broadcast_in_dim3A_69 : vector<16xf32> to vector<1x16xf32>
      tpu.vector_store %arg10[%swap3A_70, %swap3A_71], %swap3A_74 {strides = array<i32>} : memref<128x128xf32, #tpu.memory_space<vmem>>, vector<1x16xf32>,
      %broadcast_in_dim3A_75 = arith.constant 0.000000e+00 : f32
      %broadcast_in_dim3A_76 = vector.broadcast %broadcast_in_dim3A_75 : f32 to vector<16xf32>
      %swap3A_77 = arith.index_cast %scan3A_55 : i32 to index
      %swap3A_78 = arith.constant 48 : index
      %swap3A_79 = tpu.vector_load %arg10[%swap3A_77, %swap3A_78] {strides = array<i32>} : memref<128x128xf32, #tpu.memory_space<vmem>>, vector<1x16xf32>,
      %swap3A_80 = vector.shape_cast %swap3A_79 : vector<1x16xf32> to vector<16xf32>
      %swap3A_81 = vector.shape_cast %broadcast_in_dim3A_76 : vector<16xf32> to vector<1x16xf32>
      tpu.vector_store %arg10[%swap3A_77, %swap3A_78], %swap3A_81 {strides = array<i32>} : memref<128x128xf32, #tpu.memory_space<vmem>>, vector<1x16xf32>,
      %broadcast_in_dim3A_82 = arith.constant 0.000000e+00 : f32
      %broadcast_in_dim3A_83 = vector.broadcast %broadcast_in_dim3A_82 : f32 to vector<16xf32>
      %swap3A_84 = arith.index_cast %scan3A_55 : i32 to index
      %swap3A_85 = arith.constant 64 : index
      %swap3A_86 = tpu.vector_load %arg10[%swap3A_84, %swap3A_85] {strides = array<i32>} : memref<128x128xf32, #tpu.memory_space<vmem>>, vector<1x16xf32>,
      %swap3A_87 = vector.shape_cast %swap3A_86 : vector<1x16xf32> to vector<16xf32>
      %swap3A_88 = vector.shape_cast %broadcast_in_dim3A_83 : vector<16xf32> to vector<1x16xf32>
      tpu.vector_store %arg10[%swap3A_84, %swap3A_85], %swap3A_88 {strides = array<i32>} : memref<128x128xf32, #tpu.memory_space<vmem>>, vector<1x16xf32>,
      %broadcast_in_dim3A_89 = arith.constant 0.000000e+00 : f32
      %broadcast_in_dim3A_90 = vector.broadcast %broadcast_in_dim3A_89 : f32 to vector<16xf32>
      %swap3A_91 = arith.index_cast %scan3A_55 : i32 to index
      %swap3A_92 = arith.constant 80 : index
      %swap3A_93 = tpu.vector_load %arg10[%swap3A_91, %swap3A_92] {strides = array<i32>} : memref<128x128xf32, #tpu.memory_space<vmem>>, vector<1x16xf32>,
      %swap3A_94 = vector.shape_cast %swap3A_93 : vector<1x16xf32> to vector<16xf32>
      %swap3A_95 = vector.shape_cast %broadcast_in_dim3A_90 : vector<16xf32> to vector<1x16xf32>
      tpu.vector_store %arg10[%swap3A_91, %swap3A_92], %swap3A_95 {strides = array<i32>} : memref<128x128xf32, #tpu.memory_space<vmem>>, vector<1x16xf32>,
      %broadcast_in_dim3A_96 = arith.constant 0.000000e+00 : f32
      %broadcast_in_dim3A_97 = vector.broadcast %broadcast_in_dim3A_96 : f32 to vector<16xf32>
      %swap3A_98 = arith.index_cast %scan3A_55 : i32 to index
      %swap3A_99 = arith.constant 96 : index
      %swap3A_100 = tpu.vector_load %arg10[%swap3A_98, %swap3A_99] {strides = array<i32>} : memref<128x128xf32, #tpu.memory_space<vmem>>, vector<1x16xf32>,
      %swap3A_101 = vector.shape_cast %swap3A_100 : vector<1x16xf32> to vector<16xf32>
      %swap3A_102 = vector.shape_cast %broadcast_in_dim3A_97 : vector<16xf32> to vector<1x16xf32>
      tpu.vector_store %arg10[%swap3A_98, %swap3A_99], %swap3A_102 {strides = array<i32>} : memref<128x128xf32, #tpu.memory_space<vmem>>, vector<1x16xf32>,
      %broadcast_in_dim3A_103 = arith.constant 0.000000e+00 : f32
      %broadcast_in_dim3A_104 = vector.broadcast %broadcast_in_dim3A_103 : f32 to vector<16xf32>
      %swap3A_105 = arith.index_cast %scan3A_55 : i32 to index
      %swap3A_106 = arith.constant 112 : index
      %swap3A_107 = tpu.vector_load %arg10[%swap3A_105, %swap3A_106] {strides = array<i32>} : memref<128x128xf32, #tpu.memory_space<vmem>>, vector<1x16xf32>,
      %swap3A_108 = vector.shape_cast %swap3A_107 : vector<1x16xf32> to vector<16xf32>
      %swap3A_109 = vector.shape_cast %broadcast_in_dim3A_104 : vector<16xf32> to vector<1x16xf32>
      tpu.vector_store %arg10[%swap3A_105, %swap3A_106], %swap3A_109 {strides = array<i32>} : memref<128x128xf32, #tpu.memory_space<vmem>>, vector<1x16xf32>,
    }
    %scan3A_5 = arith.constant 128 : i32
    %scan3A_6 = arith.constant 0 : i32
    %scan3A_7 = arith.constant 0 : i32
    %scan3A_8 = arith.constant 5 : i32
    %scan3A_9 = arith.addi %scan3A_7, %scan3A_8 : i32
    %scan3A_10 = arith.constant 1 : i32
    scf.for %scan3A_55 = %scan3A_7 to %scan3A_9 step %scan3A_10  : i32 {
      %mul3A_56 = arith.constant 640 : i32
      %mul3A_57 = arith.muli %arg1, %mul3A_56 : i32
      %mul3A_58 = arith.constant 128 : i32
      %mul3A_59 = arith.muli %scan3A_55, %mul3A_58 : i32
      %add3A_60 = arith.addi %mul3A_57, %mul3A_59 : i32
      "tpu.region"() ({
        %run_scoped3A = tpu.sem_alloc : memref<!tpu.dma_semaphore, #tpu.memory_space<semaphore_mem>>
        %dma_start3A_61 = arith.constant 0 : i32
        %dma_start3A_62 = tpu.memref_slice %arg12[%add3A_60, %dma_start3A_61] : memref<10240x128xf32, #tpu.memory_space<vmem_shared>> -> memref<128x128xf32, #tpu.memory_space<vmem_shared>>
        %dma_start3A_63 = arith.constant 0 : i32
        %dma_start3A_64 = tpu.memref_slice %arg12[%add3A_60, %dma_start3A_63] : memref<10240x128xf32, #tpu.memory_space<vmem_shared>> -> memref<128x128xf32, #tpu.memory_space<vmem_shared>>
        tpu.enqueue_dma source(%arg10 : memref<128x128xf32, #tpu.memory_space<vmem>>) target(%dma_start3A_64 : memref<128x128xf32, #tpu.memory_space<vmem_shared>>) target_semaphore(%run_scoped3A : memref<!tpu.dma_semaphore, #tpu.memory_space<semaphore_mem>>)
        %dma_wait3A_65 = arith.constant 0 : i32
        %dma_wait3A_66 = tpu.memref_slice %arg12[%add3A_60, %dma_wait3A_65] : memref<10240x128xf32, #tpu.memory_space<vmem_shared>> -> memref<128x128xf32, #tpu.memory_space<vmem_shared>>
        %dma_wait3A_67 = arith.constant 0 : i32
        %dma_wait3A_68 = tpu.memref_slice %arg12[%add3A_60, %dma_wait3A_67] : memref<10240x128xf32, #tpu.memory_space<vmem_shared>> -> memref<128x128xf32, #tpu.memory_space<vmem_shared>>
        tpu.wait_dma2 semaphore(%run_scoped3A : memref<!tpu.dma_semaphore, #tpu.memory_space<semaphore_mem>>) src(%arg10 : memref<128x128xf32, #tpu.memory_space<vmem>>) dst(%dma_wait3A_68 : memref<128x128xf32, #tpu.memory_space<vmem_shared>>)
        tpu.yield
      }) : () -> ()
    }
    %scan3A_11 = arith.constant 5 : i32
    %barrier3A = arith.constant 0 : index
    tpu.barrier barrier_id(%barrier3A)
    %eq3A = arith.constant 0 : i32
    %eq3A_12 = arith.cmpi eq, %arg0, %eq3A : i32
    %mul3A_13 = arith.constant 48 : i32
    %mul3A_14 = arith.muli %arg1, %mul3A_13 : i32
    %mul3A_15 = arith.constant 112 : i32
    %mul3A_16 = arith.muli %arg1, %mul3A_15 : i32
    %add3A_17 = arith.constant 768 : i32
    %add3A_18 = arith.addi %add3A_17, %mul3A_16 : i32
    %select_n3A = arith.select %eq3A_12, %mul3A_14, %add3A_18 : i32
    %eq3A_19 = arith.constant 0 : i32
    %eq3A_20 = arith.cmpi eq, %arg0, %eq3A_19 : i32
    %jit3A = arith.constant 24 : i32
    %jit3A_21 = arith.constant 56 : i32
    %select_n3A_22 = arith.select %eq3A_20, %jit3A, %jit3A_21 : i32
    %add3A_23 = arith.constant 0 : i32
    %add3A_24 = arith.addi %select_n3A, %add3A_23 : i32
    "tpu.region"() ({
      %run_scoped3A = tpu.sem_alloc : memref<!tpu.dma_semaphore, #tpu.memory_space<semaphore_mem>>
      %dma_start3A_55 = arith.constant 0 : i32
      %dma_start3A_56 = tpu.memref_slice %arg3[%add3A_24, %dma_start3A_55] : memref<2560x128xi32, #tpu.memory_space<hbm>> -> memref<1x128xi32, #tpu.memory_space<hbm>>
      %dma_start3A_57 = tpu.memref_squeeze %dma_start3A_56 : memref<1x128xi32, #tpu.memory_space<hbm>> -> memref<128xi32, #tpu.memory_space<hbm>>
      %dma_start3A_58 = arith.constant 0 : i32
      %dma_start3A_59 = tpu.memref_slice %arg3[%add3A_24, %dma_start3A_58] : memref<2560x128xi32, #tpu.memory_space<hbm>> -> memref<1x128xi32, #tpu.memory_space<hbm>>
      %dma_start3A_60 = tpu.memref_squeeze %dma_start3A_59 : memref<1x128xi32, #tpu.memory_space<hbm>> -> memref<128xi32, #tpu.memory_space<hbm>>
      tpu.enqueue_dma source(%dma_start3A_60 : memref<128xi32, #tpu.memory_space<hbm>>) target(%arg6 : memref<128xi32, #tpu.memory_space<vmem>>) target_semaphore(%run_scoped3A : memref<!tpu.dma_semaphore, #tpu.memory_space<semaphore_mem>>)
      %dma_wait3A_61 = arith.constant 0 : i32
      %dma_wait3A_62 = tpu.memref_slice %arg3[%add3A_24, %dma_wait3A_61] : memref<2560x128xi32, #tpu.memory_space<hbm>> -> memref<1x128xi32, #tpu.memory_space<hbm>>
      %dma_wait3A_63 = tpu.memref_squeeze %dma_wait3A_62 : memref<1x128xi32, #tpu.memory_space<hbm>> -> memref<128xi32, #tpu.memory_space<hbm>>
      %dma_wait3A_64 = arith.constant 0 : i32
      %dma_wait3A_65 = tpu.memref_slice %arg3[%add3A_24, %dma_wait3A_64] : memref<2560x128xi32, #tpu.memory_space<hbm>> -> memref<1x128xi32, #tpu.memory_space<hbm>>
      %dma_wait3A_66 = tpu.memref_squeeze %dma_wait3A_65 : memref<1x128xi32, #tpu.memory_space<hbm>> -> memref<128xi32, #tpu.memory_space<hbm>>
      tpu.wait_dma2 semaphore(%run_scoped3A : memref<!tpu.dma_semaphore, #tpu.memory_space<semaphore_mem>>) src(%dma_wait3A_66 : memref<128xi32, #tpu.memory_space<hbm>>) dst(%arg6 : memref<128xi32, #tpu.memory_space<vmem>>)
      tpu.yield
    }) : () -> ()
    %add3A_25 = arith.constant 0 : i32
    %add3A_26 = arith.addi %select_n3A, %add3A_25 : i32
    "tpu.region"() ({
      %run_scoped3A = tpu.sem_alloc : memref<!tpu.dma_semaphore, #tpu.memory_space<semaphore_mem>>
      %dma_start3A_55 = arith.constant 0 : i32
      %dma_start3A_56 = tpu.memref_slice %arg4[%add3A_26, %dma_start3A_55] : memref<2560x128xi32, #tpu.memory_space<hbm>> -> memref<1x128xi32, #tpu.memory_space<hbm>>
      %dma_start3A_57 = tpu.memref_squeeze %dma_start3A_56 : memref<1x128xi32, #tpu.memory_space<hbm>> -> memref<128xi32, #tpu.memory_space<hbm>>
      %dma_start3A_58 = arith.constant 0 : i32
      %dma_start3A_59 = tpu.memref_slice %arg4[%add3A_26, %dma_start3A_58] : memref<2560x128xi32, #tpu.memory_space<hbm>> -> memref<1x128xi32, #tpu.memory_space<hbm>>
      %dma_start3A_60 = tpu.memref_squeeze %dma_start3A_59 : memref<1x128xi32, #tpu.memory_space<hbm>> -> memref<128xi32, #tpu.memory_space<hbm>>
      tpu.enqueue_dma source(%dma_start3A_60 : memref<128xi32, #tpu.memory_space<hbm>>) target(%arg7 : memref<128xi32, #tpu.memory_space<vmem>>) target_semaphore(%run_scoped3A : memref<!tpu.dma_semaphore, #tpu.memory_space<semaphore_mem>>)
      %dma_wait3A_61 = arith.constant 0 : i32
      %dma_wait3A_62 = tpu.memref_slice %arg4[%add3A_26, %dma_wait3A_61] : memref<2560x128xi32, #tpu.memory_space<hbm>> -> memref<1x128xi32, #tpu.memory_space<hbm>>
      %dma_wait3A_63 = tpu.memref_squeeze %dma_wait3A_62 : memref<1x128xi32, #tpu.memory_space<hbm>> -> memref<128xi32, #tpu.memory_space<hbm>>
      %dma_wait3A_64 = arith.constant 0 : i32
      %dma_wait3A_65 = tpu.memref_slice %arg4[%add3A_26, %dma_wait3A_64] : memref<2560x128xi32, #tpu.memory_space<hbm>> -> memref<1x128xi32, #tpu.memory_space<hbm>>
      %dma_wait3A_66 = tpu.memref_squeeze %dma_wait3A_65 : memref<1x128xi32, #tpu.memory_space<hbm>> -> memref<128xi32, #tpu.memory_space<hbm>>
      tpu.wait_dma2 semaphore(%run_scoped3A : memref<!tpu.dma_semaphore, #tpu.memory_space<semaphore_mem>>) src(%dma_wait3A_66 : memref<128xi32, #tpu.memory_space<hbm>>) dst(%arg7 : memref<128xi32, #tpu.memory_space<vmem>>)
      tpu.yield
    }) : () -> ()
    %dma_start3A = arith.constant 0 : i32
    %dma_start3A_27 = arith.constant 0 : i32
    %dma_start3A_28 = tpu.memref_slice %arg2[%dma_start3A, %dma_start3A_27] : memref<10240x128xf32, #tpu.memory_space<hbm>> -> memref<10240x128xf32, #tpu.memory_space<hbm>>
    tpu.enqueue_indirect_dma source(%dma_start3A_28 : memref<10240x128xf32, #tpu.memory_space<hbm>>) target(%arg10 : memref<128x128xf32, #tpu.memory_space<vmem>>) offsets(%arg6 : memref<128xi32, #tpu.memory_space<vmem>>) semaphore(%arg13 : memref<!tpu.dma_semaphore, #tpu.memory_space<semaphore_mem>>)
    %add3A_29 = arith.constant 1 : i32
    %add3A_30 = arith.addi %select_n3A, %add3A_29 : i32
    "tpu.region"() ({
      %run_scoped3A = tpu.sem_alloc : memref<!tpu.dma_semaphore, #tpu.memory_space<semaphore_mem>>
      %dma_start3A_55 = arith.constant 0 : i32
      %dma_start3A_56 = tpu.memref_slice %arg3[%add3A_30, %dma_start3A_55] : memref<2560x128xi32, #tpu.memory_space<hbm>> -> memref<1x128xi32, #tpu.memory_space<hbm>>
      %dma_start3A_57 = tpu.memref_squeeze %dma_start3A_56 : memref<1x128xi32, #tpu.memory_space<hbm>> -> memref<128xi32, #tpu.memory_space<hbm>>
      %dma_start3A_58 = arith.constant 0 : i32
      %dma_start3A_59 = tpu.memref_slice %arg3[%add3A_30, %dma_start3A_58] : memref<2560x128xi32, #tpu.memory_space<hbm>> -> memref<1x128xi32, #tpu.memory_space<hbm>>
      %dma_start3A_60 = tpu.memref_squeeze %dma_start3A_59 : memref<1x128xi32, #tpu.memory_space<hbm>> -> memref<128xi32, #tpu.memory_space<hbm>>
      tpu.enqueue_dma source(%dma_start3A_60 : memref<128xi32, #tpu.memory_space<hbm>>) target(%arg8 : memref<128xi32, #tpu.memory_space<vmem>>) target_semaphore(%run_scoped3A : memref<!tpu.dma_semaphore, #tpu.memory_space<semaphore_mem>>)
      %dma_wait3A_61 = arith.constant 0 : i32
      %dma_wait3A_62 = tpu.memref_slice %arg3[%add3A_30, %dma_wait3A_61] : memref<2560x128xi32, #tpu.memory_space<hbm>> -> memref<1x128xi32, #tpu.memory_space<hbm>>
      %dma_wait3A_63 = tpu.memref_squeeze %dma_wait3A_62 : memref<1x128xi32, #tpu.memory_space<hbm>> -> memref<128xi32, #tpu.memory_space<hbm>>
      %dma_wait3A_64 = arith.constant 0 : i32
      %dma_wait3A_65 = tpu.memref_slice %arg3[%add3A_30, %dma_wait3A_64] : memref<2560x128xi32, #tpu.memory_space<hbm>> -> memref<1x128xi32, #tpu.memory_space<hbm>>
      %dma_wait3A_66 = tpu.memref_squeeze %dma_wait3A_65 : memref<1x128xi32, #tpu.memory_space<hbm>> -> memref<128xi32, #tpu.memory_space<hbm>>
      tpu.wait_dma2 semaphore(%run_scoped3A : memref<!tpu.dma_semaphore, #tpu.memory_space<semaphore_mem>>) src(%dma_wait3A_66 : memref<128xi32, #tpu.memory_space<hbm>>) dst(%arg8 : memref<128xi32, #tpu.memory_space<vmem>>)
      tpu.yield
    }) : () -> ()
    %add3A_31 = arith.constant 1 : i32
    %add3A_32 = arith.addi %select_n3A, %add3A_31 : i32
    "tpu.region"() ({
      %run_scoped3A = tpu.sem_alloc : memref<!tpu.dma_semaphore, #tpu.memory_space<semaphore_mem>>
      %dma_start3A_55 = arith.constant 0 : i32
      %dma_start3A_56 = tpu.memref_slice %arg4[%add3A_32, %dma_start3A_55] : memref<2560x128xi32, #tpu.memory_space<hbm>> -> memref<1x128xi32, #tpu.memory_space<hbm>>
      %dma_start3A_57 = tpu.memref_squeeze %dma_start3A_56 : memref<1x128xi32, #tpu.memory_space<hbm>> -> memref<128xi32, #tpu.memory_space<hbm>>
      %dma_start3A_58 = arith.constant 0 : i32
      %dma_start3A_59 = tpu.memref_slice %arg4[%add3A_32, %dma_start3A_58] : memref<2560x128xi32, #tpu.memory_space<hbm>> -> memref<1x128xi32, #tpu.memory_space<hbm>>
      %dma_start3A_60 = tpu.memref_squeeze %dma_start3A_59 : memref<1x128xi32, #tpu.memory_space<hbm>> -> memref<128xi32, #tpu.memory_space<hbm>>
      tpu.enqueue_dma source(%dma_start3A_60 : memref<128xi32, #tpu.memory_space<hbm>>) target(%arg9 : memref<128xi32, #tpu.memory_space<vmem>>) target_semaphore(%run_scoped3A : memref<!tpu.dma_semaphore, #tpu.memory_space<semaphore_mem>>)
      %dma_wait3A_61 = arith.constant 0 : i32
      %dma_wait3A_62 = tpu.memref_slice %arg4[%add3A_32, %dma_wait3A_61] : memref<2560x128xi32, #tpu.memory_space<hbm>> -> memref<1x128xi32, #tpu.memory_space<hbm>>
      %dma_wait3A_63 = tpu.memref_squeeze %dma_wait3A_62 : memref<1x128xi32, #tpu.memory_space<hbm>> -> memref<128xi32, #tpu.memory_space<hbm>>
      %dma_wait3A_64 = arith.constant 0 : i32
      %dma_wait3A_65 = tpu.memref_slice %arg4[%add3A_32, %dma_wait3A_64] : memref<2560x128xi32, #tpu.memory_space<hbm>> -> memref<1x128xi32, #tpu.memory_space<hbm>>
      %dma_wait3A_66 = tpu.memref_squeeze %dma_wait3A_65 : memref<1x128xi32, #tpu.memory_space<hbm>> -> memref<128xi32, #tpu.memory_space<hbm>>
      tpu.wait_dma2 semaphore(%run_scoped3A : memref<!tpu.dma_semaphore, #tpu.memory_space<semaphore_mem>>) src(%dma_wait3A_66 : memref<128xi32, #tpu.memory_space<hbm>>) dst(%arg9 : memref<128xi32, #tpu.memory_space<vmem>>)
      tpu.yield
    }) : () -> ()
    %dma_start3A_33 = arith.constant 0 : i32
    %dma_start3A_34 = arith.constant 0 : i32
    %dma_start3A_35 = tpu.memref_slice %arg2[%dma_start3A_33, %dma_start3A_34] : memref<10240x128xf32, #tpu.memory_space<hbm>> -> memref<10240x128xf32, #tpu.memory_space<hbm>>
    tpu.enqueue_indirect_dma source(%dma_start3A_35 : memref<10240x128xf32, #tpu.memory_space<hbm>>) target(%arg11 : memref<128x128xf32, #tpu.memory_space<vmem>>) offsets(%arg8 : memref<128xi32, #tpu.memory_space<vmem>>) semaphore(%arg14 : memref<!tpu.dma_semaphore, #tpu.memory_space<semaphore_mem>>)
    %while3A = arith.constant 0 : i32
    %while3A_36 = arith.constant 0 : i32
    %while3A_37 = arith.subi %select_n3A_22, %while3A_36 : i32
    %while3A_38 = arith.addi %while3A_36, %while3A_37 : i32
    %while3A_39 = arith.constant 1 : i32
    %while3A_40 = arith.divsi %while3A_37, %while3A_39 : i32
    %while3A_41 = arith.muli %while3A_40, %while3A_39 : i32
    %while3A_42 = arith.addi %while3A_36, %while3A_41 : i32
    %while3A_43 = arith.constant 1 : i32
    scf.for %while3A_55 = %while3A_36 to %while3A_42 step %while3A_43  : i32 {
      %dma_wait3A_56 = arith.constant 0 : i32
      %dma_wait3A_57 = arith.constant 0 : i32
      %dma_wait3A_58 = tpu.memref_slice %arg2[%dma_wait3A_56, %dma_wait3A_57] : memref<10240x128xf32, #tpu.memory_space<hbm>> -> memref<10240x128xf32, #tpu.memory_space<hbm>>
      tpu.wait_indirect_dma semaphore(%arg13 : memref<!tpu.dma_semaphore, #tpu.memory_space<semaphore_mem>>) src(%dma_wait3A_58 : memref<10240x128xf32, #tpu.memory_space<hbm>>) dst(%arg10 : memref<128x128xf32, #tpu.memory_space<vmem>>)
      %dma_start3A_59 = arith.constant 0 : i32
      %dma_start3A_60 = arith.constant 0 : i32
      %dma_start3A_61 = tpu.memref_slice %arg12[%dma_start3A_59, %dma_start3A_60] : memref<10240x128xf32, #tpu.memory_space<vmem_shared>> -> memref<10240x128xf32, #tpu.memory_space<vmem_shared>>
      tpu.enqueue_indirect_dma source(%arg10 : memref<128x128xf32, #tpu.memory_space<vmem>>) target(%dma_start3A_61 : memref<10240x128xf32, #tpu.memory_space<vmem_shared>>) offsets(%arg7 : memref<128xi32, #tpu.memory_space<vmem>>) semaphore(%arg15 : memref<!tpu.dma_semaphore, #tpu.memory_space<semaphore_mem>>) {add = true}
      %dma_wait3A_62 = arith.constant 0 : i32
      %dma_wait3A_63 = arith.constant 0 : i32
      %dma_wait3A_64 = tpu.memref_slice %arg2[%dma_wait3A_62, %dma_wait3A_63] : memref<10240x128xf32, #tpu.memory_space<hbm>> -> memref<10240x128xf32, #tpu.memory_space<hbm>>
      tpu.wait_indirect_dma semaphore(%arg14 : memref<!tpu.dma_semaphore, #tpu.memory_space<semaphore_mem>>) src(%dma_wait3A_64 : memref<10240x128xf32, #tpu.memory_space<hbm>>) dst(%arg11 : memref<128x128xf32, #tpu.memory_space<vmem>>)
      %dma_start3A_65 = arith.constant 0 : i32
      %dma_start3A_66 = arith.constant 0 : i32
      %dma_start3A_67 = tpu.memref_slice %arg12[%dma_start3A_65, %dma_start3A_66] : memref<10240x128xf32, #tpu.memory_space<vmem_shared>> -> memref<10240x128xf32, #tpu.memory_space<vmem_shared>>
      tpu.enqueue_indirect_dma source(%arg11 : memref<128x128xf32, #tpu.memory_space<vmem>>) target(%dma_start3A_67 : memref<10240x128xf32, #tpu.memory_space<vmem_shared>>) offsets(%arg9 : memref<128xi32, #tpu.memory_space<vmem>>) semaphore(%arg16 : memref<!tpu.dma_semaphore, #tpu.memory_space<semaphore_mem>>) {add = true}
      %sub3A = arith.constant 1 : i32
      %sub3A_68 = arith.subi %select_n3A_22, %sub3A : i32
      %lt3A = arith.cmpi slt, %while3A_55, %sub3A_68 : i32
      %convert_element_type3A = arith.extui %lt3A : i1 to i32
      %cond3A = arith.constant 0 : i32
      %cond3A_69 = arith.cmpi ne, %convert_element_type3A, %cond3A : i32
      scf.if %cond3A_69 {
        %dma_wait3A_70 = arith.constant 0 : i32
        %dma_wait3A_71 = arith.constant 0 : i32
        %dma_wait3A_72 = tpu.memref_slice %arg12[%dma_wait3A_70, %dma_wait3A_71] : memref<10240x128xf32, #tpu.memory_space<vmem_shared>> -> memref<10240x128xf32, #tpu.memory_space<vmem_shared>>
        tpu.wait_indirect_dma semaphore(%arg15 : memref<!tpu.dma_semaphore, #tpu.memory_space<semaphore_mem>>) src(%arg10 : memref<128x128xf32, #tpu.memory_space<vmem>>) dst(%dma_wait3A_72 : memref<10240x128xf32, #tpu.memory_space<vmem_shared>>)
        %mul3A_73 = arith.constant 2 : i32
        %mul3A_74 = arith.muli %mul3A_73, %while3A_55 : i32
        %add3A_75 = arith.constant 2 : i32
        %add3A_76 = arith.addi %mul3A_74, %add3A_75 : i32
        %add3A_77 = arith.addi %select_n3A, %add3A_76 : i32
        "tpu.region"() ({
          %run_scoped3A = tpu.sem_alloc : memref<!tpu.dma_semaphore, #tpu.memory_space<semaphore_mem>>
          %dma_start3A_94 = arith.constant 0 : i32
          %dma_start3A_95 = tpu.memref_slice %arg3[%add3A_77, %dma_start3A_94] : memref<2560x128xi32, #tpu.memory_space<hbm>> -> memref<1x128xi32, #tpu.memory_space<hbm>>
          %dma_start3A_96 = tpu.memref_squeeze %dma_start3A_95 : memref<1x128xi32, #tpu.memory_space<hbm>> -> memref<128xi32, #tpu.memory_space<hbm>>
          %dma_start3A_97 = arith.constant 0 : i32
          %dma_start3A_98 = tpu.memref_slice %arg3[%add3A_77, %dma_start3A_97] : memref<2560x128xi32, #tpu.memory_space<hbm>> -> memref<1x128xi32, #tpu.memory_space<hbm>>
          %dma_start3A_99 = tpu.memref_squeeze %dma_start3A_98 : memref<1x128xi32, #tpu.memory_space<hbm>> -> memref<128xi32, #tpu.memory_space<hbm>>
          tpu.enqueue_dma source(%dma_start3A_99 : memref<128xi32, #tpu.memory_space<hbm>>) target(%arg6 : memref<128xi32, #tpu.memory_space<vmem>>) target_semaphore(%run_scoped3A : memref<!tpu.dma_semaphore, #tpu.memory_space<semaphore_mem>>)
          %dma_wait3A_100 = arith.constant 0 : i32
          %dma_wait3A_101 = tpu.memref_slice %arg3[%add3A_77, %dma_wait3A_100] : memref<2560x128xi32, #tpu.memory_space<hbm>> -> memref<1x128xi32, #tpu.memory_space<hbm>>
          %dma_wait3A_102 = tpu.memref_squeeze %dma_wait3A_101 : memref<1x128xi32, #tpu.memory_space<hbm>> -> memref<128xi32, #tpu.memory_space<hbm>>
          %dma_wait3A_103 = arith.constant 0 : i32
          %dma_wait3A_104 = tpu.memref_slice %arg3[%add3A_77, %dma_wait3A_103] : memref<2560x128xi32, #tpu.memory_space<hbm>> -> memref<1x128xi32, #tpu.memory_space<hbm>>
          %dma_wait3A_105 = tpu.memref_squeeze %dma_wait3A_104 : memref<1x128xi32, #tpu.memory_space<hbm>> -> memref<128xi32, #tpu.memory_space<hbm>>
          tpu.wait_dma2 semaphore(%run_scoped3A : memref<!tpu.dma_semaphore, #tpu.memory_space<semaphore_mem>>) src(%dma_wait3A_105 : memref<128xi32, #tpu.memory_space<hbm>>) dst(%arg6 : memref<128xi32, #tpu.memory_space<vmem>>)
          tpu.yield
        }) : () -> ()
        %add3A_78 = arith.addi %select_n3A, %add3A_76 : i32
        "tpu.region"() ({
          %run_scoped3A = tpu.sem_alloc : memref<!tpu.dma_semaphore, #tpu.memory_space<semaphore_mem>>
          %dma_start3A_94 = arith.constant 0 : i32
          %dma_start3A_95 = tpu.memref_slice %arg4[%add3A_78, %dma_start3A_94] : memref<2560x128xi32, #tpu.memory_space<hbm>> -> memref<1x128xi32, #tpu.memory_space<hbm>>
          %dma_start3A_96 = tpu.memref_squeeze %dma_start3A_95 : memref<1x128xi32, #tpu.memory_space<hbm>> -> memref<128xi32, #tpu.memory_space<hbm>>
          %dma_start3A_97 = arith.constant 0 : i32
          %dma_start3A_98 = tpu.memref_slice %arg4[%add3A_78, %dma_start3A_97] : memref<2560x128xi32, #tpu.memory_space<hbm>> -> memref<1x128xi32, #tpu.memory_space<hbm>>
          %dma_start3A_99 = tpu.memref_squeeze %dma_start3A_98 : memref<1x128xi32, #tpu.memory_space<hbm>> -> memref<128xi32, #tpu.memory_space<hbm>>
          tpu.enqueue_dma source(%dma_start3A_99 : memref<128xi32, #tpu.memory_space<hbm>>) target(%arg7 : memref<128xi32, #tpu.memory_space<vmem>>) target_semaphore(%run_scoped3A : memref<!tpu.dma_semaphore, #tpu.memory_space<semaphore_mem>>)
          %dma_wait3A_100 = arith.constant 0 : i32
          %dma_wait3A_101 = tpu.memref_slice %arg4[%add3A_78, %dma_wait3A_100] : memref<2560x128xi32, #tpu.memory_space<hbm>> -> memref<1x128xi32, #tpu.memory_space<hbm>>
          %dma_wait3A_102 = tpu.memref_squeeze %dma_wait3A_101 : memref<1x128xi32, #tpu.memory_space<hbm>> -> memref<128xi32, #tpu.memory_space<hbm>>
          %dma_wait3A_103 = arith.constant 0 : i32
          %dma_wait3A_104 = tpu.memref_slice %arg4[%add3A_78, %dma_wait3A_103] : memref<2560x128xi32, #tpu.memory_space<hbm>> -> memref<1x128xi32, #tpu.memory_space<hbm>>
          %dma_wait3A_105 = tpu.memref_squeeze %dma_wait3A_104 : memref<1x128xi32, #tpu.memory_space<hbm>> -> memref<128xi32, #tpu.memory_space<hbm>>
          tpu.wait_dma2 semaphore(%run_scoped3A : memref<!tpu.dma_semaphore, #tpu.memory_space<semaphore_mem>>) src(%dma_wait3A_105 : memref<128xi32, #tpu.memory_space<hbm>>) dst(%arg7 : memref<128xi32, #tpu.memory_space<vmem>>)
          tpu.yield
        }) : () -> ()
        %dma_start3A_79 = arith.constant 0 : i32
        %dma_start3A_80 = arith.constant 0 : i32
        %dma_start3A_81 = tpu.memref_slice %arg2[%dma_start3A_79, %dma_start3A_80] : memref<10240x128xf32, #tpu.memory_space<hbm>> -> memref<10240x128xf32, #tpu.memory_space<hbm>>
        tpu.enqueue_indirect_dma source(%dma_start3A_81 : memref<10240x128xf32, #tpu.memory_space<hbm>>) target(%arg10 : memref<128x128xf32, #tpu.memory_space<vmem>>) offsets(%arg6 : memref<128xi32, #tpu.memory_space<vmem>>) semaphore(%arg13 : memref<!tpu.dma_semaphore, #tpu.memory_space<semaphore_mem>>)
        %dma_wait3A_82 = arith.constant 0 : i32
        %dma_wait3A_83 = arith.constant 0 : i32
        %dma_wait3A_84 = tpu.memref_slice %arg12[%dma_wait3A_82, %dma_wait3A_83] : memref<10240x128xf32, #tpu.memory_space<vmem_shared>> -> memref<10240x128xf32, #tpu.memory_space<vmem_shared>>
        tpu.wait_indirect_dma semaphore(%arg16 : memref<!tpu.dma_semaphore, #tpu.memory_space<semaphore_mem>>) src(%arg11 : memref<128x128xf32, #tpu.memory_space<vmem>>) dst(%dma_wait3A_84 : memref<10240x128xf32, #tpu.memory_space<vmem_shared>>)
        %mul3A_85 = arith.constant 2 : i32
        %mul3A_86 = arith.muli %mul3A_85, %while3A_55 : i32
        %add3A_87 = arith.constant 3 : i32
        %add3A_88 = arith.addi %mul3A_86, %add3A_87 : i32
        %add3A_89 = arith.addi %select_n3A, %add3A_88 : i32
        "tpu.region"() ({
          %run_scoped3A = tpu.sem_alloc : memref<!tpu.dma_semaphore, #tpu.memory_space<semaphore_mem>>
          %dma_start3A_94 = arith.constant 0 : i32
          %dma_start3A_95 = tpu.memref_slice %arg3[%add3A_89, %dma_start3A_94] : memref<2560x128xi32, #tpu.memory_space<hbm>> -> memref<1x128xi32, #tpu.memory_space<hbm>>
          %dma_start3A_96 = tpu.memref_squeeze %dma_start3A_95 : memref<1x128xi32, #tpu.memory_space<hbm>> -> memref<128xi32, #tpu.memory_space<hbm>>
          %dma_start3A_97 = arith.constant 0 : i32
          %dma_start3A_98 = tpu.memref_slice %arg3[%add3A_89, %dma_start3A_97] : memref<2560x128xi32, #tpu.memory_space<hbm>> -> memref<1x128xi32, #tpu.memory_space<hbm>>
          %dma_start3A_99 = tpu.memref_squeeze %dma_start3A_98 : memref<1x128xi32, #tpu.memory_space<hbm>> -> memref<128xi32, #tpu.memory_space<hbm>>
          tpu.enqueue_dma source(%dma_start3A_99 : memref<128xi32, #tpu.memory_space<hbm>>) target(%arg8 : memref<128xi32, #tpu.memory_space<vmem>>) target_semaphore(%run_scoped3A : memref<!tpu.dma_semaphore, #tpu.memory_space<semaphore_mem>>)
          %dma_wait3A_100 = arith.constant 0 : i32
          %dma_wait3A_101 = tpu.memref_slice %arg3[%add3A_89, %dma_wait3A_100] : memref<2560x128xi32, #tpu.memory_space<hbm>> -> memref<1x128xi32, #tpu.memory_space<hbm>>
          %dma_wait3A_102 = tpu.memref_squeeze %dma_wait3A_101 : memref<1x128xi32, #tpu.memory_space<hbm>> -> memref<128xi32, #tpu.memory_space<hbm>>
          %dma_wait3A_103 = arith.constant 0 : i32
          %dma_wait3A_104 = tpu.memref_slice %arg3[%add3A_89, %dma_wait3A_103] : memref<2560x128xi32, #tpu.memory_space<hbm>> -> memref<1x128xi32, #tpu.memory_space<hbm>>
          %dma_wait3A_105 = tpu.memref_squeeze %dma_wait3A_104 : memref<1x128xi32, #tpu.memory_space<hbm>> -> memref<128xi32, #tpu.memory_space<hbm>>
          tpu.wait_dma2 semaphore(%run_scoped3A : memref<!tpu.dma_semaphore, #tpu.memory_space<semaphore_mem>>) src(%dma_wait3A_105 : memref<128xi32, #tpu.memory_space<hbm>>) dst(%arg8 : memref<128xi32, #tpu.memory_space<vmem>>)
          tpu.yield
        }) : () -> ()
        %add3A_90 = arith.addi %select_n3A, %add3A_88 : i32
        "tpu.region"() ({
          %run_scoped3A = tpu.sem_alloc : memref<!tpu.dma_semaphore, #tpu.memory_space<semaphore_mem>>
          %dma_start3A_94 = arith.constant 0 : i32
          %dma_start3A_95 = tpu.memref_slice %arg4[%add3A_90, %dma_start3A_94] : memref<2560x128xi32, #tpu.memory_space<hbm>> -> memref<1x128xi32, #tpu.memory_space<hbm>>
          %dma_start3A_96 = tpu.memref_squeeze %dma_start3A_95 : memref<1x128xi32, #tpu.memory_space<hbm>> -> memref<128xi32, #tpu.memory_space<hbm>>
          %dma_start3A_97 = arith.constant 0 : i32
          %dma_start3A_98 = tpu.memref_slice %arg4[%add3A_90, %dma_start3A_97] : memref<2560x128xi32, #tpu.memory_space<hbm>> -> memref<1x128xi32, #tpu.memory_space<hbm>>
          %dma_start3A_99 = tpu.memref_squeeze %dma_start3A_98 : memref<1x128xi32, #tpu.memory_space<hbm>> -> memref<128xi32, #tpu.memory_space<hbm>>
          tpu.enqueue_dma source(%dma_start3A_99 : memref<128xi32, #tpu.memory_space<hbm>>) target(%arg9 : memref<128xi32, #tpu.memory_space<vmem>>) target_semaphore(%run_scoped3A : memref<!tpu.dma_semaphore, #tpu.memory_space<semaphore_mem>>)
          %dma_wait3A_100 = arith.constant 0 : i32
          %dma_wait3A_101 = tpu.memref_slice %arg4[%add3A_90, %dma_wait3A_100] : memref<2560x128xi32, #tpu.memory_space<hbm>> -> memref<1x128xi32, #tpu.memory_space<hbm>>
          %dma_wait3A_102 = tpu.memref_squeeze %dma_wait3A_101 : memref<1x128xi32, #tpu.memory_space<hbm>> -> memref<128xi32, #tpu.memory_space<hbm>>
          %dma_wait3A_103 = arith.constant 0 : i32
          %dma_wait3A_104 = tpu.memref_slice %arg4[%add3A_90, %dma_wait3A_103] : memref<2560x128xi32, #tpu.memory_space<hbm>> -> memref<1x128xi32, #tpu.memory_space<hbm>>
          %dma_wait3A_105 = tpu.memref_squeeze %dma_wait3A_104 : memref<1x128xi32, #tpu.memory_space<hbm>> -> memref<128xi32, #tpu.memory_space<hbm>>
          tpu.wait_dma2 semaphore(%run_scoped3A : memref<!tpu.dma_semaphore, #tpu.memory_space<semaphore_mem>>) src(%dma_wait3A_105 : memref<128xi32, #tpu.memory_space<hbm>>) dst(%arg9 : memref<128xi32, #tpu.memory_space<vmem>>)
          tpu.yield
        }) : () -> ()
        %dma_start3A_91 = arith.constant 0 : i32
        %dma_start3A_92 = arith.constant 0 : i32
        %dma_start3A_93 = tpu.memref_slice %arg2[%dma_start3A_91, %dma_start3A_92] : memref<10240x128xf32, #tpu.memory_space<hbm>> -> memref<10240x128xf32, #tpu.memory_space<hbm>>
        tpu.enqueue_indirect_dma source(%dma_start3A_93 : memref<10240x128xf32, #tpu.memory_space<hbm>>) target(%arg11 : memref<128x128xf32, #tpu.memory_space<vmem>>) offsets(%arg8 : memref<128xi32, #tpu.memory_space<vmem>>) semaphore(%arg14 : memref<!tpu.dma_semaphore, #tpu.memory_space<semaphore_mem>>)
      } else {
      }
    }
    %while3A_44 = arith.constant 1 : i32
    scf.for %while3A_55 = %while3A_42 to %while3A_38 step %while3A_44  : i32 {
      %dma_wait3A_56 = arith.constant 0 : i32
      %dma_wait3A_57 = arith.constant 0 : i32
      %dma_wait3A_58 = tpu.memref_slice %arg2[%dma_wait3A_56, %dma_wait3A_57] : memref<10240x128xf32, #tpu.memory_space<hbm>> -> memref<10240x128xf32, #tpu.memory_space<hbm>>
      tpu.wait_indirect_dma semaphore(%arg13 : memref<!tpu.dma_semaphore, #tpu.memory_space<semaphore_mem>>) src(%dma_wait3A_58 : memref<10240x128xf32, #tpu.memory_space<hbm>>) dst(%arg10 : memref<128x128xf32, #tpu.memory_space<vmem>>)
      %dma_start3A_59 = arith.constant 0 : i32
      %dma_start3A_60 = arith.constant 0 : i32
      %dma_start3A_61 = tpu.memref_slice %arg12[%dma_start3A_59, %dma_start3A_60] : memref<10240x128xf32, #tpu.memory_space<vmem_shared>> -> memref<10240x128xf32, #tpu.memory_space<vmem_shared>>
      tpu.enqueue_indirect_dma source(%arg10 : memref<128x128xf32, #tpu.memory_space<vmem>>) target(%dma_start3A_61 : memref<10240x128xf32, #tpu.memory_space<vmem_shared>>) offsets(%arg7 : memref<128xi32, #tpu.memory_space<vmem>>) semaphore(%arg15 : memref<!tpu.dma_semaphore, #tpu.memory_space<semaphore_mem>>) {add = true}
      %dma_wait3A_62 = arith.constant 0 : i32
      %dma_wait3A_63 = arith.constant 0 : i32
      %dma_wait3A_64 = tpu.memref_slice %arg2[%dma_wait3A_62, %dma_wait3A_63] : memref<10240x128xf32, #tpu.memory_space<hbm>> -> memref<10240x128xf32, #tpu.memory_space<hbm>>
      tpu.wait_indirect_dma semaphore(%arg14 : memref<!tpu.dma_semaphore, #tpu.memory_space<semaphore_mem>>) src(%dma_wait3A_64 : memref<10240x128xf32, #tpu.memory_space<hbm>>) dst(%arg11 : memref<128x128xf32, #tpu.memory_space<vmem>>)
      %dma_start3A_65 = arith.constant 0 : i32
      %dma_start3A_66 = arith.constant 0 : i32
      %dma_start3A_67 = tpu.memref_slice %arg12[%dma_start3A_65, %dma_start3A_66] : memref<10240x128xf32, #tpu.memory_space<vmem_shared>> -> memref<10240x128xf32, #tpu.memory_space<vmem_shared>>
      tpu.enqueue_indirect_dma source(%arg11 : memref<128x128xf32, #tpu.memory_space<vmem>>) target(%dma_start3A_67 : memref<10240x128xf32, #tpu.memory_space<vmem_shared>>) offsets(%arg9 : memref<128xi32, #tpu.memory_space<vmem>>) semaphore(%arg16 : memref<!tpu.dma_semaphore, #tpu.memory_space<semaphore_mem>>) {add = true}
      %sub3A = arith.constant 1 : i32
      %sub3A_68 = arith.subi %select_n3A_22, %sub3A : i32
      %lt3A = arith.cmpi slt, %while3A_55, %sub3A_68 : i32
      %convert_element_type3A = arith.extui %lt3A : i1 to i32
      %cond3A = arith.constant 0 : i32
      %cond3A_69 = arith.cmpi ne, %convert_element_type3A, %cond3A : i32
      scf.if %cond3A_69 {
        %dma_wait3A_70 = arith.constant 0 : i32
        %dma_wait3A_71 = arith.constant 0 : i32
        %dma_wait3A_72 = tpu.memref_slice %arg12[%dma_wait3A_70, %dma_wait3A_71] : memref<10240x128xf32, #tpu.memory_space<vmem_shared>> -> memref<10240x128xf32, #tpu.memory_space<vmem_shared>>
        tpu.wait_indirect_dma semaphore(%arg15 : memref<!tpu.dma_semaphore, #tpu.memory_space<semaphore_mem>>) src(%arg10 : memref<128x128xf32, #tpu.memory_space<vmem>>) dst(%dma_wait3A_72 : memref<10240x128xf32, #tpu.memory_space<vmem_shared>>)
        %mul3A_73 = arith.constant 2 : i32
        %mul3A_74 = arith.muli %mul3A_73, %while3A_55 : i32
        %add3A_75 = arith.constant 2 : i32
        %add3A_76 = arith.addi %mul3A_74, %add3A_75 : i32
        %add3A_77 = arith.addi %select_n3A, %add3A_76 : i32
        "tpu.region"() ({
          %run_scoped3A = tpu.sem_alloc : memref<!tpu.dma_semaphore, #tpu.memory_space<semaphore_mem>>
          %dma_start3A_94 = arith.constant 0 : i32
          %dma_start3A_95 = tpu.memref_slice %arg3[%add3A_77, %dma_start3A_94] : memref<2560x128xi32, #tpu.memory_space<hbm>> -> memref<1x128xi32, #tpu.memory_space<hbm>>
          %dma_start3A_96 = tpu.memref_squeeze %dma_start3A_95 : memref<1x128xi32, #tpu.memory_space<hbm>> -> memref<128xi32, #tpu.memory_space<hbm>>
          %dma_start3A_97 = arith.constant 0 : i32
          %dma_start3A_98 = tpu.memref_slice %arg3[%add3A_77, %dma_start3A_97] : memref<2560x128xi32, #tpu.memory_space<hbm>> -> memref<1x128xi32, #tpu.memory_space<hbm>>
          %dma_start3A_99 = tpu.memref_squeeze %dma_start3A_98 : memref<1x128xi32, #tpu.memory_space<hbm>> -> memref<128xi32, #tpu.memory_space<hbm>>
          tpu.enqueue_dma source(%dma_start3A_99 : memref<128xi32, #tpu.memory_space<hbm>>) target(%arg6 : memref<128xi32, #tpu.memory_space<vmem>>) target_semaphore(%run_scoped3A : memref<!tpu.dma_semaphore, #tpu.memory_space<semaphore_mem>>)
          %dma_wait3A_100 = arith.constant 0 : i32
          %dma_wait3A_101 = tpu.memref_slice %arg3[%add3A_77, %dma_wait3A_100] : memref<2560x128xi32, #tpu.memory_space<hbm>> -> memref<1x128xi32, #tpu.memory_space<hbm>>
          %dma_wait3A_102 = tpu.memref_squeeze %dma_wait3A_101 : memref<1x128xi32, #tpu.memory_space<hbm>> -> memref<128xi32, #tpu.memory_space<hbm>>
          %dma_wait3A_103 = arith.constant 0 : i32
          %dma_wait3A_104 = tpu.memref_slice %arg3[%add3A_77, %dma_wait3A_103] : memref<2560x128xi32, #tpu.memory_space<hbm>> -> memref<1x128xi32, #tpu.memory_space<hbm>>
          %dma_wait3A_105 = tpu.memref_squeeze %dma_wait3A_104 : memref<1x128xi32, #tpu.memory_space<hbm>> -> memref<128xi32, #tpu.memory_space<hbm>>
          tpu.wait_dma2 semaphore(%run_scoped3A : memref<!tpu.dma_semaphore, #tpu.memory_space<semaphore_mem>>) src(%dma_wait3A_105 : memref<128xi32, #tpu.memory_space<hbm>>) dst(%arg6 : memref<128xi32, #tpu.memory_space<vmem>>)
          tpu.yield
        }) : () -> ()
        %add3A_78 = arith.addi %select_n3A, %add3A_76 : i32
        "tpu.region"() ({
          %run_scoped3A = tpu.sem_alloc : memref<!tpu.dma_semaphore, #tpu.memory_space<semaphore_mem>>
          %dma_start3A_94 = arith.constant 0 : i32
          %dma_start3A_95 = tpu.memref_slice %arg4[%add3A_78, %dma_start3A_94] : memref<2560x128xi32, #tpu.memory_space<hbm>> -> memref<1x128xi32, #tpu.memory_space<hbm>>
          %dma_start3A_96 = tpu.memref_squeeze %dma_start3A_95 : memref<1x128xi32, #tpu.memory_space<hbm>> -> memref<128xi32, #tpu.memory_space<hbm>>
          %dma_start3A_97 = arith.constant 0 : i32
          %dma_start3A_98 = tpu.memref_slice %arg4[%add3A_78, %dma_start3A_97] : memref<2560x128xi32, #tpu.memory_space<hbm>> -> memref<1x128xi32, #tpu.memory_space<hbm>>
          %dma_start3A_99 = tpu.memref_squeeze %dma_start3A_98 : memref<1x128xi32, #tpu.memory_space<hbm>> -> memref<128xi32, #tpu.memory_space<hbm>>
          tpu.enqueue_dma source(%dma_start3A_99 : memref<128xi32, #tpu.memory_space<hbm>>) target(%arg7 : memref<128xi32, #tpu.memory_space<vmem>>) target_semaphore(%run_scoped3A : memref<!tpu.dma_semaphore, #tpu.memory_space<semaphore_mem>>)
          %dma_wait3A_100 = arith.constant 0 : i32
          %dma_wait3A_101 = tpu.memref_slice %arg4[%add3A_78, %dma_wait3A_100] : memref<2560x128xi32, #tpu.memory_space<hbm>> -> memref<1x128xi32, #tpu.memory_space<hbm>>
          %dma_wait3A_102 = tpu.memref_squeeze %dma_wait3A_101 : memref<1x128xi32, #tpu.memory_space<hbm>> -> memref<128xi32, #tpu.memory_space<hbm>>
          %dma_wait3A_103 = arith.constant 0 : i32
          %dma_wait3A_104 = tpu.memref_slice %arg4[%add3A_78, %dma_wait3A_103] : memref<2560x128xi32, #tpu.memory_space<hbm>> -> memref<1x128xi32, #tpu.memory_space<hbm>>
          %dma_wait3A_105 = tpu.memref_squeeze %dma_wait3A_104 : memref<1x128xi32, #tpu.memory_space<hbm>> -> memref<128xi32, #tpu.memory_space<hbm>>
          tpu.wait_dma2 semaphore(%run_scoped3A : memref<!tpu.dma_semaphore, #tpu.memory_space<semaphore_mem>>) src(%dma_wait3A_105 : memref<128xi32, #tpu.memory_space<hbm>>) dst(%arg7 : memref<128xi32, #tpu.memory_space<vmem>>)
          tpu.yield
        }) : () -> ()
        %dma_start3A_79 = arith.constant 0 : i32
        %dma_start3A_80 = arith.constant 0 : i32
        %dma_start3A_81 = tpu.memref_slice %arg2[%dma_start3A_79, %dma_start3A_80] : memref<10240x128xf32, #tpu.memory_space<hbm>> -> memref<10240x128xf32, #tpu.memory_space<hbm>>
        tpu.enqueue_indirect_dma source(%dma_start3A_81 : memref<10240x128xf32, #tpu.memory_space<hbm>>) target(%arg10 : memref<128x128xf32, #tpu.memory_space<vmem>>) offsets(%arg6 : memref<128xi32, #tpu.memory_space<vmem>>) semaphore(%arg13 : memref<!tpu.dma_semaphore, #tpu.memory_space<semaphore_mem>>)
        %dma_wait3A_82 = arith.constant 0 : i32
        %dma_wait3A_83 = arith.constant 0 : i32
        %dma_wait3A_84 = tpu.memref_slice %arg12[%dma_wait3A_82, %dma_wait3A_83] : memref<10240x128xf32, #tpu.memory_space<vmem_shared>> -> memref<10240x128xf32, #tpu.memory_space<vmem_shared>>
        tpu.wait_indirect_dma semaphore(%arg16 : memref<!tpu.dma_semaphore, #tpu.memory_space<semaphore_mem>>) src(%arg11 : memref<128x128xf32, #tpu.memory_space<vmem>>) dst(%dma_wait3A_84 : memref<10240x128xf32, #tpu.memory_space<vmem_shared>>)
        %mul3A_85 = arith.constant 2 : i32
        %mul3A_86 = arith.muli %mul3A_85, %while3A_55 : i32
        %add3A_87 = arith.constant 3 : i32
        %add3A_88 = arith.addi %mul3A_86, %add3A_87 : i32
        %add3A_89 = arith.addi %select_n3A, %add3A_88 : i32
        "tpu.region"() ({
          %run_scoped3A = tpu.sem_alloc : memref<!tpu.dma_semaphore, #tpu.memory_space<semaphore_mem>>
          %dma_start3A_94 = arith.constant 0 : i32
          %dma_start3A_95 = tpu.memref_slice %arg3[%add3A_89, %dma_start3A_94] : memref<2560x128xi32, #tpu.memory_space<hbm>> -> memref<1x128xi32, #tpu.memory_space<hbm>>
          %dma_start3A_96 = tpu.memref_squeeze %dma_start3A_95 : memref<1x128xi32, #tpu.memory_space<hbm>> -> memref<128xi32, #tpu.memory_space<hbm>>
          %dma_start3A_97 = arith.constant 0 : i32
          %dma_start3A_98 = tpu.memref_slice %arg3[%add3A_89, %dma_start3A_97] : memref<2560x128xi32, #tpu.memory_space<hbm>> -> memref<1x128xi32, #tpu.memory_space<hbm>>
          %dma_start3A_99 = tpu.memref_squeeze %dma_start3A_98 : memref<1x128xi32, #tpu.memory_space<hbm>> -> memref<128xi32, #tpu.memory_space<hbm>>
          tpu.enqueue_dma source(%dma_start3A_99 : memref<128xi32, #tpu.memory_space<hbm>>) target(%arg8 : memref<128xi32, #tpu.memory_space<vmem>>) target_semaphore(%run_scoped3A : memref<!tpu.dma_semaphore, #tpu.memory_space<semaphore_mem>>)
          %dma_wait3A_100 = arith.constant 0 : i32
          %dma_wait3A_101 = tpu.memref_slice %arg3[%add3A_89, %dma_wait3A_100] : memref<2560x128xi32, #tpu.memory_space<hbm>> -> memref<1x128xi32, #tpu.memory_space<hbm>>
          %dma_wait3A_102 = tpu.memref_squeeze %dma_wait3A_101 : memref<1x128xi32, #tpu.memory_space<hbm>> -> memref<128xi32, #tpu.memory_space<hbm>>
          %dma_wait3A_103 = arith.constant 0 : i32
          %dma_wait3A_104 = tpu.memref_slice %arg3[%add3A_89, %dma_wait3A_103] : memref<2560x128xi32, #tpu.memory_space<hbm>> -> memref<1x128xi32, #tpu.memory_space<hbm>>
          %dma_wait3A_105 = tpu.memref_squeeze %dma_wait3A_104 : memref<1x128xi32, #tpu.memory_space<hbm>> -> memref<128xi32, #tpu.memory_space<hbm>>
          tpu.wait_dma2 semaphore(%run_scoped3A : memref<!tpu.dma_semaphore, #tpu.memory_space<semaphore_mem>>) src(%dma_wait3A_105 : memref<128xi32, #tpu.memory_space<hbm>>) dst(%arg8 : memref<128xi32, #tpu.memory_space<vmem>>)
          tpu.yield
        }) : () -> ()
        %add3A_90 = arith.addi %select_n3A, %add3A_88 : i32
        "tpu.region"() ({
          %run_scoped3A = tpu.sem_alloc : memref<!tpu.dma_semaphore, #tpu.memory_space<semaphore_mem>>
          %dma_start3A_94 = arith.constant 0 : i32
          %dma_start3A_95 = tpu.memref_slice %arg4[%add3A_90, %dma_start3A_94] : memref<2560x128xi32, #tpu.memory_space<hbm>> -> memref<1x128xi32, #tpu.memory_space<hbm>>
          %dma_start3A_96 = tpu.memref_squeeze %dma_start3A_95 : memref<1x128xi32, #tpu.memory_space<hbm>> -> memref<128xi32, #tpu.memory_space<hbm>>
          %dma_start3A_97 = arith.constant 0 : i32
          %dma_start3A_98 = tpu.memref_slice %arg4[%add3A_90, %dma_start3A_97] : memref<2560x128xi32, #tpu.memory_space<hbm>> -> memref<1x128xi32, #tpu.memory_space<hbm>>
          %dma_start3A_99 = tpu.memref_squeeze %dma_start3A_98 : memref<1x128xi32, #tpu.memory_space<hbm>> -> memref<128xi32, #tpu.memory_space<hbm>>
          tpu.enqueue_dma source(%dma_start3A_99 : memref<128xi32, #tpu.memory_space<hbm>>) target(%arg9 : memref<128xi32, #tpu.memory_space<vmem>>) target_semaphore(%run_scoped3A : memref<!tpu.dma_semaphore, #tpu.memory_space<semaphore_mem>>)
          %dma_wait3A_100 = arith.constant 0 : i32
          %dma_wait3A_101 = tpu.memref_slice %arg4[%add3A_90, %dma_wait3A_100] : memref<2560x128xi32, #tpu.memory_space<hbm>> -> memref<1x128xi32, #tpu.memory_space<hbm>>
          %dma_wait3A_102 = tpu.memref_squeeze %dma_wait3A_101 : memref<1x128xi32, #tpu.memory_space<hbm>> -> memref<128xi32, #tpu.memory_space<hbm>>
          %dma_wait3A_103 = arith.constant 0 : i32
          %dma_wait3A_104 = tpu.memref_slice %arg4[%add3A_90, %dma_wait3A_103] : memref<2560x128xi32, #tpu.memory_space<hbm>> -> memref<1x128xi32, #tpu.memory_space<hbm>>
          %dma_wait3A_105 = tpu.memref_squeeze %dma_wait3A_104 : memref<1x128xi32, #tpu.memory_space<hbm>> -> memref<128xi32, #tpu.memory_space<hbm>>
          tpu.wait_dma2 semaphore(%run_scoped3A : memref<!tpu.dma_semaphore, #tpu.memory_space<semaphore_mem>>) src(%dma_wait3A_105 : memref<128xi32, #tpu.memory_space<hbm>>) dst(%arg9 : memref<128xi32, #tpu.memory_space<vmem>>)
          tpu.yield
        }) : () -> ()
        %dma_start3A_91 = arith.constant 0 : i32
        %dma_start3A_92 = arith.constant 0 : i32
        %dma_start3A_93 = tpu.memref_slice %arg2[%dma_start3A_91, %dma_start3A_92] : memref<10240x128xf32, #tpu.memory_space<hbm>> -> memref<10240x128xf32, #tpu.memory_space<hbm>>
        tpu.enqueue_indirect_dma source(%dma_start3A_93 : memref<10240x128xf32, #tpu.memory_space<hbm>>) target(%arg11 : memref<128x128xf32, #tpu.memory_space<vmem>>) offsets(%arg8 : memref<128xi32, #tpu.memory_space<vmem>>) semaphore(%arg14 : memref<!tpu.dma_semaphore, #tpu.memory_space<semaphore_mem>>)
      } else {
      }
    }
    %dma_wait3A = arith.constant 0 : i32
    %dma_wait3A_45 = arith.constant 0 : i32
    %dma_wait3A_46 = tpu.memref_slice %arg12[%dma_wait3A, %dma_wait3A_45] : memref<10240x128xf32, #tpu.memory_space<vmem_shared>> -> memref<10240x128xf32, #tpu.memory_space<vmem_shared>>
    tpu.wait_indirect_dma semaphore(%arg15 : memref<!tpu.dma_semaphore, #tpu.memory_space<semaphore_mem>>) src(%arg10 : memref<128x128xf32, #tpu.memory_space<vmem>>) dst(%dma_wait3A_46 : memref<10240x128xf32, #tpu.memory_space<vmem_shared>>)
    %dma_wait3A_47 = arith.constant 0 : i32
    %dma_wait3A_48 = arith.constant 0 : i32
    %dma_wait3A_49 = tpu.memref_slice %arg12[%dma_wait3A_47, %dma_wait3A_48] : memref<10240x128xf32, #tpu.memory_space<vmem_shared>> -> memref<10240x128xf32, #tpu.memory_space<vmem_shared>>
    tpu.wait_indirect_dma semaphore(%arg16 : memref<!tpu.dma_semaphore, #tpu.memory_space<semaphore_mem>>) src(%arg11 : memref<128x128xf32, #tpu.memory_space<vmem>>) dst(%dma_wait3A_49 : memref<10240x128xf32, #tpu.memory_space<vmem_shared>>)
    %barrier3A_50 = arith.constant 0 : index
    tpu.barrier barrier_id(%barrier3A_50)
    %mul3A_51 = arith.constant 640 : i32
    %mul3A_52 = arith.muli %arg1, %mul3A_51 : i32
    %mul3A_53 = arith.constant 640 : i32
    %mul3A_54 = arith.muli %arg1, %mul3A_53 : i32
    "tpu.region"() ({
      %run_scoped3A = tpu.sem_alloc : memref<!tpu.dma_semaphore, #tpu.memory_space<semaphore_mem>>
      %dma_start3A_55 = arith.constant 0 : i32
      %dma_start3A_56 = tpu.memref_slice %arg5[%arg0, %mul3A_54, %dma_start3A_55] : memref<2x10240x128xf32, #tpu.memory_space<hbm>> -> memref<1x640x128xf32, #tpu.memory_space<hbm>>
      %dma_start3A_57 = tpu.memref_squeeze %dma_start3A_56 : memref<1x640x128xf32, #tpu.memory_space<hbm>> -> memref<640x128xf32, #tpu.memory_space<hbm>>
      %dma_start3A_58 = arith.constant 0 : i32
      %dma_start3A_59 = tpu.memref_slice %arg12[%mul3A_52, %dma_start3A_58] : memref<10240x128xf32, #tpu.memory_space<vmem_shared>> -> memref<640x128xf32, #tpu.memory_space<vmem_shared>>
      tpu.enqueue_dma source(%dma_start3A_59 : memref<640x128xf32, #tpu.memory_space<vmem_shared>>) target(%dma_start3A_57 : memref<640x128xf32, #tpu.memory_space<hbm>>) target_semaphore(%run_scoped3A : memref<!tpu.dma_semaphore, #tpu.memory_space<semaphore_mem>>)
      %dma_wait3A_60 = arith.constant 0 : i32
      %dma_wait3A_61 = tpu.memref_slice %arg5[%arg0, %mul3A_54, %dma_wait3A_60] : memref<2x10240x128xf32, #tpu.memory_space<hbm>> -> memref<1x640x128xf32, #tpu.memory_space<hbm>>
      %dma_wait3A_62 = tpu.memref_squeeze %dma_wait3A_61 : memref<1x640x128xf32, #tpu.memory_space<hbm>> -> memref<640x128xf32, #tpu.memory_space<hbm>>
      %dma_wait3A_63 = arith.constant 0 : i32
      %dma_wait3A_64 = tpu.memref_slice %arg12[%mul3A_52, %dma_wait3A_63] : memref<10240x128xf32, #tpu.memory_space<vmem_shared>> -> memref<640x128xf32, #tpu.memory_space<vmem_shared>>
      tpu.wait_dma2 semaphore(%run_scoped3A : memref<!tpu.dma_semaphore, #tpu.memory_space<semaphore_mem>>) src(%dma_wait3A_64 : memref<640x128xf32, #tpu.memory_space<vmem_shared>>) dst(%dma_wait3A_62 : memref<640x128xf32, #tpu.memory_space<hbm>>)
      tpu.yield
    }) : () -> ()
    return
  }
}

#map = affine_map<(d0, d1) -> (0, 0)>
#map1 = affine_map<(d0, d1) -> (0, 0, 0)>
module attributes {stable_mosaic.version = 14 : i64} {
  func.func @_agg_body(%arg0: i32, %arg1: i32, %arg2: memref<10240x128xf32, #tpu.memory_space<hbm>>, %arg3: memref<2560x128xi32, #tpu.memory_space<hbm>>, %arg4: memref<2560x128xi32, #tpu.memory_space<hbm>>, %arg5: memref<2x10240x128xf32, #tpu.memory_space<hbm>>, %arg6: memref<128xi32, #tpu.memory_space<vmem>>, %arg7: memref<128xi32, #tpu.memory_space<vmem>>, %arg8: memref<128xi32, #tpu.memory_space<vmem>>, %arg9: memref<128xi32, #tpu.memory_space<vmem>>, %arg10: memref<128x128xf32, #tpu.memory_space<vmem>>, %arg11: memref<128x128xf32, #tpu.memory_space<vmem>>, %arg12: memref<10240x128xf32, #tpu.memory_space<vmem_shared>>, %arg13: memref<!tpu.dma_semaphore, #tpu.memory_space<semaphore_mem>>, %arg14: memref<!tpu.dma_semaphore, #tpu.memory_space<semaphore_mem>>, %arg15: memref<!tpu.dma_semaphore, #tpu.memory_space<semaphore_mem>>, %arg16: memref<!tpu.dma_semaphore, #tpu.memory_space<semaphore_mem>>) attributes {dimension_semantics = [#tpu.dimension_semantics<core_parallel>, #tpu.dimension_semantics<subcore_parallel>], iteration_bounds = array<i64: 2, 16>, scalar_prefetch = 0 : i64, scratch_operands = 11 : i64, tpu.core_type = #tpu.core_type<sc_vector_subcore>, window_params = [{transform_indices = #map}, {transform_indices = #map}, {transform_indices = #map}, {transform_indices = #map1}]} {
    %mul3A = arith.constant 2 : i32
    %mul3A_0 = arith.muli %arg1, %mul3A : i32
    %add3A = arith.addi %mul3A_0, %arg0 : i32
    %scan3A = arith.constant 0 : i32
    %scan3A_1 = arith.constant 0 : i32
    %scan3A_2 = arith.constant 128 : i32
    %scan3A_3 = arith.addi %scan3A_1, %scan3A_2 : i32
    %scan3A_4 = arith.constant 1 : i32
    scf.for %scan3A_55 = %scan3A_1 to %scan3A_3 step %scan3A_4  : i32 {
      %broadcast_in_dim3A = arith.constant 0.000000e+00 : f32
      %broadcast_in_dim3A_56 = vector.broadcast %broadcast_in_dim3A : f32 to vector<16xf32>
      %swap3A = arith.index_cast %scan3A_55 : i32 to index
      %swap3A_57 = arith.constant 0 : index
      %swap3A_58 = tpu.vector_load %arg10[%swap3A, %swap3A_57] {strides = array<i32>} : memref<128x128xf32, #tpu.memory_space<vmem>>, vector<1x16xf32>,
      %swap3A_59 = vector.shape_cast %swap3A_58 : vector<1x16xf32> to vector<16xf32>
      %swap3A_60 = vector.shape_cast %broadcast_in_dim3A_56 : vector<16xf32> to vector<1x16xf32>
      tpu.vector_store %arg10[%swap3A, %swap3A_57], %swap3A_60 {strides = array<i32>} : memref<128x128xf32, #tpu.memory_space<vmem>>, vector<1x16xf32>,
      %broadcast_in_dim3A_61 = arith.constant 0.000000e+00 : f32
      %broadcast_in_dim3A_62 = vector.broadcast %broadcast_in_dim3A_61 : f32 to vector<16xf32>
      %swap3A_63 = arith.index_cast %scan3A_55 : i32 to index
      %swap3A_64 = arith.constant 16 : index
      %swap3A_65 = tpu.vector_load %arg10[%swap3A_63, %swap3A_64] {strides = array<i32>} : memref<128x128xf32, #tpu.memory_space<vmem>>, vector<1x16xf32>,
      %swap3A_66 = vector.shape_cast %swap3A_65 : vector<1x16xf32> to vector<16xf32>
      %swap3A_67 = vector.shape_cast %broadcast_in_dim3A_62 : vector<16xf32> to vector<1x16xf32>
      tpu.vector_store %arg10[%swap3A_63, %swap3A_64], %swap3A_67 {strides = array<i32>} : memref<128x128xf32, #tpu.memory_space<vmem>>, vector<1x16xf32>,
      %broadcast_in_dim3A_68 = arith.constant 0.000000e+00 : f32
      %broadcast_in_dim3A_69 = vector.broadcast %broadcast_in_dim3A_68 : f32 to vector<16xf32>
      %swap3A_70 = arith.index_cast %scan3A_55 : i32 to index
      %swap3A_71 = arith.constant 32 : index
      %swap3A_72 = tpu.vector_load %arg10[%swap3A_70, %swap3A_71] {strides = array<i32>} : memref<128x128xf32, #tpu.memory_space<vmem>>, vector<1x16xf32>,
      %swap3A_73 = vector.shape_cast %swap3A_72 : vector<1x16xf32> to vector<16xf32>
      %swap3A_74 = vector.shape_cast %broadcast_in_dim3A_69 : vector<16xf32> to vector<1x16xf32>
      tpu.vector_store %arg10[%swap3A_70, %swap3A_71], %swap3A_74 {strides = array<i32>} : memref<128x128xf32, #tpu.memory_space<vmem>>, vector<1x16xf32>,
      %broadcast_in_dim3A_75 = arith.constant 0.000000e+00 : f32
      %broadcast_in_dim3A_76 = vector.broadcast %broadcast_in_dim3A_75 : f32 to vector<16xf32>
      %swap3A_77 = arith.index_cast %scan3A_55 : i32 to index
      %swap3A_78 = arith.constant 48 : index
      %swap3A_79 = tpu.vector_load %arg10[%swap3A_77, %swap3A_78] {strides = array<i32>} : memref<128x128xf32, #tpu.memory_space<vmem>>, vector<1x16xf32>,
      %swap3A_80 = vector.shape_cast %swap3A_79 : vector<1x16xf32> to vector<16xf32>
      %swap3A_81 = vector.shape_cast %broadcast_in_dim3A_76 : vector<16xf32> to vector<1x16xf32>
      tpu.vector_store %arg10[%swap3A_77, %swap3A_78], %swap3A_81 {strides = array<i32>} : memref<128x128xf32, #tpu.memory_space<vmem>>, vector<1x16xf32>,
      %broadcast_in_dim3A_82 = arith.constant 0.000000e+00 : f32
      %broadcast_in_dim3A_83 = vector.broadcast %broadcast_in_dim3A_82 : f32 to vector<16xf32>
      %swap3A_84 = arith.index_cast %scan3A_55 : i32 to index
      %swap3A_85 = arith.constant 64 : index
      %swap3A_86 = tpu.vector_load %arg10[%swap3A_84, %swap3A_85] {strides = array<i32>} : memref<128x128xf32, #tpu.memory_space<vmem>>, vector<1x16xf32>,
      %swap3A_87 = vector.shape_cast %swap3A_86 : vector<1x16xf32> to vector<16xf32>
      %swap3A_88 = vector.shape_cast %broadcast_in_dim3A_83 : vector<16xf32> to vector<1x16xf32>
      tpu.vector_store %arg10[%swap3A_84, %swap3A_85], %swap3A_88 {strides = array<i32>} : memref<128x128xf32, #tpu.memory_space<vmem>>, vector<1x16xf32>,
      %broadcast_in_dim3A_89 = arith.constant 0.000000e+00 : f32
      %broadcast_in_dim3A_90 = vector.broadcast %broadcast_in_dim3A_89 : f32 to vector<16xf32>
      %swap3A_91 = arith.index_cast %scan3A_55 : i32 to index
      %swap3A_92 = arith.constant 80 : index
      %swap3A_93 = tpu.vector_load %arg10[%swap3A_91, %swap3A_92] {strides = array<i32>} : memref<128x128xf32, #tpu.memory_space<vmem>>, vector<1x16xf32>,
      %swap3A_94 = vector.shape_cast %swap3A_93 : vector<1x16xf32> to vector<16xf32>
      %swap3A_95 = vector.shape_cast %broadcast_in_dim3A_90 : vector<16xf32> to vector<1x16xf32>
      tpu.vector_store %arg10[%swap3A_91, %swap3A_92], %swap3A_95 {strides = array<i32>} : memref<128x128xf32, #tpu.memory_space<vmem>>, vector<1x16xf32>,
      %broadcast_in_dim3A_96 = arith.constant 0.000000e+00 : f32
      %broadcast_in_dim3A_97 = vector.broadcast %broadcast_in_dim3A_96 : f32 to vector<16xf32>
      %swap3A_98 = arith.index_cast %scan3A_55 : i32 to index
      %swap3A_99 = arith.constant 96 : index
      %swap3A_100 = tpu.vector_load %arg10[%swap3A_98, %swap3A_99] {strides = array<i32>} : memref<128x128xf32, #tpu.memory_space<vmem>>, vector<1x16xf32>,
      %swap3A_101 = vector.shape_cast %swap3A_100 : vector<1x16xf32> to vector<16xf32>
      %swap3A_102 = vector.shape_cast %broadcast_in_dim3A_97 : vector<16xf32> to vector<1x16xf32>
      tpu.vector_store %arg10[%swap3A_98, %swap3A_99], %swap3A_102 {strides = array<i32>} : memref<128x128xf32, #tpu.memory_space<vmem>>, vector<1x16xf32>,
      %broadcast_in_dim3A_103 = arith.constant 0.000000e+00 : f32
      %broadcast_in_dim3A_104 = vector.broadcast %broadcast_in_dim3A_103 : f32 to vector<16xf32>
      %swap3A_105 = arith.index_cast %scan3A_55 : i32 to index
      %swap3A_106 = arith.constant 112 : index
      %swap3A_107 = tpu.vector_load %arg10[%swap3A_105, %swap3A_106] {strides = array<i32>} : memref<128x128xf32, #tpu.memory_space<vmem>>, vector<1x16xf32>,
      %swap3A_108 = vector.shape_cast %swap3A_107 : vector<1x16xf32> to vector<16xf32>
      %swap3A_109 = vector.shape_cast %broadcast_in_dim3A_104 : vector<16xf32> to vector<1x16xf32>
      tpu.vector_store %arg10[%swap3A_105, %swap3A_106], %swap3A_109 {strides = array<i32>} : memref<128x128xf32, #tpu.memory_space<vmem>>, vector<1x16xf32>,
    }
    %scan3A_5 = arith.constant 128 : i32
    %scan3A_6 = arith.constant 0 : i32
    %scan3A_7 = arith.constant 0 : i32
    %scan3A_8 = arith.constant 5 : i32
    %scan3A_9 = arith.addi %scan3A_7, %scan3A_8 : i32
    %scan3A_10 = arith.constant 1 : i32
    scf.for %scan3A_55 = %scan3A_7 to %scan3A_9 step %scan3A_10  : i32 {
      %mul3A_56 = arith.constant 640 : i32
      %mul3A_57 = arith.muli %arg1, %mul3A_56 : i32
      %mul3A_58 = arith.constant 128 : i32
      %mul3A_59 = arith.muli %scan3A_55, %mul3A_58 : i32
      %add3A_60 = arith.addi %mul3A_57, %mul3A_59 : i32
      "tpu.region"() ({
        %run_scoped3A = tpu.sem_alloc : memref<!tpu.dma_semaphore, #tpu.memory_space<semaphore_mem>>
        %dma_start3A_61 = arith.constant 0 : i32
        %dma_start3A_62 = tpu.memref_slice %arg12[%add3A_60, %dma_start3A_61] : memref<10240x128xf32, #tpu.memory_space<vmem_shared>> -> memref<128x128xf32, #tpu.memory_space<vmem_shared>>
        %dma_start3A_63 = arith.constant 0 : i32
        %dma_start3A_64 = tpu.memref_slice %arg12[%add3A_60, %dma_start3A_63] : memref<10240x128xf32, #tpu.memory_space<vmem_shared>> -> memref<128x128xf32, #tpu.memory_space<vmem_shared>>
        tpu.enqueue_dma source(%arg10 : memref<128x128xf32, #tpu.memory_space<vmem>>) target(%dma_start3A_64 : memref<128x128xf32, #tpu.memory_space<vmem_shared>>) target_semaphore(%run_scoped3A : memref<!tpu.dma_semaphore, #tpu.memory_space<semaphore_mem>>)
        %dma_wait3A_65 = arith.constant 0 : i32
        %dma_wait3A_66 = tpu.memref_slice %arg12[%add3A_60, %dma_wait3A_65] : memref<10240x128xf32, #tpu.memory_space<vmem_shared>> -> memref<128x128xf32, #tpu.memory_space<vmem_shared>>
        %dma_wait3A_67 = arith.constant 0 : i32
        %dma_wait3A_68 = tpu.memref_slice %arg12[%add3A_60, %dma_wait3A_67] : memref<10240x128xf32, #tpu.memory_space<vmem_shared>> -> memref<128x128xf32, #tpu.memory_space<vmem_shared>>
        tpu.wait_dma2 semaphore(%run_scoped3A : memref<!tpu.dma_semaphore, #tpu.memory_space<semaphore_mem>>) src(%arg10 : memref<128x128xf32, #tpu.memory_space<vmem>>) dst(%dma_wait3A_68 : memref<128x128xf32, #tpu.memory_space<vmem_shared>>)
        tpu.yield
      }) : () -> ()
    }
    %scan3A_11 = arith.constant 5 : i32
    %barrier3A = arith.constant 0 : index
    tpu.barrier barrier_id(%barrier3A)
    %eq3A = arith.constant 0 : i32
    %eq3A_12 = arith.cmpi eq, %arg0, %eq3A : i32
    %mul3A_13 = arith.constant 48 : i32
    %mul3A_14 = arith.muli %arg1, %mul3A_13 : i32
    %mul3A_15 = arith.constant 112 : i32
    %mul3A_16 = arith.muli %arg1, %mul3A_15 : i32
    %add3A_17 = arith.constant 768 : i32
    %add3A_18 = arith.addi %add3A_17, %mul3A_16 : i32
    %select_n3A = arith.select %eq3A_12, %mul3A_14, %add3A_18 : i32
    %eq3A_19 = arith.constant 0 : i32
    %eq3A_20 = arith.cmpi eq, %arg0, %eq3A_19 : i32
    %jit3A = arith.constant 24 : i32
    %jit3A_21 = arith.constant 56 : i32
    %select_n3A_22 = arith.select %eq3A_20, %jit3A, %jit3A_21 : i32
    %add3A_23 = arith.constant 0 : i32
    %add3A_24 = arith.addi %select_n3A, %add3A_23 : i32
    "tpu.region"() ({
      %run_scoped3A = tpu.sem_alloc : memref<!tpu.dma_semaphore, #tpu.memory_space<semaphore_mem>>
      %dma_start3A_55 = arith.constant 0 : i32
      %dma_start3A_56 = tpu.memref_slice %arg3[%add3A_24, %dma_start3A_55] : memref<2560x128xi32, #tpu.memory_space<hbm>> -> memref<1x128xi32, #tpu.memory_space<hbm>>
      %dma_start3A_57 = tpu.memref_squeeze %dma_start3A_56 : memref<1x128xi32, #tpu.memory_space<hbm>> -> memref<128xi32, #tpu.memory_space<hbm>>
      %dma_start3A_58 = arith.constant 0 : i32
      %dma_start3A_59 = tpu.memref_slice %arg3[%add3A_24, %dma_start3A_58] : memref<2560x128xi32, #tpu.memory_space<hbm>> -> memref<1x128xi32, #tpu.memory_space<hbm>>
      %dma_start3A_60 = tpu.memref_squeeze %dma_start3A_59 : memref<1x128xi32, #tpu.memory_space<hbm>> -> memref<128xi32, #tpu.memory_space<hbm>>
      tpu.enqueue_dma source(%dma_start3A_60 : memref<128xi32, #tpu.memory_space<hbm>>) target(%arg6 : memref<128xi32, #tpu.memory_space<vmem>>) target_semaphore(%run_scoped3A : memref<!tpu.dma_semaphore, #tpu.memory_space<semaphore_mem>>)
      %dma_wait3A_61 = arith.constant 0 : i32
      %dma_wait3A_62 = tpu.memref_slice %arg3[%add3A_24, %dma_wait3A_61] : memref<2560x128xi32, #tpu.memory_space<hbm>> -> memref<1x128xi32, #tpu.memory_space<hbm>>
      %dma_wait3A_63 = tpu.memref_squeeze %dma_wait3A_62 : memref<1x128xi32, #tpu.memory_space<hbm>> -> memref<128xi32, #tpu.memory_space<hbm>>
      %dma_wait3A_64 = arith.constant 0 : i32
      %dma_wait3A_65 = tpu.memref_slice %arg3[%add3A_24, %dma_wait3A_64] : memref<2560x128xi32, #tpu.memory_space<hbm>> -> memref<1x128xi32, #tpu.memory_space<hbm>>
      %dma_wait3A_66 = tpu.memref_squeeze %dma_wait3A_65 : memref<1x128xi32, #tpu.memory_space<hbm>> -> memref<128xi32, #tpu.memory_space<hbm>>
      tpu.wait_dma2 semaphore(%run_scoped3A : memref<!tpu.dma_semaphore, #tpu.memory_space<semaphore_mem>>) src(%dma_wait3A_66 : memref<128xi32, #tpu.memory_space<hbm>>) dst(%arg6 : memref<128xi32, #tpu.memory_space<vmem>>)
      tpu.yield
    }) : () -> ()
    %add3A_25 = arith.constant 0 : i32
    %add3A_26 = arith.addi %select_n3A, %add3A_25 : i32
    "tpu.region"() ({
      %run_scoped3A = tpu.sem_alloc : memref<!tpu.dma_semaphore, #tpu.memory_space<semaphore_mem>>
      %dma_start3A_55 = arith.constant 0 : i32
      %dma_start3A_56 = tpu.memref_slice %arg4[%add3A_26, %dma_start3A_55] : memref<2560x128xi32, #tpu.memory_space<hbm>> -> memref<1x128xi32, #tpu.memory_space<hbm>>
      %dma_start3A_57 = tpu.memref_squeeze %dma_start3A_56 : memref<1x128xi32, #tpu.memory_space<hbm>> -> memref<128xi32, #tpu.memory_space<hbm>>
      %dma_start3A_58 = arith.constant 0 : i32
      %dma_start3A_59 = tpu.memref_slice %arg4[%add3A_26, %dma_start3A_58] : memref<2560x128xi32, #tpu.memory_space<hbm>> -> memref<1x128xi32, #tpu.memory_space<hbm>>
      %dma_start3A_60 = tpu.memref_squeeze %dma_start3A_59 : memref<1x128xi32, #tpu.memory_space<hbm>> -> memref<128xi32, #tpu.memory_space<hbm>>
      tpu.enqueue_dma source(%dma_start3A_60 : memref<128xi32, #tpu.memory_space<hbm>>) target(%arg7 : memref<128xi32, #tpu.memory_space<vmem>>) target_semaphore(%run_scoped3A : memref<!tpu.dma_semaphore, #tpu.memory_space<semaphore_mem>>)
      %dma_wait3A_61 = arith.constant 0 : i32
      %dma_wait3A_62 = tpu.memref_slice %arg4[%add3A_26, %dma_wait3A_61] : memref<2560x128xi32, #tpu.memory_space<hbm>> -> memref<1x128xi32, #tpu.memory_space<hbm>>
      %dma_wait3A_63 = tpu.memref_squeeze %dma_wait3A_62 : memref<1x128xi32, #tpu.memory_space<hbm>> -> memref<128xi32, #tpu.memory_space<hbm>>
      %dma_wait3A_64 = arith.constant 0 : i32
      %dma_wait3A_65 = tpu.memref_slice %arg4[%add3A_26, %dma_wait3A_64] : memref<2560x128xi32, #tpu.memory_space<hbm>> -> memref<1x128xi32, #tpu.memory_space<hbm>>
      %dma_wait3A_66 = tpu.memref_squeeze %dma_wait3A_65 : memref<1x128xi32, #tpu.memory_space<hbm>> -> memref<128xi32, #tpu.memory_space<hbm>>
      tpu.wait_dma2 semaphore(%run_scoped3A : memref<!tpu.dma_semaphore, #tpu.memory_space<semaphore_mem>>) src(%dma_wait3A_66 : memref<128xi32, #tpu.memory_space<hbm>>) dst(%arg7 : memref<128xi32, #tpu.memory_space<vmem>>)
      tpu.yield
    }) : () -> ()
    %dma_start3A = arith.constant 0 : i32
    %dma_start3A_27 = arith.constant 0 : i32
    %dma_start3A_28 = tpu.memref_slice %arg2[%dma_start3A, %dma_start3A_27] : memref<10240x128xf32, #tpu.memory_space<hbm>> -> memref<10240x128xf32, #tpu.memory_space<hbm>>
    tpu.enqueue_indirect_dma source(%dma_start3A_28 : memref<10240x128xf32, #tpu.memory_space<hbm>>) target(%arg10 : memref<128x128xf32, #tpu.memory_space<vmem>>) offsets(%arg6 : memref<128xi32, #tpu.memory_space<vmem>>) semaphore(%arg13 : memref<!tpu.dma_semaphore, #tpu.memory_space<semaphore_mem>>)
    %add3A_29 = arith.constant 1 : i32
    %add3A_30 = arith.addi %select_n3A, %add3A_29 : i32
    "tpu.region"() ({
      %run_scoped3A = tpu.sem_alloc : memref<!tpu.dma_semaphore, #tpu.memory_space<semaphore_mem>>
      %dma_start3A_55 = arith.constant 0 : i32
      %dma_start3A_56 = tpu.memref_slice %arg3[%add3A_30, %dma_start3A_55] : memref<2560x128xi32, #tpu.memory_space<hbm>> -> memref<1x128xi32, #tpu.memory_space<hbm>>
      %dma_start3A_57 = tpu.memref_squeeze %dma_start3A_56 : memref<1x128xi32, #tpu.memory_space<hbm>> -> memref<128xi32, #tpu.memory_space<hbm>>
      %dma_start3A_58 = arith.constant 0 : i32
      %dma_start3A_59 = tpu.memref_slice %arg3[%add3A_30, %dma_start3A_58] : memref<2560x128xi32, #tpu.memory_space<hbm>> -> memref<1x128xi32, #tpu.memory_space<hbm>>
      %dma_start3A_60 = tpu.memref_squeeze %dma_start3A_59 : memref<1x128xi32, #tpu.memory_space<hbm>> -> memref<128xi32, #tpu.memory_space<hbm>>
      tpu.enqueue_dma source(%dma_start3A_60 : memref<128xi32, #tpu.memory_space<hbm>>) target(%arg8 : memref<128xi32, #tpu.memory_space<vmem>>) target_semaphore(%run_scoped3A : memref<!tpu.dma_semaphore, #tpu.memory_space<semaphore_mem>>)
      %dma_wait3A_61 = arith.constant 0 : i32
      %dma_wait3A_62 = tpu.memref_slice %arg3[%add3A_30, %dma_wait3A_61] : memref<2560x128xi32, #tpu.memory_space<hbm>> -> memref<1x128xi32, #tpu.memory_space<hbm>>
      %dma_wait3A_63 = tpu.memref_squeeze %dma_wait3A_62 : memref<1x128xi32, #tpu.memory_space<hbm>> -> memref<128xi32, #tpu.memory_space<hbm>>
      %dma_wait3A_64 = arith.constant 0 : i32
      %dma_wait3A_65 = tpu.memref_slice %arg3[%add3A_30, %dma_wait3A_64] : memref<2560x128xi32, #tpu.memory_space<hbm>> -> memref<1x128xi32, #tpu.memory_space<hbm>>
      %dma_wait3A_66 = tpu.memref_squeeze %dma_wait3A_65 : memref<1x128xi32, #tpu.memory_space<hbm>> -> memref<128xi32, #tpu.memory_space<hbm>>
      tpu.wait_dma2 semaphore(%run_scoped3A : memref<!tpu.dma_semaphore, #tpu.memory_space<semaphore_mem>>) src(%dma_wait3A_66 : memref<128xi32, #tpu.memory_space<hbm>>) dst(%arg8 : memref<128xi32, #tpu.memory_space<vmem>>)
      tpu.yield
    }) : () -> ()
    %add3A_31 = arith.constant 1 : i32
    %add3A_32 = arith.addi %select_n3A, %add3A_31 : i32
    "tpu.region"() ({
      %run_scoped3A = tpu.sem_alloc : memref<!tpu.dma_semaphore, #tpu.memory_space<semaphore_mem>>
      %dma_start3A_55 = arith.constant 0 : i32
      %dma_start3A_56 = tpu.memref_slice %arg4[%add3A_32, %dma_start3A_55] : memref<2560x128xi32, #tpu.memory_space<hbm>> -> memref<1x128xi32, #tpu.memory_space<hbm>>
      %dma_start3A_57 = tpu.memref_squeeze %dma_start3A_56 : memref<1x128xi32, #tpu.memory_space<hbm>> -> memref<128xi32, #tpu.memory_space<hbm>>
      %dma_start3A_58 = arith.constant 0 : i32
      %dma_start3A_59 = tpu.memref_slice %arg4[%add3A_32, %dma_start3A_58] : memref<2560x128xi32, #tpu.memory_space<hbm>> -> memref<1x128xi32, #tpu.memory_space<hbm>>
      %dma_start3A_60 = tpu.memref_squeeze %dma_start3A_59 : memref<1x128xi32, #tpu.memory_space<hbm>> -> memref<128xi32, #tpu.memory_space<hbm>>
      tpu.enqueue_dma source(%dma_start3A_60 : memref<128xi32, #tpu.memory_space<hbm>>) target(%arg9 : memref<128xi32, #tpu.memory_space<vmem>>) target_semaphore(%run_scoped3A : memref<!tpu.dma_semaphore, #tpu.memory_space<semaphore_mem>>)
      %dma_wait3A_61 = arith.constant 0 : i32
      %dma_wait3A_62 = tpu.memref_slice %arg4[%add3A_32, %dma_wait3A_61] : memref<2560x128xi32, #tpu.memory_space<hbm>> -> memref<1x128xi32, #tpu.memory_space<hbm>>
      %dma_wait3A_63 = tpu.memref_squeeze %dma_wait3A_62 : memref<1x128xi32, #tpu.memory_space<hbm>> -> memref<128xi32, #tpu.memory_space<hbm>>
      %dma_wait3A_64 = arith.constant 0 : i32
      %dma_wait3A_65 = tpu.memref_slice %arg4[%add3A_32, %dma_wait3A_64] : memref<2560x128xi32, #tpu.memory_space<hbm>> -> memref<1x128xi32, #tpu.memory_space<hbm>>
      %dma_wait3A_66 = tpu.memref_squeeze %dma_wait3A_65 : memref<1x128xi32, #tpu.memory_space<hbm>> -> memref<128xi32, #tpu.memory_space<hbm>>
      tpu.wait_dma2 semaphore(%run_scoped3A : memref<!tpu.dma_semaphore, #tpu.memory_space<semaphore_mem>>) src(%dma_wait3A_66 : memref<128xi32, #tpu.memory_space<hbm>>) dst(%arg9 : memref<128xi32, #tpu.memory_space<vmem>>)
      tpu.yield
    }) : () -> ()
    %dma_start3A_33 = arith.constant 0 : i32
    %dma_start3A_34 = arith.constant 0 : i32
    %dma_start3A_35 = tpu.memref_slice %arg2[%dma_start3A_33, %dma_start3A_34] : memref<10240x128xf32, #tpu.memory_space<hbm>> -> memref<10240x128xf32, #tpu.memory_space<hbm>>
    tpu.enqueue_indirect_dma source(%dma_start3A_35 : memref<10240x128xf32, #tpu.memory_space<hbm>>) target(%arg11 : memref<128x128xf32, #tpu.memory_space<vmem>>) offsets(%arg8 : memref<128xi32, #tpu.memory_space<vmem>>) semaphore(%arg14 : memref<!tpu.dma_semaphore, #tpu.memory_space<semaphore_mem>>)
    %while3A = arith.constant 0 : i32
    %while3A_36 = arith.constant 0 : i32
    %while3A_37 = arith.subi %select_n3A_22, %while3A_36 : i32
    %while3A_38 = arith.addi %while3A_36, %while3A_37 : i32
    %while3A_39 = arith.constant 1 : i32
    %while3A_40 = arith.divsi %while3A_37, %while3A_39 : i32
    %while3A_41 = arith.muli %while3A_40, %while3A_39 : i32
    %while3A_42 = arith.addi %while3A_36, %while3A_41 : i32
    %while3A_43 = arith.constant 1 : i32
    scf.for %while3A_55 = %while3A_36 to %while3A_42 step %while3A_43  : i32 {
      %dma_wait3A_56 = arith.constant 0 : i32
      %dma_wait3A_57 = arith.constant 0 : i32
      %dma_wait3A_58 = tpu.memref_slice %arg2[%dma_wait3A_56, %dma_wait3A_57] : memref<10240x128xf32, #tpu.memory_space<hbm>> -> memref<10240x128xf32, #tpu.memory_space<hbm>>
      tpu.wait_indirect_dma semaphore(%arg13 : memref<!tpu.dma_semaphore, #tpu.memory_space<semaphore_mem>>) src(%dma_wait3A_58 : memref<10240x128xf32, #tpu.memory_space<hbm>>) dst(%arg10 : memref<128x128xf32, #tpu.memory_space<vmem>>)
      %dma_start3A_59 = arith.constant 0 : i32
      %dma_start3A_60 = arith.constant 0 : i32
      %dma_start3A_61 = tpu.memref_slice %arg12[%dma_start3A_59, %dma_start3A_60] : memref<10240x128xf32, #tpu.memory_space<vmem_shared>> -> memref<10240x128xf32, #tpu.memory_space<vmem_shared>>
      tpu.enqueue_indirect_dma source(%arg10 : memref<128x128xf32, #tpu.memory_space<vmem>>) target(%dma_start3A_61 : memref<10240x128xf32, #tpu.memory_space<vmem_shared>>) offsets(%arg7 : memref<128xi32, #tpu.memory_space<vmem>>) semaphore(%arg15 : memref<!tpu.dma_semaphore, #tpu.memory_space<semaphore_mem>>) {add = true}
      %dma_wait3A_62 = arith.constant 0 : i32
      %dma_wait3A_63 = arith.constant 0 : i32
      %dma_wait3A_64 = tpu.memref_slice %arg2[%dma_wait3A_62, %dma_wait3A_63] : memref<10240x128xf32, #tpu.memory_space<hbm>> -> memref<10240x128xf32, #tpu.memory_space<hbm>>
      tpu.wait_indirect_dma semaphore(%arg14 : memref<!tpu.dma_semaphore, #tpu.memory_space<semaphore_mem>>) src(%dma_wait3A_64 : memref<10240x128xf32, #tpu.memory_space<hbm>>) dst(%arg11 : memref<128x128xf32, #tpu.memory_space<vmem>>)
      %dma_start3A_65 = arith.constant 0 : i32
      %dma_start3A_66 = arith.constant 0 : i32
      %dma_start3A_67 = tpu.memref_slice %arg12[%dma_start3A_65, %dma_start3A_66] : memref<10240x128xf32, #tpu.memory_space<vmem_shared>> -> memref<10240x128xf32, #tpu.memory_space<vmem_shared>>
      tpu.enqueue_indirect_dma source(%arg11 : memref<128x128xf32, #tpu.memory_space<vmem>>) target(%dma_start3A_67 : memref<10240x128xf32, #tpu.memory_space<vmem_shared>>) offsets(%arg9 : memref<128xi32, #tpu.memory_space<vmem>>) semaphore(%arg16 : memref<!tpu.dma_semaphore, #tpu.memory_space<semaphore_mem>>) {add = true}
      %sub3A = arith.constant 1 : i32
      %sub3A_68 = arith.subi %select_n3A_22, %sub3A : i32
      %lt3A = arith.cmpi slt, %while3A_55, %sub3A_68 : i32
      %convert_element_type3A = arith.extui %lt3A : i1 to i32
      %cond3A = arith.constant 0 : i32
      %cond3A_69 = arith.cmpi ne, %convert_element_type3A, %cond3A : i32
      scf.if %cond3A_69 {
        %dma_wait3A_70 = arith.constant 0 : i32
        %dma_wait3A_71 = arith.constant 0 : i32
        %dma_wait3A_72 = tpu.memref_slice %arg12[%dma_wait3A_70, %dma_wait3A_71] : memref<10240x128xf32, #tpu.memory_space<vmem_shared>> -> memref<10240x128xf32, #tpu.memory_space<vmem_shared>>
        tpu.wait_indirect_dma semaphore(%arg15 : memref<!tpu.dma_semaphore, #tpu.memory_space<semaphore_mem>>) src(%arg10 : memref<128x128xf32, #tpu.memory_space<vmem>>) dst(%dma_wait3A_72 : memref<10240x128xf32, #tpu.memory_space<vmem_shared>>)
        %mul3A_73 = arith.constant 2 : i32
        %mul3A_74 = arith.muli %mul3A_73, %while3A_55 : i32
        %add3A_75 = arith.constant 2 : i32
        %add3A_76 = arith.addi %mul3A_74, %add3A_75 : i32
        %add3A_77 = arith.addi %select_n3A, %add3A_76 : i32
        "tpu.region"() ({
          %run_scoped3A = tpu.sem_alloc : memref<!tpu.dma_semaphore, #tpu.memory_space<semaphore_mem>>
          %dma_start3A_94 = arith.constant 0 : i32
          %dma_start3A_95 = tpu.memref_slice %arg3[%add3A_77, %dma_start3A_94] : memref<2560x128xi32, #tpu.memory_space<hbm>> -> memref<1x128xi32, #tpu.memory_space<hbm>>
          %dma_start3A_96 = tpu.memref_squeeze %dma_start3A_95 : memref<1x128xi32, #tpu.memory_space<hbm>> -> memref<128xi32, #tpu.memory_space<hbm>>
          %dma_start3A_97 = arith.constant 0 : i32
          %dma_start3A_98 = tpu.memref_slice %arg3[%add3A_77, %dma_start3A_97] : memref<2560x128xi32, #tpu.memory_space<hbm>> -> memref<1x128xi32, #tpu.memory_space<hbm>>
          %dma_start3A_99 = tpu.memref_squeeze %dma_start3A_98 : memref<1x128xi32, #tpu.memory_space<hbm>> -> memref<128xi32, #tpu.memory_space<hbm>>
          tpu.enqueue_dma source(%dma_start3A_99 : memref<128xi32, #tpu.memory_space<hbm>>) target(%arg6 : memref<128xi32, #tpu.memory_space<vmem>>) target_semaphore(%run_scoped3A : memref<!tpu.dma_semaphore, #tpu.memory_space<semaphore_mem>>)
          %dma_wait3A_100 = arith.constant 0 : i32
          %dma_wait3A_101 = tpu.memref_slice %arg3[%add3A_77, %dma_wait3A_100] : memref<2560x128xi32, #tpu.memory_space<hbm>> -> memref<1x128xi32, #tpu.memory_space<hbm>>
          %dma_wait3A_102 = tpu.memref_squeeze %dma_wait3A_101 : memref<1x128xi32, #tpu.memory_space<hbm>> -> memref<128xi32, #tpu.memory_space<hbm>>
          %dma_wait3A_103 = arith.constant 0 : i32
          %dma_wait3A_104 = tpu.memref_slice %arg3[%add3A_77, %dma_wait3A_103] : memref<2560x128xi32, #tpu.memory_space<hbm>> -> memref<1x128xi32, #tpu.memory_space<hbm>>
          %dma_wait3A_105 = tpu.memref_squeeze %dma_wait3A_104 : memref<1x128xi32, #tpu.memory_space<hbm>> -> memref<128xi32, #tpu.memory_space<hbm>>
          tpu.wait_dma2 semaphore(%run_scoped3A : memref<!tpu.dma_semaphore, #tpu.memory_space<semaphore_mem>>) src(%dma_wait3A_105 : memref<128xi32, #tpu.memory_space<hbm>>) dst(%arg6 : memref<128xi32, #tpu.memory_space<vmem>>)
          tpu.yield
        }) : () -> ()
        %add3A_78 = arith.addi %select_n3A, %add3A_76 : i32
        "tpu.region"() ({
          %run_scoped3A = tpu.sem_alloc : memref<!tpu.dma_semaphore, #tpu.memory_space<semaphore_mem>>
          %dma_start3A_94 = arith.constant 0 : i32
          %dma_start3A_95 = tpu.memref_slice %arg4[%add3A_78, %dma_start3A_94] : memref<2560x128xi32, #tpu.memory_space<hbm>> -> memref<1x128xi32, #tpu.memory_space<hbm>>
          %dma_start3A_96 = tpu.memref_squeeze %dma_start3A_95 : memref<1x128xi32, #tpu.memory_space<hbm>> -> memref<128xi32, #tpu.memory_space<hbm>>
          %dma_start3A_97 = arith.constant 0 : i32
          %dma_start3A_98 = tpu.memref_slice %arg4[%add3A_78, %dma_start3A_97] : memref<2560x128xi32, #tpu.memory_space<hbm>> -> memref<1x128xi32, #tpu.memory_space<hbm>>
          %dma_start3A_99 = tpu.memref_squeeze %dma_start3A_98 : memref<1x128xi32, #tpu.memory_space<hbm>> -> memref<128xi32, #tpu.memory_space<hbm>>
          tpu.enqueue_dma source(%dma_start3A_99 : memref<128xi32, #tpu.memory_space<hbm>>) target(%arg7 : memref<128xi32, #tpu.memory_space<vmem>>) target_semaphore(%run_scoped3A : memref<!tpu.dma_semaphore, #tpu.memory_space<semaphore_mem>>)
          %dma_wait3A_100 = arith.constant 0 : i32
          %dma_wait3A_101 = tpu.memref_slice %arg4[%add3A_78, %dma_wait3A_100] : memref<2560x128xi32, #tpu.memory_space<hbm>> -> memref<1x128xi32, #tpu.memory_space<hbm>>
          %dma_wait3A_102 = tpu.memref_squeeze %dma_wait3A_101 : memref<1x128xi32, #tpu.memory_space<hbm>> -> memref<128xi32, #tpu.memory_space<hbm>>
          %dma_wait3A_103 = arith.constant 0 : i32
          %dma_wait3A_104 = tpu.memref_slice %arg4[%add3A_78, %dma_wait3A_103] : memref<2560x128xi32, #tpu.memory_space<hbm>> -> memref<1x128xi32, #tpu.memory_space<hbm>>
          %dma_wait3A_105 = tpu.memref_squeeze %dma_wait3A_104 : memref<1x128xi32, #tpu.memory_space<hbm>> -> memref<128xi32, #tpu.memory_space<hbm>>
          tpu.wait_dma2 semaphore(%run_scoped3A : memref<!tpu.dma_semaphore, #tpu.memory_space<semaphore_mem>>) src(%dma_wait3A_105 : memref<128xi32, #tpu.memory_space<hbm>>) dst(%arg7 : memref<128xi32, #tpu.memory_space<vmem>>)
          tpu.yield
        }) : () -> ()
        %dma_start3A_79 = arith.constant 0 : i32
        %dma_start3A_80 = arith.constant 0 : i32
        %dma_start3A_81 = tpu.memref_slice %arg2[%dma_start3A_79, %dma_start3A_80] : memref<10240x128xf32, #tpu.memory_space<hbm>> -> memref<10240x128xf32, #tpu.memory_space<hbm>>
        tpu.enqueue_indirect_dma source(%dma_start3A_81 : memref<10240x128xf32, #tpu.memory_space<hbm>>) target(%arg10 : memref<128x128xf32, #tpu.memory_space<vmem>>) offsets(%arg6 : memref<128xi32, #tpu.memory_space<vmem>>) semaphore(%arg13 : memref<!tpu.dma_semaphore, #tpu.memory_space<semaphore_mem>>)
        %dma_wait3A_82 = arith.constant 0 : i32
        %dma_wait3A_83 = arith.constant 0 : i32
        %dma_wait3A_84 = tpu.memref_slice %arg12[%dma_wait3A_82, %dma_wait3A_83] : memref<10240x128xf32, #tpu.memory_space<vmem_shared>> -> memref<10240x128xf32, #tpu.memory_space<vmem_shared>>
        tpu.wait_indirect_dma semaphore(%arg16 : memref<!tpu.dma_semaphore, #tpu.memory_space<semaphore_mem>>) src(%arg11 : memref<128x128xf32, #tpu.memory_space<vmem>>) dst(%dma_wait3A_84 : memref<10240x128xf32, #tpu.memory_space<vmem_shared>>)
        %mul3A_85 = arith.constant 2 : i32
        %mul3A_86 = arith.muli %mul3A_85, %while3A_55 : i32
        %add3A_87 = arith.constant 3 : i32
        %add3A_88 = arith.addi %mul3A_86, %add3A_87 : i32
        %add3A_89 = arith.addi %select_n3A, %add3A_88 : i32
        "tpu.region"() ({
          %run_scoped3A = tpu.sem_alloc : memref<!tpu.dma_semaphore, #tpu.memory_space<semaphore_mem>>
          %dma_start3A_94 = arith.constant 0 : i32
          %dma_start3A_95 = tpu.memref_slice %arg3[%add3A_89, %dma_start3A_94] : memref<2560x128xi32, #tpu.memory_space<hbm>> -> memref<1x128xi32, #tpu.memory_space<hbm>>
          %dma_start3A_96 = tpu.memref_squeeze %dma_start3A_95 : memref<1x128xi32, #tpu.memory_space<hbm>> -> memref<128xi32, #tpu.memory_space<hbm>>
          %dma_start3A_97 = arith.constant 0 : i32
          %dma_start3A_98 = tpu.memref_slice %arg3[%add3A_89, %dma_start3A_97] : memref<2560x128xi32, #tpu.memory_space<hbm>> -> memref<1x128xi32, #tpu.memory_space<hbm>>
          %dma_start3A_99 = tpu.memref_squeeze %dma_start3A_98 : memref<1x128xi32, #tpu.memory_space<hbm>> -> memref<128xi32, #tpu.memory_space<hbm>>
          tpu.enqueue_dma source(%dma_start3A_99 : memref<128xi32, #tpu.memory_space<hbm>>) target(%arg8 : memref<128xi32, #tpu.memory_space<vmem>>) target_semaphore(%run_scoped3A : memref<!tpu.dma_semaphore, #tpu.memory_space<semaphore_mem>>)
          %dma_wait3A_100 = arith.constant 0 : i32
          %dma_wait3A_101 = tpu.memref_slice %arg3[%add3A_89, %dma_wait3A_100] : memref<2560x128xi32, #tpu.memory_space<hbm>> -> memref<1x128xi32, #tpu.memory_space<hbm>>
          %dma_wait3A_102 = tpu.memref_squeeze %dma_wait3A_101 : memref<1x128xi32, #tpu.memory_space<hbm>> -> memref<128xi32, #tpu.memory_space<hbm>>
          %dma_wait3A_103 = arith.constant 0 : i32
          %dma_wait3A_104 = tpu.memref_slice %arg3[%add3A_89, %dma_wait3A_103] : memref<2560x128xi32, #tpu.memory_space<hbm>> -> memref<1x128xi32, #tpu.memory_space<hbm>>
          %dma_wait3A_105 = tpu.memref_squeeze %dma_wait3A_104 : memref<1x128xi32, #tpu.memory_space<hbm>> -> memref<128xi32, #tpu.memory_space<hbm>>
          tpu.wait_dma2 semaphore(%run_scoped3A : memref<!tpu.dma_semaphore, #tpu.memory_space<semaphore_mem>>) src(%dma_wait3A_105 : memref<128xi32, #tpu.memory_space<hbm>>) dst(%arg8 : memref<128xi32, #tpu.memory_space<vmem>>)
          tpu.yield
        }) : () -> ()
        %add3A_90 = arith.addi %select_n3A, %add3A_88 : i32
        "tpu.region"() ({
          %run_scoped3A = tpu.sem_alloc : memref<!tpu.dma_semaphore, #tpu.memory_space<semaphore_mem>>
          %dma_start3A_94 = arith.constant 0 : i32
          %dma_start3A_95 = tpu.memref_slice %arg4[%add3A_90, %dma_start3A_94] : memref<2560x128xi32, #tpu.memory_space<hbm>> -> memref<1x128xi32, #tpu.memory_space<hbm>>
          %dma_start3A_96 = tpu.memref_squeeze %dma_start3A_95 : memref<1x128xi32, #tpu.memory_space<hbm>> -> memref<128xi32, #tpu.memory_space<hbm>>
          %dma_start3A_97 = arith.constant 0 : i32
          %dma_start3A_98 = tpu.memref_slice %arg4[%add3A_90, %dma_start3A_97] : memref<2560x128xi32, #tpu.memory_space<hbm>> -> memref<1x128xi32, #tpu.memory_space<hbm>>
          %dma_start3A_99 = tpu.memref_squeeze %dma_start3A_98 : memref<1x128xi32, #tpu.memory_space<hbm>> -> memref<128xi32, #tpu.memory_space<hbm>>
          tpu.enqueue_dma source(%dma_start3A_99 : memref<128xi32, #tpu.memory_space<hbm>>) target(%arg9 : memref<128xi32, #tpu.memory_space<vmem>>) target_semaphore(%run_scoped3A : memref<!tpu.dma_semaphore, #tpu.memory_space<semaphore_mem>>)
          %dma_wait3A_100 = arith.constant 0 : i32
          %dma_wait3A_101 = tpu.memref_slice %arg4[%add3A_90, %dma_wait3A_100] : memref<2560x128xi32, #tpu.memory_space<hbm>> -> memref<1x128xi32, #tpu.memory_space<hbm>>
          %dma_wait3A_102 = tpu.memref_squeeze %dma_wait3A_101 : memref<1x128xi32, #tpu.memory_space<hbm>> -> memref<128xi32, #tpu.memory_space<hbm>>
          %dma_wait3A_103 = arith.constant 0 : i32
          %dma_wait3A_104 = tpu.memref_slice %arg4[%add3A_90, %dma_wait3A_103] : memref<2560x128xi32, #tpu.memory_space<hbm>> -> memref<1x128xi32, #tpu.memory_space<hbm>>
          %dma_wait3A_105 = tpu.memref_squeeze %dma_wait3A_104 : memref<1x128xi32, #tpu.memory_space<hbm>> -> memref<128xi32, #tpu.memory_space<hbm>>
          tpu.wait_dma2 semaphore(%run_scoped3A : memref<!tpu.dma_semaphore, #tpu.memory_space<semaphore_mem>>) src(%dma_wait3A_105 : memref<128xi32, #tpu.memory_space<hbm>>) dst(%arg9 : memref<128xi32, #tpu.memory_space<vmem>>)
          tpu.yield
        }) : () -> ()
        %dma_start3A_91 = arith.constant 0 : i32
        %dma_start3A_92 = arith.constant 0 : i32
        %dma_start3A_93 = tpu.memref_slice %arg2[%dma_start3A_91, %dma_start3A_92] : memref<10240x128xf32, #tpu.memory_space<hbm>> -> memref<10240x128xf32, #tpu.memory_space<hbm>>
        tpu.enqueue_indirect_dma source(%dma_start3A_93 : memref<10240x128xf32, #tpu.memory_space<hbm>>) target(%arg11 : memref<128x128xf32, #tpu.memory_space<vmem>>) offsets(%arg8 : memref<128xi32, #tpu.memory_space<vmem>>) semaphore(%arg14 : memref<!tpu.dma_semaphore, #tpu.memory_space<semaphore_mem>>)
      } else {
      }
    }
    %while3A_44 = arith.constant 1 : i32
    scf.for %while3A_55 = %while3A_42 to %while3A_38 step %while3A_44  : i32 {
      %dma_wait3A_56 = arith.constant 0 : i32
      %dma_wait3A_57 = arith.constant 0 : i32
      %dma_wait3A_58 = tpu.memref_slice %arg2[%dma_wait3A_56, %dma_wait3A_57] : memref<10240x128xf32, #tpu.memory_space<hbm>> -> memref<10240x128xf32, #tpu.memory_space<hbm>>
      tpu.wait_indirect_dma semaphore(%arg13 : memref<!tpu.dma_semaphore, #tpu.memory_space<semaphore_mem>>) src(%dma_wait3A_58 : memref<10240x128xf32, #tpu.memory_space<hbm>>) dst(%arg10 : memref<128x128xf32, #tpu.memory_space<vmem>>)
      %dma_start3A_59 = arith.constant 0 : i32
      %dma_start3A_60 = arith.constant 0 : i32
      %dma_start3A_61 = tpu.memref_slice %arg12[%dma_start3A_59, %dma_start3A_60] : memref<10240x128xf32, #tpu.memory_space<vmem_shared>> -> memref<10240x128xf32, #tpu.memory_space<vmem_shared>>
      tpu.enqueue_indirect_dma source(%arg10 : memref<128x128xf32, #tpu.memory_space<vmem>>) target(%dma_start3A_61 : memref<10240x128xf32, #tpu.memory_space<vmem_shared>>) offsets(%arg7 : memref<128xi32, #tpu.memory_space<vmem>>) semaphore(%arg15 : memref<!tpu.dma_semaphore, #tpu.memory_space<semaphore_mem>>) {add = true}
      %dma_wait3A_62 = arith.constant 0 : i32
      %dma_wait3A_63 = arith.constant 0 : i32
      %dma_wait3A_64 = tpu.memref_slice %arg2[%dma_wait3A_62, %dma_wait3A_63] : memref<10240x128xf32, #tpu.memory_space<hbm>> -> memref<10240x128xf32, #tpu.memory_space<hbm>>
      tpu.wait_indirect_dma semaphore(%arg14 : memref<!tpu.dma_semaphore, #tpu.memory_space<semaphore_mem>>) src(%dma_wait3A_64 : memref<10240x128xf32, #tpu.memory_space<hbm>>) dst(%arg11 : memref<128x128xf32, #tpu.memory_space<vmem>>)
      %dma_start3A_65 = arith.constant 0 : i32
      %dma_start3A_66 = arith.constant 0 : i32
      %dma_start3A_67 = tpu.memref_slice %arg12[%dma_start3A_65, %dma_start3A_66] : memref<10240x128xf32, #tpu.memory_space<vmem_shared>> -> memref<10240x128xf32, #tpu.memory_space<vmem_shared>>
      tpu.enqueue_indirect_dma source(%arg11 : memref<128x128xf32, #tpu.memory_space<vmem>>) target(%dma_start3A_67 : memref<10240x128xf32, #tpu.memory_space<vmem_shared>>) offsets(%arg9 : memref<128xi32, #tpu.memory_space<vmem>>) semaphore(%arg16 : memref<!tpu.dma_semaphore, #tpu.memory_space<semaphore_mem>>) {add = true}
      %sub3A = arith.constant 1 : i32
      %sub3A_68 = arith.subi %select_n3A_22, %sub3A : i32
      %lt3A = arith.cmpi slt, %while3A_55, %sub3A_68 : i32
      %convert_element_type3A = arith.extui %lt3A : i1 to i32
      %cond3A = arith.constant 0 : i32
      %cond3A_69 = arith.cmpi ne, %convert_element_type3A, %cond3A : i32
      scf.if %cond3A_69 {
        %dma_wait3A_70 = arith.constant 0 : i32
        %dma_wait3A_71 = arith.constant 0 : i32
        %dma_wait3A_72 = tpu.memref_slice %arg12[%dma_wait3A_70, %dma_wait3A_71] : memref<10240x128xf32, #tpu.memory_space<vmem_shared>> -> memref<10240x128xf32, #tpu.memory_space<vmem_shared>>
        tpu.wait_indirect_dma semaphore(%arg15 : memref<!tpu.dma_semaphore, #tpu.memory_space<semaphore_mem>>) src(%arg10 : memref<128x128xf32, #tpu.memory_space<vmem>>) dst(%dma_wait3A_72 : memref<10240x128xf32, #tpu.memory_space<vmem_shared>>)
        %mul3A_73 = arith.constant 2 : i32
        %mul3A_74 = arith.muli %mul3A_73, %while3A_55 : i32
        %add3A_75 = arith.constant 2 : i32
        %add3A_76 = arith.addi %mul3A_74, %add3A_75 : i32
        %add3A_77 = arith.addi %select_n3A, %add3A_76 : i32
        "tpu.region"() ({
          %run_scoped3A = tpu.sem_alloc : memref<!tpu.dma_semaphore, #tpu.memory_space<semaphore_mem>>
          %dma_start3A_94 = arith.constant 0 : i32
          %dma_start3A_95 = tpu.memref_slice %arg3[%add3A_77, %dma_start3A_94] : memref<2560x128xi32, #tpu.memory_space<hbm>> -> memref<1x128xi32, #tpu.memory_space<hbm>>
          %dma_start3A_96 = tpu.memref_squeeze %dma_start3A_95 : memref<1x128xi32, #tpu.memory_space<hbm>> -> memref<128xi32, #tpu.memory_space<hbm>>
          %dma_start3A_97 = arith.constant 0 : i32
          %dma_start3A_98 = tpu.memref_slice %arg3[%add3A_77, %dma_start3A_97] : memref<2560x128xi32, #tpu.memory_space<hbm>> -> memref<1x128xi32, #tpu.memory_space<hbm>>
          %dma_start3A_99 = tpu.memref_squeeze %dma_start3A_98 : memref<1x128xi32, #tpu.memory_space<hbm>> -> memref<128xi32, #tpu.memory_space<hbm>>
          tpu.enqueue_dma source(%dma_start3A_99 : memref<128xi32, #tpu.memory_space<hbm>>) target(%arg6 : memref<128xi32, #tpu.memory_space<vmem>>) target_semaphore(%run_scoped3A : memref<!tpu.dma_semaphore, #tpu.memory_space<semaphore_mem>>)
          %dma_wait3A_100 = arith.constant 0 : i32
          %dma_wait3A_101 = tpu.memref_slice %arg3[%add3A_77, %dma_wait3A_100] : memref<2560x128xi32, #tpu.memory_space<hbm>> -> memref<1x128xi32, #tpu.memory_space<hbm>>
          %dma_wait3A_102 = tpu.memref_squeeze %dma_wait3A_101 : memref<1x128xi32, #tpu.memory_space<hbm>> -> memref<128xi32, #tpu.memory_space<hbm>>
          %dma_wait3A_103 = arith.constant 0 : i32
          %dma_wait3A_104 = tpu.memref_slice %arg3[%add3A_77, %dma_wait3A_103] : memref<2560x128xi32, #tpu.memory_space<hbm>> -> memref<1x128xi32, #tpu.memory_space<hbm>>
          %dma_wait3A_105 = tpu.memref_squeeze %dma_wait3A_104 : memref<1x128xi32, #tpu.memory_space<hbm>> -> memref<128xi32, #tpu.memory_space<hbm>>
          tpu.wait_dma2 semaphore(%run_scoped3A : memref<!tpu.dma_semaphore, #tpu.memory_space<semaphore_mem>>) src(%dma_wait3A_105 : memref<128xi32, #tpu.memory_space<hbm>>) dst(%arg6 : memref<128xi32, #tpu.memory_space<vmem>>)
          tpu.yield
        }) : () -> ()
        %add3A_78 = arith.addi %select_n3A, %add3A_76 : i32
        "tpu.region"() ({
          %run_scoped3A = tpu.sem_alloc : memref<!tpu.dma_semaphore, #tpu.memory_space<semaphore_mem>>
          %dma_start3A_94 = arith.constant 0 : i32
          %dma_start3A_95 = tpu.memref_slice %arg4[%add3A_78, %dma_start3A_94] : memref<2560x128xi32, #tpu.memory_space<hbm>> -> memref<1x128xi32, #tpu.memory_space<hbm>>
          %dma_start3A_96 = tpu.memref_squeeze %dma_start3A_95 : memref<1x128xi32, #tpu.memory_space<hbm>> -> memref<128xi32, #tpu.memory_space<hbm>>
          %dma_start3A_97 = arith.constant 0 : i32
          %dma_start3A_98 = tpu.memref_slice %arg4[%add3A_78, %dma_start3A_97] : memref<2560x128xi32, #tpu.memory_space<hbm>> -> memref<1x128xi32, #tpu.memory_space<hbm>>
          %dma_start3A_99 = tpu.memref_squeeze %dma_start3A_98 : memref<1x128xi32, #tpu.memory_space<hbm>> -> memref<128xi32, #tpu.memory_space<hbm>>
          tpu.enqueue_dma source(%dma_start3A_99 : memref<128xi32, #tpu.memory_space<hbm>>) target(%arg7 : memref<128xi32, #tpu.memory_space<vmem>>) target_semaphore(%run_scoped3A : memref<!tpu.dma_semaphore, #tpu.memory_space<semaphore_mem>>)
          %dma_wait3A_100 = arith.constant 0 : i32
          %dma_wait3A_101 = tpu.memref_slice %arg4[%add3A_78, %dma_wait3A_100] : memref<2560x128xi32, #tpu.memory_space<hbm>> -> memref<1x128xi32, #tpu.memory_space<hbm>>
          %dma_wait3A_102 = tpu.memref_squeeze %dma_wait3A_101 : memref<1x128xi32, #tpu.memory_space<hbm>> -> memref<128xi32, #tpu.memory_space<hbm>>
          %dma_wait3A_103 = arith.constant 0 : i32
          %dma_wait3A_104 = tpu.memref_slice %arg4[%add3A_78, %dma_wait3A_103] : memref<2560x128xi32, #tpu.memory_space<hbm>> -> memref<1x128xi32, #tpu.memory_space<hbm>>
          %dma_wait3A_105 = tpu.memref_squeeze %dma_wait3A_104 : memref<1x128xi32, #tpu.memory_space<hbm>> -> memref<128xi32, #tpu.memory_space<hbm>>
          tpu.wait_dma2 semaphore(%run_scoped3A : memref<!tpu.dma_semaphore, #tpu.memory_space<semaphore_mem>>) src(%dma_wait3A_105 : memref<128xi32, #tpu.memory_space<hbm>>) dst(%arg7 : memref<128xi32, #tpu.memory_space<vmem>>)
          tpu.yield
        }) : () -> ()
        %dma_start3A_79 = arith.constant 0 : i32
        %dma_start3A_80 = arith.constant 0 : i32
        %dma_start3A_81 = tpu.memref_slice %arg2[%dma_start3A_79, %dma_start3A_80] : memref<10240x128xf32, #tpu.memory_space<hbm>> -> memref<10240x128xf32, #tpu.memory_space<hbm>>
        tpu.enqueue_indirect_dma source(%dma_start3A_81 : memref<10240x128xf32, #tpu.memory_space<hbm>>) target(%arg10 : memref<128x128xf32, #tpu.memory_space<vmem>>) offsets(%arg6 : memref<128xi32, #tpu.memory_space<vmem>>) semaphore(%arg13 : memref<!tpu.dma_semaphore, #tpu.memory_space<semaphore_mem>>)
        %dma_wait3A_82 = arith.constant 0 : i32
        %dma_wait3A_83 = arith.constant 0 : i32
        %dma_wait3A_84 = tpu.memref_slice %arg12[%dma_wait3A_82, %dma_wait3A_83] : memref<10240x128xf32, #tpu.memory_space<vmem_shared>> -> memref<10240x128xf32, #tpu.memory_space<vmem_shared>>
        tpu.wait_indirect_dma semaphore(%arg16 : memref<!tpu.dma_semaphore, #tpu.memory_space<semaphore_mem>>) src(%arg11 : memref<128x128xf32, #tpu.memory_space<vmem>>) dst(%dma_wait3A_84 : memref<10240x128xf32, #tpu.memory_space<vmem_shared>>)
        %mul3A_85 = arith.constant 2 : i32
        %mul3A_86 = arith.muli %mul3A_85, %while3A_55 : i32
        %add3A_87 = arith.constant 3 : i32
        %add3A_88 = arith.addi %mul3A_86, %add3A_87 : i32
        %add3A_89 = arith.addi %select_n3A, %add3A_88 : i32
        "tpu.region"() ({
          %run_scoped3A = tpu.sem_alloc : memref<!tpu.dma_semaphore, #tpu.memory_space<semaphore_mem>>
          %dma_start3A_94 = arith.constant 0 : i32
          %dma_start3A_95 = tpu.memref_slice %arg3[%add3A_89, %dma_start3A_94] : memref<2560x128xi32, #tpu.memory_space<hbm>> -> memref<1x128xi32, #tpu.memory_space<hbm>>
          %dma_start3A_96 = tpu.memref_squeeze %dma_start3A_95 : memref<1x128xi32, #tpu.memory_space<hbm>> -> memref<128xi32, #tpu.memory_space<hbm>>
          %dma_start3A_97 = arith.constant 0 : i32
          %dma_start3A_98 = tpu.memref_slice %arg3[%add3A_89, %dma_start3A_97] : memref<2560x128xi32, #tpu.memory_space<hbm>> -> memref<1x128xi32, #tpu.memory_space<hbm>>
          %dma_start3A_99 = tpu.memref_squeeze %dma_start3A_98 : memref<1x128xi32, #tpu.memory_space<hbm>> -> memref<128xi32, #tpu.memory_space<hbm>>
          tpu.enqueue_dma source(%dma_start3A_99 : memref<128xi32, #tpu.memory_space<hbm>>) target(%arg8 : memref<128xi32, #tpu.memory_space<vmem>>) target_semaphore(%run_scoped3A : memref<!tpu.dma_semaphore, #tpu.memory_space<semaphore_mem>>)
          %dma_wait3A_100 = arith.constant 0 : i32
          %dma_wait3A_101 = tpu.memref_slice %arg3[%add3A_89, %dma_wait3A_100] : memref<2560x128xi32, #tpu.memory_space<hbm>> -> memref<1x128xi32, #tpu.memory_space<hbm>>
          %dma_wait3A_102 = tpu.memref_squeeze %dma_wait3A_101 : memref<1x128xi32, #tpu.memory_space<hbm>> -> memref<128xi32, #tpu.memory_space<hbm>>
          %dma_wait3A_103 = arith.constant 0 : i32
          %dma_wait3A_104 = tpu.memref_slice %arg3[%add3A_89, %dma_wait3A_103] : memref<2560x128xi32, #tpu.memory_space<hbm>> -> memref<1x128xi32, #tpu.memory_space<hbm>>
          %dma_wait3A_105 = tpu.memref_squeeze %dma_wait3A_104 : memref<1x128xi32, #tpu.memory_space<hbm>> -> memref<128xi32, #tpu.memory_space<hbm>>
          tpu.wait_dma2 semaphore(%run_scoped3A : memref<!tpu.dma_semaphore, #tpu.memory_space<semaphore_mem>>) src(%dma_wait3A_105 : memref<128xi32, #tpu.memory_space<hbm>>) dst(%arg8 : memref<128xi32, #tpu.memory_space<vmem>>)
          tpu.yield
        }) : () -> ()
        %add3A_90 = arith.addi %select_n3A, %add3A_88 : i32
        "tpu.region"() ({
          %run_scoped3A = tpu.sem_alloc : memref<!tpu.dma_semaphore, #tpu.memory_space<semaphore_mem>>
          %dma_start3A_94 = arith.constant 0 : i32
          %dma_start3A_95 = tpu.memref_slice %arg4[%add3A_90, %dma_start3A_94] : memref<2560x128xi32, #tpu.memory_space<hbm>> -> memref<1x128xi32, #tpu.memory_space<hbm>>
          %dma_start3A_96 = tpu.memref_squeeze %dma_start3A_95 : memref<1x128xi32, #tpu.memory_space<hbm>> -> memref<128xi32, #tpu.memory_space<hbm>>
          %dma_start3A_97 = arith.constant 0 : i32
          %dma_start3A_98 = tpu.memref_slice %arg4[%add3A_90, %dma_start3A_97] : memref<2560x128xi32, #tpu.memory_space<hbm>> -> memref<1x128xi32, #tpu.memory_space<hbm>>
          %dma_start3A_99 = tpu.memref_squeeze %dma_start3A_98 : memref<1x128xi32, #tpu.memory_space<hbm>> -> memref<128xi32, #tpu.memory_space<hbm>>
          tpu.enqueue_dma source(%dma_start3A_99 : memref<128xi32, #tpu.memory_space<hbm>>) target(%arg9 : memref<128xi32, #tpu.memory_space<vmem>>) target_semaphore(%run_scoped3A : memref<!tpu.dma_semaphore, #tpu.memory_space<semaphore_mem>>)
          %dma_wait3A_100 = arith.constant 0 : i32
          %dma_wait3A_101 = tpu.memref_slice %arg4[%add3A_90, %dma_wait3A_100] : memref<2560x128xi32, #tpu.memory_space<hbm>> -> memref<1x128xi32, #tpu.memory_space<hbm>>
          %dma_wait3A_102 = tpu.memref_squeeze %dma_wait3A_101 : memref<1x128xi32, #tpu.memory_space<hbm>> -> memref<128xi32, #tpu.memory_space<hbm>>
          %dma_wait3A_103 = arith.constant 0 : i32
          %dma_wait3A_104 = tpu.memref_slice %arg4[%add3A_90, %dma_wait3A_103] : memref<2560x128xi32, #tpu.memory_space<hbm>> -> memref<1x128xi32, #tpu.memory_space<hbm>>
          %dma_wait3A_105 = tpu.memref_squeeze %dma_wait3A_104 : memref<1x128xi32, #tpu.memory_space<hbm>> -> memref<128xi32, #tpu.memory_space<hbm>>
          tpu.wait_dma2 semaphore(%run_scoped3A : memref<!tpu.dma_semaphore, #tpu.memory_space<semaphore_mem>>) src(%dma_wait3A_105 : memref<128xi32, #tpu.memory_space<hbm>>) dst(%arg9 : memref<128xi32, #tpu.memory_space<vmem>>)
          tpu.yield
        }) : () -> ()
        %dma_start3A_91 = arith.constant 0 : i32
        %dma_start3A_92 = arith.constant 0 : i32
        %dma_start3A_93 = tpu.memref_slice %arg2[%dma_start3A_91, %dma_start3A_92] : memref<10240x128xf32, #tpu.memory_space<hbm>> -> memref<10240x128xf32, #tpu.memory_space<hbm>>
        tpu.enqueue_indirect_dma source(%dma_start3A_93 : memref<10240x128xf32, #tpu.memory_space<hbm>>) target(%arg11 : memref<128x128xf32, #tpu.memory_space<vmem>>) offsets(%arg8 : memref<128xi32, #tpu.memory_space<vmem>>) semaphore(%arg14 : memref<!tpu.dma_semaphore, #tpu.memory_space<semaphore_mem>>)
      } else {
      }
    }
    %dma_wait3A = arith.constant 0 : i32
    %dma_wait3A_45 = arith.constant 0 : i32
    %dma_wait3A_46 = tpu.memref_slice %arg12[%dma_wait3A, %dma_wait3A_45] : memref<10240x128xf32, #tpu.memory_space<vmem_shared>> -> memref<10240x128xf32, #tpu.memory_space<vmem_shared>>
    tpu.wait_indirect_dma semaphore(%arg15 : memref<!tpu.dma_semaphore, #tpu.memory_space<semaphore_mem>>) src(%arg10 : memref<128x128xf32, #tpu.memory_space<vmem>>) dst(%dma_wait3A_46 : memref<10240x128xf32, #tpu.memory_space<vmem_shared>>)
    %dma_wait3A_47 = arith.constant 0 : i32
    %dma_wait3A_48 = arith.constant 0 : i32
    %dma_wait3A_49 = tpu.memref_slice %arg12[%dma_wait3A_47, %dma_wait3A_48] : memref<10240x128xf32, #tpu.memory_space<vmem_shared>> -> memref<10240x128xf32, #tpu.memory_space<vmem_shared>>
    tpu.wait_indirect_dma semaphore(%arg16 : memref<!tpu.dma_semaphore, #tpu.memory_space<semaphore_mem>>) src(%arg11 : memref<128x128xf32, #tpu.memory_space<vmem>>) dst(%dma_wait3A_49 : memref<10240x128xf32, #tpu.memory_space<vmem_shared>>)
    %barrier3A_50 = arith.constant 0 : index
    tpu.barrier barrier_id(%barrier3A_50)
    %mul3A_51 = arith.constant 640 : i32
    %mul3A_52 = arith.muli %arg1, %mul3A_51 : i32
    %mul3A_53 = arith.constant 640 : i32
    %mul3A_54 = arith.muli %arg1, %mul3A_53 : i32
    "tpu.region"() ({
      %run_scoped3A = tpu.sem_alloc : memref<!tpu.dma_semaphore, #tpu.memory_space<semaphore_mem>>
      %dma_start3A_55 = arith.constant 0 : i32
      %dma_start3A_56 = tpu.memref_slice %arg5[%arg0, %mul3A_54, %dma_start3A_55] : memref<2x10240x128xf32, #tpu.memory_space<hbm>> -> memref<1x640x128xf32, #tpu.memory_space<hbm>>
      %dma_start3A_57 = tpu.memref_squeeze %dma_start3A_56 : memref<1x640x128xf32, #tpu.memory_space<hbm>> -> memref<640x128xf32, #tpu.memory_space<hbm>>
      %dma_start3A_58 = arith.constant 0 : i32
      %dma_start3A_59 = tpu.memref_slice %arg12[%mul3A_52, %dma_start3A_58] : memref<10240x128xf32, #tpu.memory_space<vmem_shared>> -> memref<640x128xf32, #tpu.memory_space<vmem_shared>>
      tpu.enqueue_dma source(%dma_start3A_59 : memref<640x128xf32, #tpu.memory_space<vmem_shared>>) target(%dma_start3A_57 : memref<640x128xf32, #tpu.memory_space<hbm>>) target_semaphore(%run_scoped3A : memref<!tpu.dma_semaphore, #tpu.memory_space<semaphore_mem>>)
      %dma_wait3A_60 = arith.constant 0 : i32
      %dma_wait3A_61 = tpu.memref_slice %arg5[%arg0, %mul3A_54, %dma_wait3A_60] : memref<2x10240x128xf32, #tpu.memory_space<hbm>> -> memref<1x640x128xf32, #tpu.memory_space<hbm>>
      %dma_wait3A_62 = tpu.memref_squeeze %dma_wait3A_61 : memref<1x640x128xf32, #tpu.memory_space<hbm>> -> memref<640x128xf32, #tpu.memory_space<hbm>>
      %dma_wait3A_63 = arith.constant 0 : i32
      %dma_wait3A_64 = tpu.memref_slice %arg12[%mul3A_52, %dma_wait3A_63] : memref<10240x128xf32, #tpu.memory_space<vmem_shared>> -> memref<640x128xf32, #tpu.memory_space<vmem_shared>>
      tpu.wait_dma2 semaphore(%run_scoped3A : memref<!tpu.dma_semaphore, #tpu.memory_space<semaphore_mem>>) src(%dma_wait3A_64 : memref<640x128xf32, #tpu.memory_space<vmem_shared>>) dst(%dma_wait3A_62 : memref<640x128xf32, #tpu.memory_space<hbm>>)
      tpu.yield
    }) : () -> ()
    return
  }
}

#map = affine_map<(d0, d1) -> (0, 0)>
#map1 = affine_map<(d0, d1) -> (0, 0, 0)>
module attributes {stable_mosaic.version = 14 : i64} {
  func.func @_deg_body(%arg0: i32, %arg1: i32, %arg2: memref<2560x128xi32, #tpu.memory_space<hbm>>, %arg3: memref<2x10240x128xf32, #tpu.memory_space<hbm>>, %arg4: memref<128xi32, #tpu.memory_space<vmem>>, %arg5: memref<128x128xf32, #tpu.memory_space<vmem>>, %arg6: memref<10240x128xf32, #tpu.memory_space<vmem_shared>>) attributes {dimension_semantics = [#tpu.dimension_semantics<core_parallel>, #tpu.dimension_semantics<subcore_parallel>], iteration_bounds = array<i64: 2, 16>, scalar_prefetch = 0 : i64, scratch_operands = 3 : i64, tpu.core_type = #tpu.core_type<sc_vector_subcore>, window_params = [{transform_indices = #map}, {transform_indices = #map1}]} {
    %mul3A = arith.constant 2 : i32
    %mul3A_0 = arith.muli %arg1, %mul3A : i32
    %add3A = arith.addi %mul3A_0, %arg0 : i32
    %scan3A = arith.constant 0 : i32
    %scan3A_1 = arith.constant 0 : i32
    %scan3A_2 = arith.constant 128 : i32
    %scan3A_3 = arith.addi %scan3A_1, %scan3A_2 : i32
    %scan3A_4 = arith.constant 1 : i32
    scf.for %scan3A_35 = %scan3A_1 to %scan3A_3 step %scan3A_4  : i32 {
      %broadcast_in_dim3A = arith.constant 1.000000e+00 : f32
      %broadcast_in_dim3A_36 = vector.broadcast %broadcast_in_dim3A : f32 to vector<16xf32>
      %swap3A = arith.index_cast %scan3A_35 : i32 to index
      %swap3A_37 = arith.constant 0 : index
      %swap3A_38 = tpu.vector_load %arg5[%swap3A, %swap3A_37] {strides = array<i32>} : memref<128x128xf32, #tpu.memory_space<vmem>>, vector<1x16xf32>,
      %swap3A_39 = vector.shape_cast %swap3A_38 : vector<1x16xf32> to vector<16xf32>
      %swap3A_40 = vector.shape_cast %broadcast_in_dim3A_36 : vector<16xf32> to vector<1x16xf32>
      tpu.vector_store %arg5[%swap3A, %swap3A_37], %swap3A_40 {strides = array<i32>} : memref<128x128xf32, #tpu.memory_space<vmem>>, vector<1x16xf32>,
      %broadcast_in_dim3A_41 = arith.constant 1.000000e+00 : f32
      %broadcast_in_dim3A_42 = vector.broadcast %broadcast_in_dim3A_41 : f32 to vector<16xf32>
      %swap3A_43 = arith.index_cast %scan3A_35 : i32 to index
      %swap3A_44 = arith.constant 16 : index
      %swap3A_45 = tpu.vector_load %arg5[%swap3A_43, %swap3A_44] {strides = array<i32>} : memref<128x128xf32, #tpu.memory_space<vmem>>, vector<1x16xf32>,
      %swap3A_46 = vector.shape_cast %swap3A_45 : vector<1x16xf32> to vector<16xf32>
      %swap3A_47 = vector.shape_cast %broadcast_in_dim3A_42 : vector<16xf32> to vector<1x16xf32>
      tpu.vector_store %arg5[%swap3A_43, %swap3A_44], %swap3A_47 {strides = array<i32>} : memref<128x128xf32, #tpu.memory_space<vmem>>, vector<1x16xf32>,
      %broadcast_in_dim3A_48 = arith.constant 1.000000e+00 : f32
      %broadcast_in_dim3A_49 = vector.broadcast %broadcast_in_dim3A_48 : f32 to vector<16xf32>
      %swap3A_50 = arith.index_cast %scan3A_35 : i32 to index
      %swap3A_51 = arith.constant 32 : index
      %swap3A_52 = tpu.vector_load %arg5[%swap3A_50, %swap3A_51] {strides = array<i32>} : memref<128x128xf32, #tpu.memory_space<vmem>>, vector<1x16xf32>,
      %swap3A_53 = vector.shape_cast %swap3A_52 : vector<1x16xf32> to vector<16xf32>
      %swap3A_54 = vector.shape_cast %broadcast_in_dim3A_49 : vector<16xf32> to vector<1x16xf32>
      tpu.vector_store %arg5[%swap3A_50, %swap3A_51], %swap3A_54 {strides = array<i32>} : memref<128x128xf32, #tpu.memory_space<vmem>>, vector<1x16xf32>,
      %broadcast_in_dim3A_55 = arith.constant 1.000000e+00 : f32
      %broadcast_in_dim3A_56 = vector.broadcast %broadcast_in_dim3A_55 : f32 to vector<16xf32>
      %swap3A_57 = arith.index_cast %scan3A_35 : i32 to index
      %swap3A_58 = arith.constant 48 : index
      %swap3A_59 = tpu.vector_load %arg5[%swap3A_57, %swap3A_58] {strides = array<i32>} : memref<128x128xf32, #tpu.memory_space<vmem>>, vector<1x16xf32>,
      %swap3A_60 = vector.shape_cast %swap3A_59 : vector<1x16xf32> to vector<16xf32>
      %swap3A_61 = vector.shape_cast %broadcast_in_dim3A_56 : vector<16xf32> to vector<1x16xf32>
      tpu.vector_store %arg5[%swap3A_57, %swap3A_58], %swap3A_61 {strides = array<i32>} : memref<128x128xf32, #tpu.memory_space<vmem>>, vector<1x16xf32>,
      %broadcast_in_dim3A_62 = arith.constant 1.000000e+00 : f32
      %broadcast_in_dim3A_63 = vector.broadcast %broadcast_in_dim3A_62 : f32 to vector<16xf32>
      %swap3A_64 = arith.index_cast %scan3A_35 : i32 to index
      %swap3A_65 = arith.constant 64 : index
      %swap3A_66 = tpu.vector_load %arg5[%swap3A_64, %swap3A_65] {strides = array<i32>} : memref<128x128xf32, #tpu.memory_space<vmem>>, vector<1x16xf32>,
      %swap3A_67 = vector.shape_cast %swap3A_66 : vector<1x16xf32> to vector<16xf32>
      %swap3A_68 = vector.shape_cast %broadcast_in_dim3A_63 : vector<16xf32> to vector<1x16xf32>
      tpu.vector_store %arg5[%swap3A_64, %swap3A_65], %swap3A_68 {strides = array<i32>} : memref<128x128xf32, #tpu.memory_space<vmem>>, vector<1x16xf32>,
      %broadcast_in_dim3A_69 = arith.constant 1.000000e+00 : f32
      %broadcast_in_dim3A_70 = vector.broadcast %broadcast_in_dim3A_69 : f32 to vector<16xf32>
      %swap3A_71 = arith.index_cast %scan3A_35 : i32 to index
      %swap3A_72 = arith.constant 80 : index
      %swap3A_73 = tpu.vector_load %arg5[%swap3A_71, %swap3A_72] {strides = array<i32>} : memref<128x128xf32, #tpu.memory_space<vmem>>, vector<1x16xf32>,
      %swap3A_74 = vector.shape_cast %swap3A_73 : vector<1x16xf32> to vector<16xf32>
      %swap3A_75 = vector.shape_cast %broadcast_in_dim3A_70 : vector<16xf32> to vector<1x16xf32>
      tpu.vector_store %arg5[%swap3A_71, %swap3A_72], %swap3A_75 {strides = array<i32>} : memref<128x128xf32, #tpu.memory_space<vmem>>, vector<1x16xf32>,
      %broadcast_in_dim3A_76 = arith.constant 1.000000e+00 : f32
      %broadcast_in_dim3A_77 = vector.broadcast %broadcast_in_dim3A_76 : f32 to vector<16xf32>
      %swap3A_78 = arith.index_cast %scan3A_35 : i32 to index
      %swap3A_79 = arith.constant 96 : index
      %swap3A_80 = tpu.vector_load %arg5[%swap3A_78, %swap3A_79] {strides = array<i32>} : memref<128x128xf32, #tpu.memory_space<vmem>>, vector<1x16xf32>,
      %swap3A_81 = vector.shape_cast %swap3A_80 : vector<1x16xf32> to vector<16xf32>
      %swap3A_82 = vector.shape_cast %broadcast_in_dim3A_77 : vector<16xf32> to vector<1x16xf32>
      tpu.vector_store %arg5[%swap3A_78, %swap3A_79], %swap3A_82 {strides = array<i32>} : memref<128x128xf32, #tpu.memory_space<vmem>>, vector<1x16xf32>,
      %broadcast_in_dim3A_83 = arith.constant 1.000000e+00 : f32
      %broadcast_in_dim3A_84 = vector.broadcast %broadcast_in_dim3A_83 : f32 to vector<16xf32>
      %swap3A_85 = arith.index_cast %scan3A_35 : i32 to index
      %swap3A_86 = arith.constant 112 : index
      %swap3A_87 = tpu.vector_load %arg5[%swap3A_85, %swap3A_86] {strides = array<i32>} : memref<128x128xf32, #tpu.memory_space<vmem>>, vector<1x16xf32>,
      %swap3A_88 = vector.shape_cast %swap3A_87 : vector<1x16xf32> to vector<16xf32>
      %swap3A_89 = vector.shape_cast %broadcast_in_dim3A_84 : vector<16xf32> to vector<1x16xf32>
      tpu.vector_store %arg5[%swap3A_85, %swap3A_86], %swap3A_89 {strides = array<i32>} : memref<128x128xf32, #tpu.memory_space<vmem>>, vector<1x16xf32>,
    }
    %scan3A_5 = arith.constant 128 : i32
    %scan3A_6 = arith.constant 0 : i32
    %scan3A_7 = arith.constant 0 : i32
    %scan3A_8 = arith.constant 128 : i32
    %scan3A_9 = arith.addi %scan3A_7, %scan3A_8 : i32
    %scan3A_10 = arith.constant 1 : i32
    scf.for %scan3A_35 = %scan3A_7 to %scan3A_9 step %scan3A_10  : i32 {
      %broadcast_in_dim3A = arith.constant 0.000000e+00 : f32
      %broadcast_in_dim3A_36 = vector.broadcast %broadcast_in_dim3A : f32 to vector<16xf32>
      %swap3A = arith.index_cast %scan3A_35 : i32 to index
      %swap3A_37 = arith.constant 0 : index
      %swap3A_38 = tpu.vector_load %arg5[%swap3A, %swap3A_37] {strides = array<i32>} : memref<128x128xf32, #tpu.memory_space<vmem>>, vector<1x16xf32>,
      %swap3A_39 = vector.shape_cast %swap3A_38 : vector<1x16xf32> to vector<16xf32>
      %swap3A_40 = vector.shape_cast %broadcast_in_dim3A_36 : vector<16xf32> to vector<1x16xf32>
      tpu.vector_store %arg5[%swap3A, %swap3A_37], %swap3A_40 {strides = array<i32>} : memref<128x128xf32, #tpu.memory_space<vmem>>, vector<1x16xf32>,
      %broadcast_in_dim3A_41 = arith.constant 0.000000e+00 : f32
      %broadcast_in_dim3A_42 = vector.broadcast %broadcast_in_dim3A_41 : f32 to vector<16xf32>
      %swap3A_43 = arith.index_cast %scan3A_35 : i32 to index
      %swap3A_44 = arith.constant 16 : index
      %swap3A_45 = tpu.vector_load %arg5[%swap3A_43, %swap3A_44] {strides = array<i32>} : memref<128x128xf32, #tpu.memory_space<vmem>>, vector<1x16xf32>,
      %swap3A_46 = vector.shape_cast %swap3A_45 : vector<1x16xf32> to vector<16xf32>
      %swap3A_47 = vector.shape_cast %broadcast_in_dim3A_42 : vector<16xf32> to vector<1x16xf32>
      tpu.vector_store %arg5[%swap3A_43, %swap3A_44], %swap3A_47 {strides = array<i32>} : memref<128x128xf32, #tpu.memory_space<vmem>>, vector<1x16xf32>,
      %broadcast_in_dim3A_48 = arith.constant 0.000000e+00 : f32
      %broadcast_in_dim3A_49 = vector.broadcast %broadcast_in_dim3A_48 : f32 to vector<16xf32>
      %swap3A_50 = arith.index_cast %scan3A_35 : i32 to index
      %swap3A_51 = arith.constant 32 : index
      %swap3A_52 = tpu.vector_load %arg5[%swap3A_50, %swap3A_51] {strides = array<i32>} : memref<128x128xf32, #tpu.memory_space<vmem>>, vector<1x16xf32>,
      %swap3A_53 = vector.shape_cast %swap3A_52 : vector<1x16xf32> to vector<16xf32>
      %swap3A_54 = vector.shape_cast %broadcast_in_dim3A_49 : vector<16xf32> to vector<1x16xf32>
      tpu.vector_store %arg5[%swap3A_50, %swap3A_51], %swap3A_54 {strides = array<i32>} : memref<128x128xf32, #tpu.memory_space<vmem>>, vector<1x16xf32>,
      %broadcast_in_dim3A_55 = arith.constant 0.000000e+00 : f32
      %broadcast_in_dim3A_56 = vector.broadcast %broadcast_in_dim3A_55 : f32 to vector<16xf32>
      %swap3A_57 = arith.index_cast %scan3A_35 : i32 to index
      %swap3A_58 = arith.constant 48 : index
      %swap3A_59 = tpu.vector_load %arg5[%swap3A_57, %swap3A_58] {strides = array<i32>} : memref<128x128xf32, #tpu.memory_space<vmem>>, vector<1x16xf32>,
      %swap3A_60 = vector.shape_cast %swap3A_59 : vector<1x16xf32> to vector<16xf32>
      %swap3A_61 = vector.shape_cast %broadcast_in_dim3A_56 : vector<16xf32> to vector<1x16xf32>
      tpu.vector_store %arg5[%swap3A_57, %swap3A_58], %swap3A_61 {strides = array<i32>} : memref<128x128xf32, #tpu.memory_space<vmem>>, vector<1x16xf32>,
      %broadcast_in_dim3A_62 = arith.constant 0.000000e+00 : f32
      %broadcast_in_dim3A_63 = vector.broadcast %broadcast_in_dim3A_62 : f32 to vector<16xf32>
      %swap3A_64 = arith.index_cast %scan3A_35 : i32 to index
      %swap3A_65 = arith.constant 64 : index
      %swap3A_66 = tpu.vector_load %arg5[%swap3A_64, %swap3A_65] {strides = array<i32>} : memref<128x128xf32, #tpu.memory_space<vmem>>, vector<1x16xf32>,
      %swap3A_67 = vector.shape_cast %swap3A_66 : vector<1x16xf32> to vector<16xf32>
      %swap3A_68 = vector.shape_cast %broadcast_in_dim3A_63 : vector<16xf32> to vector<1x16xf32>
      tpu.vector_store %arg5[%swap3A_64, %swap3A_65], %swap3A_68 {strides = array<i32>} : memref<128x128xf32, #tpu.memory_space<vmem>>, vector<1x16xf32>,
      %broadcast_in_dim3A_69 = arith.constant 0.000000e+00 : f32
      %broadcast_in_dim3A_70 = vector.broadcast %broadcast_in_dim3A_69 : f32 to vector<16xf32>
      %swap3A_71 = arith.index_cast %scan3A_35 : i32 to index
      %swap3A_72 = arith.constant 80 : index
      %swap3A_73 = tpu.vector_load %arg5[%swap3A_71, %swap3A_72] {strides = array<i32>} : memref<128x128xf32, #tpu.memory_space<vmem>>, vector<1x16xf32>,
      %swap3A_74 = vector.shape_cast %swap3A_73 : vector<1x16xf32> to vector<16xf32>
      %swap3A_75 = vector.shape_cast %broadcast_in_dim3A_70 : vector<16xf32> to vector<1x16xf32>
      tpu.vector_store %arg5[%swap3A_71, %swap3A_72], %swap3A_75 {strides = array<i32>} : memref<128x128xf32, #tpu.memory_space<vmem>>, vector<1x16xf32>,
      %broadcast_in_dim3A_76 = arith.constant 0.000000e+00 : f32
      %broadcast_in_dim3A_77 = vector.broadcast %broadcast_in_dim3A_76 : f32 to vector<16xf32>
      %swap3A_78 = arith.index_cast %scan3A_35 : i32 to index
      %swap3A_79 = arith.constant 96 : index
      %swap3A_80 = tpu.vector_load %arg5[%swap3A_78, %swap3A_79] {strides = array<i32>} : memref<128x128xf32, #tpu.memory_space<vmem>>, vector<1x16xf32>,
      %swap3A_81 = vector.shape_cast %swap3A_80 : vector<1x16xf32> to vector<16xf32>
      %swap3A_82 = vector.shape_cast %broadcast_in_dim3A_77 : vector<16xf32> to vector<1x16xf32>
      tpu.vector_store %arg5[%swap3A_78, %swap3A_79], %swap3A_82 {strides = array<i32>} : memref<128x128xf32, #tpu.memory_space<vmem>>, vector<1x16xf32>,
      %broadcast_in_dim3A_83 = arith.constant 0.000000e+00 : f32
      %broadcast_in_dim3A_84 = vector.broadcast %broadcast_in_dim3A_83 : f32 to vector<16xf32>
      %swap3A_85 = arith.index_cast %scan3A_35 : i32 to index
      %swap3A_86 = arith.constant 112 : index
      %swap3A_87 = tpu.vector_load %arg5[%swap3A_85, %swap3A_86] {strides = array<i32>} : memref<128x128xf32, #tpu.memory_space<vmem>>, vector<1x16xf32>,
      %swap3A_88 = vector.shape_cast %swap3A_87 : vector<1x16xf32> to vector<16xf32>
      %swap3A_89 = vector.shape_cast %broadcast_in_dim3A_84 : vector<16xf32> to vector<1x16xf32>
      tpu.vector_store %arg5[%swap3A_85, %swap3A_86], %swap3A_89 {strides = array<i32>} : memref<128x128xf32, #tpu.memory_space<vmem>>, vector<1x16xf32>,
    }
    %scan3A_11 = arith.constant 128 : i32
    %scan3A_12 = arith.constant 0 : i32
    %scan3A_13 = arith.constant 0 : i32
    %scan3A_14 = arith.constant 5 : i32
    %scan3A_15 = arith.addi %scan3A_13, %scan3A_14 : i32
    %scan3A_16 = arith.constant 1 : i32
    scf.for %scan3A_35 = %scan3A_13 to %scan3A_15 step %scan3A_16  : i32 {
      %mul3A_36 = arith.constant 640 : i32
      %mul3A_37 = arith.muli %arg1, %mul3A_36 : i32
      %mul3A_38 = arith.constant 128 : i32
      %mul3A_39 = arith.muli %scan3A_35, %mul3A_38 : i32
      %add3A_40 = arith.addi %mul3A_37, %mul3A_39 : i32
      "tpu.region"() ({
        %run_scoped3A = tpu.sem_alloc : memref<!tpu.dma_semaphore, #tpu.memory_space<semaphore_mem>>
        %dma_start3A = arith.constant 0 : i32
        %dma_start3A_41 = tpu.memref_slice %arg6[%add3A_40, %dma_start3A] : memref<10240x128xf32, #tpu.memory_space<vmem_shared>> -> memref<128x128xf32, #tpu.memory_space<vmem_shared>>
        %dma_start3A_42 = arith.constant 0 : i32
        %dma_start3A_43 = tpu.memref_slice %arg6[%add3A_40, %dma_start3A_42] : memref<10240x128xf32, #tpu.memory_space<vmem_shared>> -> memref<128x128xf32, #tpu.memory_space<vmem_shared>>
        tpu.enqueue_dma source(%arg5 : memref<128x128xf32, #tpu.memory_space<vmem>>) target(%dma_start3A_43 : memref<128x128xf32, #tpu.memory_space<vmem_shared>>) target_semaphore(%run_scoped3A : memref<!tpu.dma_semaphore, #tpu.memory_space<semaphore_mem>>)
        %dma_wait3A = arith.constant 0 : i32
        %dma_wait3A_44 = tpu.memref_slice %arg6[%add3A_40, %dma_wait3A] : memref<10240x128xf32, #tpu.memory_space<vmem_shared>> -> memref<128x128xf32, #tpu.memory_space<vmem_shared>>
        %dma_wait3A_45 = arith.constant 0 : i32
        %dma_wait3A_46 = tpu.memref_slice %arg6[%add3A_40, %dma_wait3A_45] : memref<10240x128xf32, #tpu.memory_space<vmem_shared>> -> memref<128x128xf32, #tpu.memory_space<vmem_shared>>
        tpu.wait_dma2 semaphore(%run_scoped3A : memref<!tpu.dma_semaphore, #tpu.memory_space<semaphore_mem>>) src(%arg5 : memref<128x128xf32, #tpu.memory_space<vmem>>) dst(%dma_wait3A_46 : memref<128x128xf32, #tpu.memory_space<vmem_shared>>)
        tpu.yield
      }) : () -> ()
    }
    %scan3A_17 = arith.constant 5 : i32
    %scan3A_18 = arith.constant 0 : i32
    %scan3A_19 = arith.constant 0 : i32
    %scan3A_20 = arith.constant 128 : i32
    %scan3A_21 = arith.addi %scan3A_19, %scan3A_20 : i32
    %scan3A_22 = arith.constant 1 : i32
    scf.for %scan3A_35 = %scan3A_19 to %scan3A_21 step %scan3A_22  : i32 {
      %broadcast_in_dim3A = arith.constant 1.000000e+00 : f32
      %broadcast_in_dim3A_36 = vector.broadcast %broadcast_in_dim3A : f32 to vector<16xf32>
      %swap3A = arith.index_cast %scan3A_35 : i32 to index
      %swap3A_37 = arith.constant 0 : index
      %swap3A_38 = tpu.vector_load %arg5[%swap3A, %swap3A_37] {strides = array<i32>} : memref<128x128xf32, #tpu.memory_space<vmem>>, vector<1x16xf32>,
      %swap3A_39 = vector.shape_cast %swap3A_38 : vector<1x16xf32> to vector<16xf32>
      %swap3A_40 = vector.shape_cast %broadcast_in_dim3A_36 : vector<16xf32> to vector<1x16xf32>
      tpu.vector_store %arg5[%swap3A, %swap3A_37], %swap3A_40 {strides = array<i32>} : memref<128x128xf32, #tpu.memory_space<vmem>>, vector<1x16xf32>,
      %broadcast_in_dim3A_41 = arith.constant 1.000000e+00 : f32
      %broadcast_in_dim3A_42 = vector.broadcast %broadcast_in_dim3A_41 : f32 to vector<16xf32>
      %swap3A_43 = arith.index_cast %scan3A_35 : i32 to index
      %swap3A_44 = arith.constant 16 : index
      %swap3A_45 = tpu.vector_load %arg5[%swap3A_43, %swap3A_44] {strides = array<i32>} : memref<128x128xf32, #tpu.memory_space<vmem>>, vector<1x16xf32>,
      %swap3A_46 = vector.shape_cast %swap3A_45 : vector<1x16xf32> to vector<16xf32>
      %swap3A_47 = vector.shape_cast %broadcast_in_dim3A_42 : vector<16xf32> to vector<1x16xf32>
      tpu.vector_store %arg5[%swap3A_43, %swap3A_44], %swap3A_47 {strides = array<i32>} : memref<128x128xf32, #tpu.memory_space<vmem>>, vector<1x16xf32>,
      %broadcast_in_dim3A_48 = arith.constant 1.000000e+00 : f32
      %broadcast_in_dim3A_49 = vector.broadcast %broadcast_in_dim3A_48 : f32 to vector<16xf32>
      %swap3A_50 = arith.index_cast %scan3A_35 : i32 to index
      %swap3A_51 = arith.constant 32 : index
      %swap3A_52 = tpu.vector_load %arg5[%swap3A_50, %swap3A_51] {strides = array<i32>} : memref<128x128xf32, #tpu.memory_space<vmem>>, vector<1x16xf32>,
      %swap3A_53 = vector.shape_cast %swap3A_52 : vector<1x16xf32> to vector<16xf32>
      %swap3A_54 = vector.shape_cast %broadcast_in_dim3A_49 : vector<16xf32> to vector<1x16xf32>
      tpu.vector_store %arg5[%swap3A_50, %swap3A_51], %swap3A_54 {strides = array<i32>} : memref<128x128xf32, #tpu.memory_space<vmem>>, vector<1x16xf32>,
      %broadcast_in_dim3A_55 = arith.constant 1.000000e+00 : f32
      %broadcast_in_dim3A_56 = vector.broadcast %broadcast_in_dim3A_55 : f32 to vector<16xf32>
      %swap3A_57 = arith.index_cast %scan3A_35 : i32 to index
      %swap3A_58 = arith.constant 48 : index
      %swap3A_59 = tpu.vector_load %arg5[%swap3A_57, %swap3A_58] {strides = array<i32>} : memref<128x128xf32, #tpu.memory_space<vmem>>, vector<1x16xf32>,
      %swap3A_60 = vector.shape_cast %swap3A_59 : vector<1x16xf32> to vector<16xf32>
      %swap3A_61 = vector.shape_cast %broadcast_in_dim3A_56 : vector<16xf32> to vector<1x16xf32>
      tpu.vector_store %arg5[%swap3A_57, %swap3A_58], %swap3A_61 {strides = array<i32>} : memref<128x128xf32, #tpu.memory_space<vmem>>, vector<1x16xf32>,
      %broadcast_in_dim3A_62 = arith.constant 1.000000e+00 : f32
      %broadcast_in_dim3A_63 = vector.broadcast %broadcast_in_dim3A_62 : f32 to vector<16xf32>
      %swap3A_64 = arith.index_cast %scan3A_35 : i32 to index
      %swap3A_65 = arith.constant 64 : index
      %swap3A_66 = tpu.vector_load %arg5[%swap3A_64, %swap3A_65] {strides = array<i32>} : memref<128x128xf32, #tpu.memory_space<vmem>>, vector<1x16xf32>,
      %swap3A_67 = vector.shape_cast %swap3A_66 : vector<1x16xf32> to vector<16xf32>
      %swap3A_68 = vector.shape_cast %broadcast_in_dim3A_63 : vector<16xf32> to vector<1x16xf32>
      tpu.vector_store %arg5[%swap3A_64, %swap3A_65], %swap3A_68 {strides = array<i32>} : memref<128x128xf32, #tpu.memory_space<vmem>>, vector<1x16xf32>,
      %broadcast_in_dim3A_69 = arith.constant 1.000000e+00 : f32
      %broadcast_in_dim3A_70 = vector.broadcast %broadcast_in_dim3A_69 : f32 to vector<16xf32>
      %swap3A_71 = arith.index_cast %scan3A_35 : i32 to index
      %swap3A_72 = arith.constant 80 : index
      %swap3A_73 = tpu.vector_load %arg5[%swap3A_71, %swap3A_72] {strides = array<i32>} : memref<128x128xf32, #tpu.memory_space<vmem>>, vector<1x16xf32>,
      %swap3A_74 = vector.shape_cast %swap3A_73 : vector<1x16xf32> to vector<16xf32>
      %swap3A_75 = vector.shape_cast %broadcast_in_dim3A_70 : vector<16xf32> to vector<1x16xf32>
      tpu.vector_store %arg5[%swap3A_71, %swap3A_72], %swap3A_75 {strides = array<i32>} : memref<128x128xf32, #tpu.memory_space<vmem>>, vector<1x16xf32>,
      %broadcast_in_dim3A_76 = arith.constant 1.000000e+00 : f32
      %broadcast_in_dim3A_77 = vector.broadcast %broadcast_in_dim3A_76 : f32 to vector<16xf32>
      %swap3A_78 = arith.index_cast %scan3A_35 : i32 to index
      %swap3A_79 = arith.constant 96 : index
      %swap3A_80 = tpu.vector_load %arg5[%swap3A_78, %swap3A_79] {strides = array<i32>} : memref<128x128xf32, #tpu.memory_space<vmem>>, vector<1x16xf32>,
      %swap3A_81 = vector.shape_cast %swap3A_80 : vector<1x16xf32> to vector<16xf32>
      %swap3A_82 = vector.shape_cast %broadcast_in_dim3A_77 : vector<16xf32> to vector<1x16xf32>
      tpu.vector_store %arg5[%swap3A_78, %swap3A_79], %swap3A_82 {strides = array<i32>} : memref<128x128xf32, #tpu.memory_space<vmem>>, vector<1x16xf32>,
      %broadcast_in_dim3A_83 = arith.constant 1.000000e+00 : f32
      %broadcast_in_dim3A_84 = vector.broadcast %broadcast_in_dim3A_83 : f32 to vector<16xf32>
      %swap3A_85 = arith.index_cast %scan3A_35 : i32 to index
      %swap3A_86 = arith.constant 112 : index
      %swap3A_87 = tpu.vector_load %arg5[%swap3A_85, %swap3A_86] {strides = array<i32>} : memref<128x128xf32, #tpu.memory_space<vmem>>, vector<1x16xf32>,
      %swap3A_88 = vector.shape_cast %swap3A_87 : vector<1x16xf32> to vector<16xf32>
      %swap3A_89 = vector.shape_cast %broadcast_in_dim3A_84 : vector<16xf32> to vector<1x16xf32>
      tpu.vector_store %arg5[%swap3A_85, %swap3A_86], %swap3A_89 {strides = array<i32>} : memref<128x128xf32, #tpu.memory_space<vmem>>, vector<1x16xf32>,
    }
    %scan3A_23 = arith.constant 128 : i32
    %barrier3A = arith.constant 0 : index
    tpu.barrier barrier_id(%barrier3A)
    %scan3A_24 = arith.constant 0 : i32
    %scan3A_25 = arith.constant 0 : i32
    %scan3A_26 = arith.constant 80 : i32
    %scan3A_27 = arith.addi %scan3A_25, %scan3A_26 : i32
    %scan3A_28 = arith.constant 1 : i32
    scf.for %scan3A_35 = %scan3A_25 to %scan3A_27 step %scan3A_28  : i32 {
      %mul3A_36 = arith.constant 80 : i32
      %mul3A_37 = arith.muli %add3A, %mul3A_36 : i32
      %add3A_38 = arith.addi %mul3A_37, %scan3A_35 : i32
      "tpu.region"() ({
        %run_scoped3A = tpu.sem_alloc : memref<!tpu.dma_semaphore, #tpu.memory_space<semaphore_mem>>
        %dma_start3A = arith.constant 0 : i32
        %dma_start3A_39 = tpu.memref_slice %arg2[%add3A_38, %dma_start3A] : memref<2560x128xi32, #tpu.memory_space<hbm>> -> memref<1x128xi32, #tpu.memory_space<hbm>>
        %dma_start3A_40 = tpu.memref_squeeze %dma_start3A_39 : memref<1x128xi32, #tpu.memory_space<hbm>> -> memref<128xi32, #tpu.memory_space<hbm>>
        %dma_start3A_41 = arith.constant 0 : i32
        %dma_start3A_42 = tpu.memref_slice %arg2[%add3A_38, %dma_start3A_41] : memref<2560x128xi32, #tpu.memory_space<hbm>> -> memref<1x128xi32, #tpu.memory_space<hbm>>
        %dma_start3A_43 = tpu.memref_squeeze %dma_start3A_42 : memref<1x128xi32, #tpu.memory_space<hbm>> -> memref<128xi32, #tpu.memory_space<hbm>>
        tpu.enqueue_dma source(%dma_start3A_43 : memref<128xi32, #tpu.memory_space<hbm>>) target(%arg4 : memref<128xi32, #tpu.memory_space<vmem>>) target_semaphore(%run_scoped3A : memref<!tpu.dma_semaphore, #tpu.memory_space<semaphore_mem>>)
        %dma_wait3A = arith.constant 0 : i32
        %dma_wait3A_44 = tpu.memref_slice %arg2[%add3A_38, %dma_wait3A] : memref<2560x128xi32, #tpu.memory_space<hbm>> -> memref<1x128xi32, #tpu.memory_space<hbm>>
        %dma_wait3A_45 = tpu.memref_squeeze %dma_wait3A_44 : memref<1x128xi32, #tpu.memory_space<hbm>> -> memref<128xi32, #tpu.memory_space<hbm>>
        %dma_wait3A_46 = arith.constant 0 : i32
        %dma_wait3A_47 = tpu.memref_slice %arg2[%add3A_38, %dma_wait3A_46] : memref<2560x128xi32, #tpu.memory_space<hbm>> -> memref<1x128xi32, #tpu.memory_space<hbm>>
        %dma_wait3A_48 = tpu.memref_squeeze %dma_wait3A_47 : memref<1x128xi32, #tpu.memory_space<hbm>> -> memref<128xi32, #tpu.memory_space<hbm>>
        tpu.wait_dma2 semaphore(%run_scoped3A : memref<!tpu.dma_semaphore, #tpu.memory_space<semaphore_mem>>) src(%dma_wait3A_48 : memref<128xi32, #tpu.memory_space<hbm>>) dst(%arg4 : memref<128xi32, #tpu.memory_space<vmem>>)
        tpu.yield
      }) : () -> ()
      "tpu.region"() ({
        %run_scoped3A = tpu.sem_alloc : memref<!tpu.dma_semaphore, #tpu.memory_space<semaphore_mem>>
        %dma_start3A = arith.constant 0 : i32
        %dma_start3A_39 = arith.constant 0 : i32
        %dma_start3A_40 = tpu.memref_slice %arg6[%dma_start3A, %dma_start3A_39] : memref<10240x128xf32, #tpu.memory_space<vmem_shared>> -> memref<10240x128xf32, #tpu.memory_space<vmem_shared>>
        tpu.enqueue_indirect_dma source(%arg5 : memref<128x128xf32, #tpu.memory_space<vmem>>) target(%dma_start3A_40 : memref<10240x128xf32, #tpu.memory_space<vmem_shared>>) offsets(%arg4 : memref<128xi32, #tpu.memory_space<vmem>>) semaphore(%run_scoped3A : memref<!tpu.dma_semaphore, #tpu.memory_space<semaphore_mem>>) {add = true}
        %dma_wait3A = arith.constant 0 : i32
        %dma_wait3A_41 = arith.constant 0 : i32
        %dma_wait3A_42 = tpu.memref_slice %arg6[%dma_wait3A, %dma_wait3A_41] : memref<10240x128xf32, #tpu.memory_space<vmem_shared>> -> memref<10240x128xf32, #tpu.memory_space<vmem_shared>>
        tpu.wait_indirect_dma semaphore(%run_scoped3A : memref<!tpu.dma_semaphore, #tpu.memory_space<semaphore_mem>>) src(%arg5 : memref<128x128xf32, #tpu.memory_space<vmem>>) dst(%dma_wait3A_42 : memref<10240x128xf32, #tpu.memory_space<vmem_shared>>)
        tpu.yield
      }) : () -> ()
    }
    %scan3A_29 = arith.constant 80 : i32
    %barrier3A_30 = arith.constant 0 : index
    tpu.barrier barrier_id(%barrier3A_30)
    %mul3A_31 = arith.constant 640 : i32
    %mul3A_32 = arith.muli %arg1, %mul3A_31 : i32
    %mul3A_33 = arith.constant 640 : i32
    %mul3A_34 = arith.muli %arg1, %mul3A_33 : i32
    "tpu.region"() ({
      %run_scoped3A = tpu.sem_alloc : memref<!tpu.dma_semaphore, #tpu.memory_space<semaphore_mem>>
      %dma_start3A = arith.constant 0 : i32
      %dma_start3A_35 = tpu.memref_slice %arg3[%arg0, %mul3A_34, %dma_start3A] : memref<2x10240x128xf32, #tpu.memory_space<hbm>> -> memref<1x640x128xf32, #tpu.memory_space<hbm>>
      %dma_start3A_36 = tpu.memref_squeeze %dma_start3A_35 : memref<1x640x128xf32, #tpu.memory_space<hbm>> -> memref<640x128xf32, #tpu.memory_space<hbm>>
      %dma_start3A_37 = arith.constant 0 : i32
      %dma_start3A_38 = tpu.memref_slice %arg6[%mul3A_32, %dma_start3A_37] : memref<10240x128xf32, #tpu.memory_space<vmem_shared>> -> memref<640x128xf32, #tpu.memory_space<vmem_shared>>
      tpu.enqueue_dma source(%dma_start3A_38 : memref<640x128xf32, #tpu.memory_space<vmem_shared>>) target(%dma_start3A_36 : memref<640x128xf32, #tpu.memory_space<hbm>>) target_semaphore(%run_scoped3A : memref<!tpu.dma_semaphore, #tpu.memory_space<semaphore_mem>>)
      %dma_wait3A = arith.constant 0 : i32
      %dma_wait3A_39 = tpu.memref_slice %arg3[%arg0, %mul3A_34, %dma_wait3A] : memref<2x10240x128xf32, #tpu.memory_space<hbm>> -> memref<1x640x128xf32, #tpu.memory_space<hbm>>
      %dma_wait3A_40 = tpu.memref_squeeze %dma_wait3A_39 : memref<1x640x128xf32, #tpu.memory_space<hbm>> -> memref<640x128xf32, #tpu.memory_space<hbm>>
      %dma_wait3A_41 = arith.constant 0 : i32
      %dma_wait3A_42 = tpu.memref_slice %arg6[%mul3A_32, %dma_wait3A_41] : memref<10240x128xf32, #tpu.memory_space<vmem_shared>> -> memref<640x128xf32, #tpu.memory_space<vmem_shared>>
      tpu.wait_dma2 semaphore(%run_scoped3A : memref<!tpu.dma_semaphore, #tpu.memory_space<semaphore_mem>>) src(%dma_wait3A_42 : memref<640x128xf32, #tpu.memory_space<vmem_shared>>) dst(%dma_wait3A_40 : memref<640x128xf32, #tpu.memory_space<hbm>>)
      tpu.yield
    }) : () -> ()
    return
  }
}

module attributes {stable_mosaic.version = 14 : i64} {
  func.func @_prep_body(%arg0: i32, %arg1: memref<1024x128xf32, #tpu.memory_space<vmem>>, %arg2: memref<128x128xf32, #tpu.memory_space<vmem>>, %arg3: memref<2x1024x128xf32, #tpu.memory_space<vmem>>, %arg4: memref<1024x128xf32, #tpu.memory_space<vmem>>, %arg5: memref<1024x128xf32, #tpu.memory_space<vmem>>) attributes {dimension_semantics = [#tpu.dimension_semantics<arbitrary>], iteration_bounds = array<i64: 10>, scalar_prefetch = 0 : i64, scratch_operands = 0 : i64, tpu.core_type = #tpu.core_type<tc>, window_params = [{transform_indices = @transform_0, window_bounds = array<i64: 1024, 128>}, {pipeline_mode = #tpu.pipeline_mode<synchronous>, transform_indices = @transform_1, window_bounds = array<i64: 128, 128>}, {transform_indices = @transform_2, window_bounds = array<i64: 2, 1024, 128>}, {transform_indices = @transform_3, window_bounds = array<i64: 1024, 128>}, {transform_indices = @transform_4, window_bounds = array<i64: 1024, 128>}]} {
    %get3A = arith.constant 0 : index
    %get3A_0 = arith.constant 0 : index
    %get3A_1 = vector.load %arg1[%get3A, %get3A_0] : memref<1024x128xf32, #tpu.memory_space<vmem>>, vector<1024x128xf32>
    %get3A_2 = arith.constant 0 : index
    %get3A_3 = arith.constant 0 : index
    %get3A_4 = vector.load %arg2[%get3A_2, %get3A_3] : memref<128x128xf32, #tpu.memory_space<vmem>>, vector<128x128xf32>
    %dot_general3A = arith.constant dense<0.000000e+00> : vector<1024x128xf32>
    %dot_general3A_5 = tpu.matmul %get3A_1, %get3A_4, %dot_general3A {dimension_numbers = #tpu.dot_dimension_numbers<[1], [0], [0], [1], [0, 0, 1, 1], [], []>, transpose_lhs_hint = false} : vector<1024x128xf32>, vector<128x128xf32>, vector<1024x128xf32> -> vector<1024x128xf32>
    %get3A_6 = arith.constant 0 : index
    %get3A_7 = arith.constant 0 : index
    %get3A_8 = arith.constant 0 : index
    %get3A_9 = vector.load %arg3[%get3A_6, %get3A_7, %get3A_8] : memref<2x1024x128xf32, #tpu.memory_space<vmem>>, vector<1x1024x1xf32>
    %get3A_10 = vector.shape_cast %get3A_9 : vector<1x1024x1xf32> to vector<1024x1xf32>
    %get3A_11 = arith.constant 1 : index
    %get3A_12 = arith.constant 0 : index
    %get3A_13 = arith.constant 0 : index
    %get3A_14 = vector.load %arg3[%get3A_11, %get3A_12, %get3A_13] : memref<2x1024x128xf32, #tpu.memory_space<vmem>>, vector<1x1024x1xf32>
    %get3A_15 = vector.shape_cast %get3A_14 : vector<1x1024x1xf32> to vector<1024x1xf32>
    %add3A = arith.addf %get3A_10, %get3A_15 : vector<1024x1xf32>
    %add3A_16 = arith.constant 1.000000e+00 : f32
    %add3A_17 = vector.broadcast %add3A_16 : f32 to vector<1024x1xf32>
    %add3A_18 = arith.addf %add3A, %add3A_17 : vector<1024x1xf32>
    %rsqrt3A = math.rsqrt %add3A_18 : vector<1024x1xf32>
    %swap3A = arith.constant 0 : index
    %swap3A_19 = arith.constant 0 : index
    %swap3A_20 = vector.load %arg4[%swap3A, %swap3A_19] : memref<1024x128xf32, #tpu.memory_space<vmem>>, vector<1024x128xf32>
    tpu.vector_store %arg4[%swap3A, %swap3A_19], %dot_general3A_5 {strides = array<i32>} : memref<1024x128xf32, #tpu.memory_space<vmem>>, vector<1024x128xf32>,
    %mul3A = vector.broadcast %rsqrt3A : vector<1024x1xf32> to vector<1024x128xf32>
    %mul3A_21 = arith.mulf %dot_general3A_5, %mul3A : vector<1024x128xf32>
    %swap3A_22 = arith.constant 0 : index
    %swap3A_23 = arith.constant 0 : index
    %swap3A_24 = vector.load %arg5[%swap3A_22, %swap3A_23] : memref<1024x128xf32, #tpu.memory_space<vmem>>, vector<1024x128xf32>
    tpu.vector_store %arg5[%swap3A_22, %swap3A_23], %mul3A_21 {strides = array<i32>} : memref<1024x128xf32, #tpu.memory_space<vmem>>, vector<1024x128xf32>,
    return
  }
  func.func @transform_0(%arg0: i32) -> (i32, i32) {
    %c0_i32 = arith.constant 0 : i32
    %c0_i32_0 = arith.constant 0 : i32
    return %arg0, %c0_i32 : i32, i32
  }
  func.func @transform_1(%arg0: i32) -> (i32, i32) {
    %c0_i32 = arith.constant 0 : i32
    %c0_i32_0 = arith.constant 0 : i32
    %c0_i32_1 = arith.constant 0 : i32
    return %c0_i32, %c0_i32_0 : i32, i32
  }
  func.func @transform_2(%arg0: i32) -> (i32, i32, i32) {
    %c0_i32 = arith.constant 0 : i32
    %c0_i32_0 = arith.constant 0 : i32
    %c0_i32_1 = arith.constant 0 : i32
    return %c0_i32, %arg0, %c0_i32_0 : i32, i32, i32
  }
  func.func @transform_3(%arg0: i32) -> (i32, i32) {
    %c0_i32 = arith.constant 0 : i32
    %c0_i32_0 = arith.constant 0 : i32
    return %arg0, %c0_i32 : i32, i32
  }
  func.func @transform_4(%arg0: i32) -> (i32, i32) {
    %c0_i32 = arith.constant 0 : i32
    %c0_i32_0 = arith.constant 0 : i32
    return %arg0, %c0_i32 : i32, i32
  }
}

module attributes {stable_mosaic.version = 14 : i64} {
  func.func @_mid_body(%arg0: i32, %arg1: memref<2x1024x128xf32, #tpu.memory_space<vmem>>, %arg2: memref<1024x128xf32, #tpu.memory_space<vmem>>, %arg3: memref<2x1024x128xf32, #tpu.memory_space<vmem>>, %arg4: memref<1x128xf32, #tpu.memory_space<vmem>>, %arg5: memref<128x128xf32, #tpu.memory_space<vmem>>, %arg6: memref<1024x128xf32, #tpu.memory_space<vmem>>, %arg7: memref<1024x128xf32, #tpu.memory_space<vmem>>) attributes {dimension_semantics = [#tpu.dimension_semantics<arbitrary>], iteration_bounds = array<i64: 10>, scalar_prefetch = 0 : i64, scratch_operands = 0 : i64, tpu.core_type = #tpu.core_type<tc>, window_params = [{transform_indices = @transform_0, window_bounds = array<i64: 2, 1024, 128>}, {transform_indices = @transform_1, window_bounds = array<i64: 1024, 128>}, {transform_indices = @transform_2, window_bounds = array<i64: 2, 1024, 128>}, {pipeline_mode = #tpu.pipeline_mode<synchronous>, transform_indices = @transform_3, window_bounds = array<i64: 1, 128>}, {pipeline_mode = #tpu.pipeline_mode<synchronous>, transform_indices = @transform_4, window_bounds = array<i64: 128, 128>}, {transform_indices = @transform_5, window_bounds = array<i64: 1024, 128>}, {transform_indices = @transform_6, window_bounds = array<i64: 1024, 128>}]} {
    %get3A = arith.constant 0 : index
    %get3A_0 = arith.constant 0 : index
    %get3A_1 = arith.constant 0 : index
    %get3A_2 = vector.load %arg3[%get3A, %get3A_0, %get3A_1] : memref<2x1024x128xf32, #tpu.memory_space<vmem>>, vector<1x1024x1xf32>
    %get3A_3 = vector.shape_cast %get3A_2 : vector<1x1024x1xf32> to vector<1024x1xf32>
    %get3A_4 = arith.constant 1 : index
    %get3A_5 = arith.constant 0 : index
    %get3A_6 = arith.constant 0 : index
    %get3A_7 = vector.load %arg3[%get3A_4, %get3A_5, %get3A_6] : memref<2x1024x128xf32, #tpu.memory_space<vmem>>, vector<1x1024x1xf32>
    %get3A_8 = vector.shape_cast %get3A_7 : vector<1x1024x1xf32> to vector<1024x1xf32>
    %add3A = arith.addf %get3A_3, %get3A_8 : vector<1024x1xf32>
    %add3A_9 = arith.constant 1.000000e+00 : f32
    %add3A_10 = vector.broadcast %add3A_9 : f32 to vector<1024x1xf32>
    %add3A_11 = arith.addf %add3A, %add3A_10 : vector<1024x1xf32>
    %rsqrt3A = math.rsqrt %add3A_11 : vector<1024x1xf32>
    %get3A_12 = arith.constant 0 : index
    %get3A_13 = arith.constant 0 : index
    %get3A_14 = arith.constant 0 : index
    %get3A_15 = vector.load %arg1[%get3A_12, %get3A_13, %get3A_14] : memref<2x1024x128xf32, #tpu.memory_space<vmem>>, vector<1x1024x128xf32>
    %get3A_16 = vector.shape_cast %get3A_15 : vector<1x1024x128xf32> to vector<1024x128xf32>
    %get3A_17 = arith.constant 1 : index
    %get3A_18 = arith.constant 0 : index
    %get3A_19 = arith.constant 0 : index
    %get3A_20 = vector.load %arg1[%get3A_17, %get3A_18, %get3A_19] : memref<2x1024x128xf32, #tpu.memory_space<vmem>>, vector<1x1024x128xf32>
    %get3A_21 = vector.shape_cast %get3A_20 : vector<1x1024x128xf32> to vector<1024x128xf32>
    %add3A_22 = arith.addf %get3A_16, %get3A_21 : vector<1024x128xf32>
    %mul3A = vector.broadcast %rsqrt3A : vector<1024x1xf32> to vector<1024x128xf32>
    %mul3A_23 = arith.mulf %mul3A, %add3A_22 : vector<1024x128xf32>
    %mul3A_24 = arith.mulf %rsqrt3A, %rsqrt3A : vector<1024x1xf32>
    %get3A_25 = arith.constant 0 : index
    %get3A_26 = arith.constant 0 : index
    %get3A_27 = vector.load %arg2[%get3A_25, %get3A_26] : memref<1024x128xf32, #tpu.memory_space<vmem>>, vector<1024x128xf32>
    %mul3A_28 = vector.broadcast %mul3A_24 : vector<1024x1xf32> to vector<1024x128xf32>
    %mul3A_29 = arith.mulf %mul3A_28, %get3A_27 : vector<1024x128xf32>
    %add3A_30 = arith.addf %mul3A_23, %mul3A_29 : vector<1024x128xf32>
    %get3A_31 = arith.constant 0 : index
    %get3A_32 = arith.constant 0 : index
    %get3A_33 = vector.load %arg4[%get3A_31, %get3A_32] : memref<1x128xf32, #tpu.memory_space<vmem>>, vector<1x128xf32>
    %add3A_34 = vector.broadcast %get3A_33 : vector<1x128xf32> to vector<1024x128xf32>
    %add3A_35 = arith.addf %add3A_30, %add3A_34 : vector<1024x128xf32>
    %max3A = arith.constant 0.000000e+00 : f32
    %max3A_36 = vector.broadcast %max3A : f32 to vector<1024x128xf32>
    %max3A_37 = arith.maximumf %add3A_35, %max3A_36 : vector<1024x128xf32>
    %get3A_38 = arith.constant 0 : index
    %get3A_39 = arith.constant 0 : index
    %get3A_40 = vector.load %arg5[%get3A_38, %get3A_39] : memref<128x128xf32, #tpu.memory_space<vmem>>, vector<128x128xf32>
    %dot_general3A = arith.constant dense<0.000000e+00> : vector<1024x128xf32>
    %dot_general3A_41 = tpu.matmul %max3A_37, %get3A_40, %dot_general3A {dimension_numbers = #tpu.dot_dimension_numbers<[1], [0], [0], [1], [0, 0, 1, 1], [], []>, transpose_lhs_hint = false} : vector<1024x128xf32>, vector<128x128xf32>, vector<1024x128xf32> -> vector<1024x128xf32>
    %swap3A = arith.constant 0 : index
    %swap3A_42 = arith.constant 0 : index
    %swap3A_43 = vector.load %arg6[%swap3A, %swap3A_42] : memref<1024x128xf32, #tpu.memory_space<vmem>>, vector<1024x128xf32>
    tpu.vector_store %arg6[%swap3A, %swap3A_42], %dot_general3A_41 {strides = array<i32>} : memref<1024x128xf32, #tpu.memory_space<vmem>>, vector<1024x128xf32>,
    %mul3A_44 = vector.broadcast %rsqrt3A : vector<1024x1xf32> to vector<1024x128xf32>
    %mul3A_45 = arith.mulf %dot_general3A_41, %mul3A_44 : vector<1024x128xf32>
    %swap3A_46 = arith.constant 0 : index
    %swap3A_47 = arith.constant 0 : index
    %swap3A_48 = vector.load %arg7[%swap3A_46, %swap3A_47] : memref<1024x128xf32, #tpu.memory_space<vmem>>, vector<1024x128xf32>
    tpu.vector_store %arg7[%swap3A_46, %swap3A_47], %mul3A_45 {strides = array<i32>} : memref<1024x128xf32, #tpu.memory_space<vmem>>, vector<1024x128xf32>,
    return
  }
  func.func @transform_0(%arg0: i32) -> (i32, i32, i32) {
    %c0_i32 = arith.constant 0 : i32
    %c0_i32_0 = arith.constant 0 : i32
    %c0_i32_1 = arith.constant 0 : i32
    return %c0_i32, %arg0, %c0_i32_0 : i32, i32, i32
  }
  func.func @transform_1(%arg0: i32) -> (i32, i32) {
    %c0_i32 = arith.constant 0 : i32
    %c0_i32_0 = arith.constant 0 : i32
    return %arg0, %c0_i32 : i32, i32
  }
  func.func @transform_2(%arg0: i32) -> (i32, i32, i32) {
    %c0_i32 = arith.constant 0 : i32
    %c0_i32_0 = arith.constant 0 : i32
    %c0_i32_1 = arith.constant 0 : i32
    return %c0_i32, %arg0, %c0_i32_0 : i32, i32, i32
  }
  func.func @transform_3(%arg0: i32) -> (i32, i32) {
    %c0_i32 = arith.constant 0 : i32
    %c0_i32_0 = arith.constant 0 : i32
    %c0_i32_1 = arith.constant 0 : i32
    return %c0_i32, %c0_i32_0 : i32, i32
  }
  func.func @transform_4(%arg0: i32) -> (i32, i32) {
    %c0_i32 = arith.constant 0 : i32
    %c0_i32_0 = arith.constant 0 : i32
    %c0_i32_1 = arith.constant 0 : i32
    return %c0_i32, %c0_i32_0 : i32, i32
  }
  func.func @transform_5(%arg0: i32) -> (i32, i32) {
    %c0_i32 = arith.constant 0 : i32
    %c0_i32_0 = arith.constant 0 : i32
    return %arg0, %c0_i32 : i32, i32
  }
  func.func @transform_6(%arg0: i32) -> (i32, i32) {
    %c0_i32 = arith.constant 0 : i32
    %c0_i32_0 = arith.constant 0 : i32
    return %arg0, %c0_i32 : i32, i32
  }
}

module attributes {stable_mosaic.version = 14 : i64} {
  func.func @_fin_body(%arg0: i32, %arg1: memref<2x1024x128xf32, #tpu.memory_space<vmem>>, %arg2: memref<1024x128xf32, #tpu.memory_space<vmem>>, %arg3: memref<2x1024x128xf32, #tpu.memory_space<vmem>>, %arg4: memref<1x128xf32, #tpu.memory_space<vmem>>, %arg5: memref<1024x128xf32, #tpu.memory_space<vmem>>) attributes {dimension_semantics = [#tpu.dimension_semantics<arbitrary>], iteration_bounds = array<i64: 10>, scalar_prefetch = 0 : i64, scratch_operands = 0 : i64, tpu.core_type = #tpu.core_type<tc>, window_params = [{transform_indices = @transform_0, window_bounds = array<i64: 2, 1024, 128>}, {transform_indices = @transform_1, window_bounds = array<i64: 1024, 128>}, {transform_indices = @transform_2, window_bounds = array<i64: 2, 1024, 128>}, {pipeline_mode = #tpu.pipeline_mode<synchronous>, transform_indices = @transform_3, window_bounds = array<i64: 1, 128>}, {transform_indices = @transform_4, window_bounds = array<i64: 1024, 128>}]} {
    %get3A = arith.constant 0 : index
    %get3A_0 = arith.constant 0 : index
    %get3A_1 = arith.constant 0 : index
    %get3A_2 = vector.load %arg3[%get3A, %get3A_0, %get3A_1] : memref<2x1024x128xf32, #tpu.memory_space<vmem>>, vector<1x1024x1xf32>
    %get3A_3 = vector.shape_cast %get3A_2 : vector<1x1024x1xf32> to vector<1024x1xf32>
    %get3A_4 = arith.constant 1 : index
    %get3A_5 = arith.constant 0 : index
    %get3A_6 = arith.constant 0 : index
    %get3A_7 = vector.load %arg3[%get3A_4, %get3A_5, %get3A_6] : memref<2x1024x128xf32, #tpu.memory_space<vmem>>, vector<1x1024x1xf32>
    %get3A_8 = vector.shape_cast %get3A_7 : vector<1x1024x1xf32> to vector<1024x1xf32>
    %add3A = arith.addf %get3A_3, %get3A_8 : vector<1024x1xf32>
    %add3A_9 = arith.constant 1.000000e+00 : f32
    %add3A_10 = vector.broadcast %add3A_9 : f32 to vector<1024x1xf32>
    %add3A_11 = arith.addf %add3A, %add3A_10 : vector<1024x1xf32>
    %rsqrt3A = math.rsqrt %add3A_11 : vector<1024x1xf32>
    %get3A_12 = arith.constant 0 : index
    %get3A_13 = arith.constant 0 : index
    %get3A_14 = arith.constant 0 : index
    %get3A_15 = vector.load %arg1[%get3A_12, %get3A_13, %get3A_14] : memref<2x1024x128xf32, #tpu.memory_space<vmem>>, vector<1x1024x128xf32>
    %get3A_16 = vector.shape_cast %get3A_15 : vector<1x1024x128xf32> to vector<1024x128xf32>
    %get3A_17 = arith.constant 1 : index
    %get3A_18 = arith.constant 0 : index
    %get3A_19 = arith.constant 0 : index
    %get3A_20 = vector.load %arg1[%get3A_17, %get3A_18, %get3A_19] : memref<2x1024x128xf32, #tpu.memory_space<vmem>>, vector<1x1024x128xf32>
    %get3A_21 = vector.shape_cast %get3A_20 : vector<1x1024x128xf32> to vector<1024x128xf32>
    %add3A_22 = arith.addf %get3A_16, %get3A_21 : vector<1024x128xf32>
    %mul3A = vector.broadcast %rsqrt3A : vector<1024x1xf32> to vector<1024x128xf32>
    %mul3A_23 = arith.mulf %mul3A, %add3A_22 : vector<1024x128xf32>
    %mul3A_24 = arith.mulf %rsqrt3A, %rsqrt3A : vector<1024x1xf32>
    %get3A_25 = arith.constant 0 : index
    %get3A_26 = arith.constant 0 : index
    %get3A_27 = vector.load %arg2[%get3A_25, %get3A_26] : memref<1024x128xf32, #tpu.memory_space<vmem>>, vector<1024x128xf32>
    %mul3A_28 = vector.broadcast %mul3A_24 : vector<1024x1xf32> to vector<1024x128xf32>
    %mul3A_29 = arith.mulf %mul3A_28, %get3A_27 : vector<1024x128xf32>
    %add3A_30 = arith.addf %mul3A_23, %mul3A_29 : vector<1024x128xf32>
    %get3A_31 = arith.constant 0 : index
    %get3A_32 = arith.constant 0 : index
    %get3A_33 = vector.load %arg4[%get3A_31, %get3A_32] : memref<1x128xf32, #tpu.memory_space<vmem>>, vector<1x128xf32>
    %add3A_34 = vector.broadcast %get3A_33 : vector<1x128xf32> to vector<1024x128xf32>
    %add3A_35 = arith.addf %add3A_30, %add3A_34 : vector<1024x128xf32>
    %swap3A = arith.constant 0 : index
    %swap3A_36 = arith.constant 0 : index
    %swap3A_37 = vector.load %arg5[%swap3A, %swap3A_36] : memref<1024x128xf32, #tpu.memory_space<vmem>>, vector<1024x128xf32>
    tpu.vector_store %arg5[%swap3A, %swap3A_36], %add3A_35 {strides = array<i32>} : memref<1024x128xf32, #tpu.memory_space<vmem>>, vector<1024x128xf32>,
    return
  }
  func.func @transform_0(%arg0: i32) -> (i32, i32, i32) {
    %c0_i32 = arith.constant 0 : i32
    %c0_i32_0 = arith.constant 0 : i32
    %c0_i32_1 = arith.constant 0 : i32
    return %c0_i32, %arg0, %c0_i32_0 : i32, i32, i32
  }
  func.func @transform_1(%arg0: i32) -> (i32, i32) {
    %c0_i32 = arith.constant 0 : i32
    %c0_i32_0 = arith.constant 0 : i32
    return %arg0, %c0_i32 : i32, i32
  }
  func.func @transform_2(%arg0: i32) -> (i32, i32, i32) {
    %c0_i32 = arith.constant 0 : i32
    %c0_i32_0 = arith.constant 0 : i32
    %c0_i32_1 = arith.constant 0 : i32
    return %c0_i32, %arg0, %c0_i32_0 : i32, i32, i32
  }
  func.func @transform_3(%arg0: i32) -> (i32, i32) {
    %c0_i32 = arith.constant 0 : i32
    %c0_i32_0 = arith.constant 0 : i32
    %c0_i32_1 = arith.constant 0 : i32
    return %c0_i32, %c0_i32_0 : i32, i32
  }
  func.func @transform_4(%arg0: i32) -> (i32, i32) {
    %c0_i32 = arith.constant 0 : i32
    %c0_i32_0 = arith.constant 0 : i32
    return %arg0, %c0_i32 : i32, i32
  }
}

</mosaic_0001>

<sc_bundles>
// kernel: kernel.11.cloned.1.call-start
scs
__scs_entry_jumppad:
0x0: {  	(pc) =	sbr.rel $0x88, $3  }
0x1: {  	(tag) =	ssettag $0x0;
	lr =	simm.s32 $0x1  }
0x2: {  	[smem:$0x3F9B] =	sst lr;
	_ =	strace $0xD0000000  }
0x3: {  	_ = 	snop  }
0x4: {  	_ = 	snop  }
0x5: {  	_ = 	snop  }
0x6: {  	_ = 	snop  }
0x7: {  	_ = 	snop  }
__scs_overlays_trampoline_lowered:
0x8: {  	[smem:$0x3FAA] =	sst s0  }
0x9: {  	[smem:$0x3FAB] =	sst s1  }
0xa: {  	[smem:$0x3FAC] =	sst s2  }
0xb: {  	[smem:$0x3FAD] =	sst s3  }
0xc: {  	[smem:$0x3FAE] =	sst s4  }
0xd: {  	[smem:$0x3FAF] =	sst s5  }
0xe: {  	[smem:$0x3FB0] =	sst s6  }
0xf: {  	[smem:$0x3FB1] =	sst s7  }
0x10: {  	[smem:$0x3FB2] =	sst s8  }
0x11: {  	[smem:$0x3FB3] =	sst s9;
	s0 =	simm.s32 @!p0 $0x0  }
0x12: {  	s1 =	sld [smem:$0x3F99];
	s0 =	simm.s32 @p0 $0x1  }
0x13: {  	[smem:$0x3FB4] =	sst s0;
	s0 =	simm.s32 @!p1 $0x0  }
0x14: {  	s2 =	sld [smem:$0x3F98];
	s0 =	simm.s32 @p1 $0x1  }
0x15: {  	[smem:$0x3FB5] =	sst s0;
	s0 =	simm.s32 @!p2 $0x0  }
0x16: {  	s3 =	sld [smem:$0x3FDB];
	s0 =	simm.s32 @p2 $0x1  }
0x17: {  	s4 =	simm.s32 $0x1BF5;
	[smem:$0x3FB7] =	sst s0  }
0x18: {  	s0 =	sld [smem:$0x3F9A];
	_ =	swait.ge [sflag:s4], $0x0  }
0x19: {  	s7 =	sld [smem:$0x3F9B]  }
0x1a: {  	s8 =	sadd.s32 $0xFFFFE003, lr  }
0x1b: {  	s9 =	sadd.s32 $0xFFFFFEF7, lr;
	s5 =	simm.s32 $0xFFFFFFFF;
	p2 =	slt.u32 s8, $0xFFFFF086  }
0x1c: {  	p1 =	slt.u32 s9, $0xF7A;
	s5 =	simm.s32 @!p2 $0x0  }
0x1d: {  	s5 =	simm.s32 @p1 $0x1;
	p0 =	seq.s32 s7, s2  }
0x1e: {  	s7 =	smul.u32 @!p0 $0xF7A, s2;
	p2 =	seq.s32 @!p0 s5, $0x0  }
0x1f: {  	s9 =	smul.u32 $0xF7A, s1;
	s8 =	simm.s32 @!p0 $0x1BF5;
	p2 =	por !p2, p0  }
0x20: {  	[sflag:s8] =	ssyncset.s32 @!p0 $0xFFFFF086;
	s6 =	sadd.s32 @!p0 s3, s7;
	s7 =	simm.s32 @!p0 $0x108  }
0x21: {  	s3 =	sadd.s32 s3, s9;
	s6 =	sadd.s32 @!p0 $0x88, s6;
	s7 =	simm.s32 @p2 $0x1082  }
0x22: {  	[simem:s7], [sflag:s8] =	dma.local @!p0 [hbm:s6], $0xF7A  }
0x23: {  	s9 =	sor.u32 $0xD0000000, s2;
	s6 =	simm.s32 $0x108;
	_ =	swait.ge @!p0 [sflag:s8], $0x0  }
0x24: {  	s3 =	sadd.s32 $0x88, s3;
	s6 =	simm.s32 @!p1 $0x1082;
	[sflag:s4] =	ssyncset.s32 $0xFFFFF086  }
0x25: {  	[simem:s6], [sflag:s4] =	dma.local [hbm:s3], $0xF7A  }
0x26: {  	[smem:$0x3F9B] =	sst s1;
	(tag) =	ssettag s2;
	_ =	strace s9  }
0x27: {  	s1 =	sld [smem:$0x3FAB]  }
0x28: {  	s2 =	sld [smem:$0x3FAC]  }
0x29: {  	s4 =	sld [smem:$0x3FAE]  }
0x2a: {  	p0 =	seq.s32 s5, $0x0;
	s5 =	sld [smem:$0x3FAF]  }
0x2b: {  	s6 =	sld [smem:$0x3FB0]  }
0x2c: {  	s7 =	sld [smem:$0x3FB1]  }
0x2d: {  	s3 =	simm.s32 $0x108;
	s8 =	sld [smem:$0x3FB2]  }
0x2e: {  	s3 =	simm.s32 @!p0 $0x1082;
	s9 =	sld [smem:$0x3FB3]  }
0x2f: {  	lr =	sadd.s32 s0, s3;
	s0 =	sld [smem:$0x3FAA]  }
0x30: {  	s3 =	sld [smem:$0x3FAD]  }
0x31: {  	[smem:$0x3FB6] =	sst s10  }
0x32: {  	s10 =	sld [smem:$0x3FB4];
	_ =	sdelay $0x3  }
0x33: {  	p0 =	seq.s32 s10, $0x1;
	s10 =	sld [smem:$0x3FB6];
	_ =	sdelay $0x3  }
0x34: {  	[smem:$0x3FB6] =	sst s10  }
0x35: {  	s10 =	sld [smem:$0x3FB5];
	_ =	sdelay $0x3  }
0x36: {  	p1 =	seq.s32 s10, $0x1;
	s10 =	sld [smem:$0x3FB6];
	_ =	sdelay $0x3  }
0x37: {  	[smem:$0x3FB6] =	sst s10  }
0x38: {  	s10 =	sld [smem:$0x3FB7]  }
0x39: {  	_ = 	snop;
	(pc) =	sbr.ind lr, $3  }
0x3a: {  	_ = 	snop  }
0x3b: {  	_ = 	snop  }
0x3c: {  	p2 =	seq.s32 s10, $0x1;
	s10 =	sld [smem:$0x3FB6]  }
0x3d: {  	_ =	shalt  }
0x3e: {  	_ =	shalt  }
0x3f: {  	_ =	shalt  }
0x40: {  	_ =	shalt  }
0x41: {  	_ =	shalt  }
0x42: {  	_ =	shalt  }
0x43: {  	_ =	shalt  }
0x44: {  	_ =	shalt  }
0x45: {  	_ =	shalt  }
0x46: {  	_ =	shalt  }
0x47: {  	_ =	shalt  }
0x48: {  	_ =	shalt  }
0x49: {  	_ =	shalt  }
0x4a: {  	_ =	shalt  }
0x4b: {  	_ =	shalt  }
0x4c: {  	_ =	shalt  }
0x4d: {  	_ =	shalt  }
0x4e: {  	_ =	shalt  }
0x4f: {  	_ =	shalt  }
0x50: {  	_ =	shalt  }
0x51: {  	_ =	shalt  }
0x52: {  	_ =	shalt  }
0x53: {  	_ =	shalt  }
0x54: {  	_ =	shalt  }
0x55: {  	_ =	shalt  }
0x56: {  	_ =	shalt  }
0x57: {  	_ =	shalt  }
0x58: {  	_ =	shalt  }
0x59: {  	_ =	shalt  }
0x5a: {  	_ =	shalt  }
0x5b: {  	_ =	shalt  }
0x5c: {  	_ =	shalt  }
0x5d: {  	_ =	shalt  }
0x5e: {  	_ =	shalt  }
0x5f: {  	_ =	shalt  }
0x60: {  	_ =	shalt  }
0x61: {  	_ =	shalt  }
0x62: {  	_ =	shalt  }
0x63: {  	_ =	shalt  }
0x64: {  	_ =	shalt  }
0x65: {  	_ =	shalt  }
0x66: {  	_ =	shalt  }
0x67: {  	_ =	shalt  }
0x68: {  	_ =	shalt  }
0x69: {  	_ =	shalt  }
0x6a: {  	_ =	shalt  }
0x6b: {  	_ =	shalt  }
0x6c: {  	_ =	shalt  }
0x6d: {  	_ =	shalt  }
0x6e: {  	_ =	shalt  }
0x6f: {  	_ =	shalt  }
0x70: {  	_ =	shalt  }
0x71: {  	_ =	shalt  }
0x72: {  	_ =	shalt  }
0x73: {  	_ =	shalt  }
0x74: {  	_ =	shalt  }
0x75: {  	_ =	shalt  }
0x76: {  	_ =	shalt  }
0x77: {  	_ =	shalt  }
0x78: {  	_ =	shalt  }
0x79: {  	_ =	shalt  }
0x7a: {  	_ =	shalt  }
0x7b: {  	_ =	shalt  }
0x7c: {  	_ =	shalt  }
0x7d: {  	_ =	shalt  }
0x7e: {  	_ =	shalt  }
0x7f: {  	_ =	shalt  }
0x80: {  	_ =	shalt  }
0x81: {  	_ =	shalt  }
0x82: {  	_ =	shalt  }
0x83: {  	_ =	shalt  }
0x84: {  	_ =	shalt  }
0x85: {  	_ =	shalt  }
0x86: {  	_ =	shalt  }
0x87: {  	_ =	shalt  }
.Lfunc_end0:
.L_simem_size_0:
called_computation.1_lowered:
.L_overlay_start_0:
0x88: {  	s2 =	sld [smem:$0x3FD9]  }
0x89: {  	s3 =	sld [smem:$0x3FFE];
	_ =	sdelay $0x1  }
0x8a: {  	s1 =	srdreg.scid  }
0x8b: {  	s0 =	sand.u32 $0x1, s1  }
0x8c: {  	s17 =	sshll.u32 s0, $0xA;
	s2 =	sadd.s32 s3, s2  }
0x8d: {  	s2 =	sadd.s32 s2, s17  }
0x8e: {  	[smem:$0x3FC2] =	sst s2  }
0x8f: {  	_ = 	snop  }
0x90: {  	s2 =	sld [smem:$0x3FD0];
	(tm) =	ssettm $0x1  }
0x91: {  	s18 =	sld [smem:$0x3FFB];
	_ =	sdelay $0x3  }
0x92: {  	_ =	strace s18  }
0x93: {  	s3 =	sld [smem:$0x3FFC];
	_ =	sdelay $0x3  }
0x94: {  	_ =	strace s3  }
0x95: {  	s3 =	sld [smem:$0x3FFD];
	_ =	sdelay $0x3  }
0x96: {  	_ =	strace s3  }
0x97: {  	_ =	strace $0x8FFFFFFF  }
0x98: {  	s19 =	sld [smem:$0x3FDB];
	_ =	sdelay $0x1  }
0x99: {  	s4 =	simm.s32 $_scs_section_size  }
0x9a: {  	s5 =	simm.s32 $_size__tile_overlayer_lowered;
	s6 =	simm.s32 $_tile_overlayer_lowered  }
0x9b: {  	s22 =	simm.s32 $0x1BFF;
	s21 =	sshll.u32 s6, $0x1;
	s3 =	sadd.s32 s4, s19  }
0x9c: {  	s7 =	simm.s32 $0x0;
	s20 =	sshll.u32 s5, $0x1;
	s5 =	sadd.s32 s21, s3  }
0x9d: {  	[timem:s7], [sflag:s22] =	dma.local [hbm:s5], s20  }
0x9e: {  	_ =	swait.ge [sflag:s22], s20  }
0x9f: {  	s4 =	ssub.s32 $0x0, s20;
	[sflag:s22] =	ssyncset.done $0x0  }
0xa0: {  	[sflag:s22] =	ssyncadd.s32 s4;
	_ =	sdelay $0x1  }
0xa1: {  	s23 =	simm.s32 $0x1B8B  }
0xa2: {  	_ =	swait.ge [sflag:s23], $0x1  }
0xa3: {  	[sflag:s23] =	ssyncset.done $0x0  }
0xa4: {  	s25 =	simm.s32 $0x1B8E;
	s24 =	sld [smem:$0x3FFE];
	[sflag:s23] =	ssyncadd.s32 $0xFFFFFFFF  }
0xa5: {  	s26 =	simm.s32 $execute0_lowered;
	[smem:$0x3FD2] =	sst s25  }
0xa6: {  	s5 =	sshll.u32 s26, $0x1;
	_ =	strace $0x80000049;
	[dreg:$0x1] =	wrdreg $0xFFFFFFFF  }
0xa7: {  	s28 =	simm.s32 $_size_execute0_lowered;
	s3 =	sadd.s32 s3, s5;
	[dreg:$0x0] =	wrdreg $0x0  }
0xa8: {  	s5 =	sshll.u32 s28, $0x1;
	[dreg:$0x2] =	wrdreg s3  }
0xa9: {  	[dreg:$0x3] =	wrdreg s5  }
0xaa: {  	[dreg:$0x4] =	wrdreg $0xC0  }
0xab: {  	_ =	task [dreg:s7], $0x5FFFF  }
0xac: {  	[dreg:$0x1] =	wrdreg $0xFFFFFFFF  }
0xad: {  	[dreg:$0x0] =	wrdreg $0x60  }
0xae: {  	[dreg:$0x2] =	wrdreg s24  }
0xaf: {  	[dreg:$0x3] =	wrdreg s2  }
0xb0: {  	[dreg:$0x4] =	wrdreg $0x82000  }
0xb1: {  	[dreg:$0x5] =	wrdreg $0x9  }
0xb2: {  	_ =	task.clear_ibuf [dreg:s7], $0x6FFFF;
	_ =	strace $0x90000049  }
0xb3: {  	s29 =	simm.s32 $0x9;
	_ =	strace $0x8000004B  }
0xb4: {  	_ =	swait.ge [sflag:s29], $0x1  }
0xb5: {  	[sflag:s29] =	ssyncadd.s32 $0xFFFFFFFF  }
0xb6: {  	_ =	strace $0x9000004B  }
0xb7: {  	_ =	sfence  }
0xb8: {  	s30 =	sld [smem:$0x0];
	_ =	sdelay $0x2  }
0xb9: {  	s31 =	sshll.u32 s1, $0xD;
	s1 =	sshrl.u32 s1, $0x2  }
0xba: {  	s3 =	sand.u32 $0x4000, s31;
	s1 =	sadd.s32 s1, s30  }
0xbb: {  	s0 =	sor.u32 s3, s0;
	s1 =	sshll.u32 s1, $0x11  }
0xbc: {  	s0 =	sor.u32 s1, s0  }
0xbd: {  	s0 =	sadd.s32 $0x8F2B, s0  }
0xbe: {  	[sflag:s0] =	ssyncadd.remote.s32 $0x1  }
0xbf: {  	_ =	sfence.sel $0xFFFF  }
0xc0: {  	[dreg:$0x0] =	wrdreg $0xFFFFFFFF;
	(pc) =	sbr.abs _section_cstart, $3  }
0xc1: {  	[dreg:$0x1] =	wrdreg $0xFFFFFFFF  }
0xc2: {  	_ =	task.clear_ibuf [dreg:s7], $0x2FFFF;
	_ =	strace $0x9FFFFFFF  }
0xc3: {  	(tm) =	ssettm $0x7FFFFFFF  }
tec
execute0_lowered:
.L_overlay_start_1:
0x0: {  	(tag) =	ssettag $0x1  }
0x1: {  	s0 =	rddreg [dreg:$0x0]  }
0x2: {  	s1 =	rddreg [dreg:$0x1]  }
0x3: {  	s2 =	rddreg [dreg:$0x2]  }
0x4: {  	s3 =	srdreg.scid;
	s4 =	simm.s32 $0x0;
	s10 =	stileid.u32  }
0x5: {  	s20 =	simm.s32 $0x200;
	s28 =	simm.s32 $0x180;
	s7 =	smul.u32 $0x14000, s10  }
0x6: {  	s29 =	simm.s32 $0x3;
	s30 =	simm.s32 $0x4;
	s8 =	smul.u32 $0x50000, s10  }
0x7: {  	s31 =	simm.s32 $0x0;
	s3 =	sand.u32 $0x1, s3;
	s9 =	smul.u32 $0x70, s10  }
0x8: {  	[smem:$0x7FF] =	sst s4;
	s5 =	sadd.s32 $0x5C000, s0;
	s10 =	smul.u32 $0x30, s10  }
0x9: {  	s6 =	smul.u32 $0x140000, s3;
	_ =	strace $0x8000004A;
	s21 =	ssub.s32 $0x2, s3  }
0xa: {  	p0 =	seq.s32 s3, $0x0;
	s11 =	sshrl.u32 s21, $0x1;
	s3 =	sadd.s32 $0x300, s9  }
0xb: {  	s22 =	sshrl.u32 s8, $0x2;
	s8 =	simm.s32 $0x17;
	s7 =	sadd.s32 s7, s6  }
0xc: {  	s6 =	sadd.s32 $0x2000, s0;
	s14 =	ssub.s32 s21, s11;
	s3 =	smov.u32 @p0 s10  }
0xd: {  	s8 =	simm.s32 @!p0 $0x37;
	s21 =	simm.s32 $0x5;
	s7 =	sshrl.u32 s7, $0x3  }
0xe: {  	s10 =	sshll.u32 s3, $0x4;
	s14 =	smax.u32 s14, $0x1;
	s19 =	sshll.u32 s3, $0x7  }
0xf: {  	s0 =	sadd.s32 s7, s0;
	s7 =	sadd.s32 s22, s2;
	s23 =	sadd.s32 s1, s10  }
0x10: {  	s12 =	sor.u32 $0x10, s10;
	s24 =	sadd.s32 s6, s10;
	[dreg:$0x4] =	wrdreg s23  }
0x11: {  	s22 =	simm.s32 $0x80;
	[dreg:$0x5] =	wrdreg s24;
	s25 =	sadd.s32 s1, s12  }
0x12: {  	s26 =	sadd.s32 s6, s12;
	s13 =	sadd.s32 $0x84000, s0;
	s15 =	sadd.s32 $0x4000, s7  }
0x13: {  	s16 =	sadd.s32 $0x8000, s7;
	s17 =	sadd.s32 $0xC000, s7;
	s18 =	sadd.s32 $0x10000, s7  }
0x14: {  	s23 =	simm.s32 $0x100;
	s24 =	simm.s32 $0x4200;
	[dreg:$0x6] =	wrdreg s25  }
0x15: {  	v0 =	vimm.f32 $0.0e+00;
	[dreg:$0x7] =	wrdreg s26;
	s25 =	simm.s32 $0x1;
	s26 =	simm.s32 $0x2  }
.LBB2_1:
0x16: {  	s0 =	simm.s32 $0x0;
	s3 =	simm.s32 $0x200  }
.LBB2_2:
0x17: {  	p0 =	sne.s32 s3, $0xFE00;
	[tilespmem:s0+$0x270] =	vst v0  }
0x18: {  	[tilespmem:s0+$0x200] =	vst v0  }
0x19: {  	[tilespmem:s0+$0x210] =	vst v0  }
.Ltmp0:
0x1a: {  	[tilespmem:s0+$0x220] =	vst v0;
	(pc) =	sbr.rel @p0 .LBB2_2-.Ltmp0, $4  }
0x1b: {  	[tilespmem:s0+$0x230] =	vst v0  }
0x1c: {  	[tilespmem:s0+$0x240] =	vst v0  }
0x1d: {  	[tilespmem:s0+$0x250] =	vst v0  }
0x1e: {  	[tilespmem:s0+$0x260] =	vst v0;
	s0 =	sshra.s32 s3, $0x2;
	s3 =	sadd.s32 $0x200, s3  }
0x1f: {  	[tilespmem:s0+$0x270] =	vst v0  }
0x20: {  	[tilespmem:s0+$0x200] =	vst v0  }
0x21: {  	[tilespmem:s0+$0x210] =	vst v0  }
0x22: {  	[tilespmem:s0+$0x220] =	vst v0  }
0x23: {  	[tilespmem:s0+$0x230] =	vst v0  }
0x24: {  	[tilespmem:s0+$0x240] =	vst v0  }
0x25: {  	[tilespmem:s0+$0x250] =	vst v0  }
0x26: {  	[tilespmem:s0+$0x260] =	vst v0  }
0x27: {  	[spmem:s7] =	stream.linear.scatter [tilespmem:s20], [sflag:$0x5], $0x4000, $0x38;
	[tilespmem:$0x1C200] =	vst v63  }
0x28: {  	_ =	swait.ge [sflag:s21], $0x4000  }
0x29: {  	[sflag:s21] =	ssyncset.done $0x0  }
0x2a: {  	[sflag:s21] =	ssyncadd.s32 $0xFFFFC000  }
0x2b: {  	[spmem:s15] =	stream.linear.scatter [tilespmem:s20], [sflag:$0x5], $0x4000, $0x38;
	[tilespmem:$0x1C200] =	vst v63  }
0x2c: {  	_ =	swait.ge [sflag:s21], $0x4000  }
0x2d: {  	[sflag:s21] =	ssyncset.done $0x0  }
0x2e: {  	[sflag:s21] =	ssyncadd.s32 $0xFFFFC000  }
0x2f: {  	[spmem:s16] =	stream.linear.scatter [tilespmem:s20], [sflag:$0x5], $0x4000, $0x38;
	[tilespmem:$0x1C200] =	vst v63  }
0x30: {  	_ =	swait.ge [sflag:s21], $0x4000  }
0x31: {  	[sflag:s21] =	ssyncset.done $0x0  }
0x32: {  	[sflag:s21] =	ssyncadd.s32 $0xFFFFC000  }
0x33: {  	[spmem:s17] =	stream.linear.scatter [tilespmem:s20], [sflag:$0x5], $0x4000, $0x38;
	[tilespmem:$0x1C200] =	vst v63  }
0x34: {  	_ =	swait.ge [sflag:s21], $0x4000  }
0x35: {  	[sflag:s21] =	ssyncset.done $0x0  }
0x36: {  	[sflag:s21] =	ssyncadd.s32 $0xFFFFC000  }
0x37: {  	[spmem:s18] =	stream.linear.scatter [tilespmem:s20], [sflag:$0x5], $0x4000, $0x38;
	[tilespmem:$0x1C200] =	vst v63  }
0x38: {  	_ =	swait.ge [sflag:s21], $0x4000  }
0x39: {  	[sflag:s21] =	ssyncset.done $0x0  }
0x3a: {  	[sflag:s21] =	ssyncadd.s32 $0xFFFFC000  }
0x3b: {  	[bflag:$0x0] =	sbarrier.arrive $0xFFFF  }
0x3c: {  	s3 =	simm.s32 $0x0;
	s12 =	rddreg [dreg:$0x4]  }
0x3d: {  	[tilespmem:s3], [sflag:$0x5] =	stream.linear.gather [hbm4b:s12+s3], $0x80, $0x38;
	[tilespmem:$0x1C200] =	vst v63  }
0x3e: {  	_ =	swait.ge [sflag:s21], $0x80  }
0x3f: {  	[sflag:s21] =	ssyncset.done $0x0  }
0x40: {  	s9 =	rddreg [dreg:$0x5];
	[sflag:s21] =	ssyncadd.s32 $0xFFFFFF80  }
0x41: {  	[tilespmem:s22], [sflag:$0x5] =	stream.linear.gather [hbm4b:s9+s3], $0x80, $0x38;
	[tilespmem:$0x1C200] =	vst v63  }
0x42: {  	_ =	swait.ge [sflag:s21], $0x80  }
0x43: {  	[sflag:s21] =	ssyncset.done $0x0  }
0x44: {  	[sflag:s21] =	ssyncadd.s32 $0xFFFFFF80  }
0x45: {  	[tilespmem:s20], [sflag:$0x1] =	stream.indirect.gather [hbm4b:s5+s22], $0x80, s3, s22, $0xb8;
	[tilespmem:$0x1C200] =	vst v63  }
0x46: {  	s10 =	rddreg [dreg:$0x6]  }
0x47: {  	[tilespmem:s23], [sflag:$0x5] =	stream.linear.gather [hbm4b:s10+s3], $0x80, $0x38;
	[tilespmem:$0x1C200] =	vst v63  }
0x48: {  	_ =	swait.ge [sflag:s21], $0x80  }
0x49: {  	[sflag:s21] =	ssyncset.done $0x0  }
0x4a: {  	s0 =	simm.s32 $0x180;
	s9 =	rddreg [dreg:$0x7];
	[sflag:s21] =	ssyncadd.s32 $0xFFFFFF80  }
0x4b: {  	[tilespmem:s0], [sflag:$0x5] =	stream.linear.gather [hbm4b:s9+s3], $0x80, $0x38;
	[tilespmem:$0x1C200] =	vst v63  }
0x4c: {  	_ =	swait.ge [sflag:s21], $0x80  }
0x4d: {  	[sflag:s21] =	ssyncset.done $0x0  }
0x4e: {  	[sflag:s21] =	ssyncadd.s32 $0xFFFFFF80  }
0x4f: {  	[tilespmem:s24], [sflag:$0x2] =	stream.indirect.gather [hbm4b:s5+s22], $0x80, s23, s22, $0xb8;
	[tilespmem:$0x1C200] =	vst v63  }
0x50: {  	_ =	swait.ge [sflag:s25], $0x4000  }
0x51: {  	[sflag:s25] =	ssyncset.done $0x0  }
0x52: {  	[sflag:s25] =	ssyncadd.s32 $0xFFFFC000  }
0x53: {  	[spmem:s2] =	stream.indirect.scatter.add.f32 [tilespmem:s20], [sflag:$0x3], $0x80, s22, s22, $0xb8;
	[tilespmem:$0x1C200] =	vst v63  }
0x54: {  	s3 =	sadd.s32 $0x180, s19;
	_ =	swait.ge [sflag:s26], $0x4000  }
0x55: {  	s10 =	simm.s32 $0x100;
	s11 =	sadd.s32 $0xFFFFFF80, s3;
	[sflag:s26] =	ssyncset.done $0x0  }
0x56: {  	s10 =	sand.u32 $0x300, s10;
	s9 =	sand.u32 $0xFFFFFC00, s11;
	[sflag:s26] =	ssyncadd.s32 $0xFFFFC000  }
0x57: {  	[spmem:s2] =	stream.indirect.scatter.add.f32 [tilespmem:s24], [sflag:$0x4], $0x80, s28, s22, $0xb8;
	[tilespmem:$0x1C200] =	vst v63  }
0x58: {  	s9 =	sor.u32 s10, s9;
	_ =	swait.ge [sflag:s29], $0x4000  }
0x59: {  	s9 =	sshrl.u32 s9, $0x3;
	[sflag:s29] =	ssyncset.done $0x0  }
0x5a: {  	s12 =	sadd.s32 s1, s9;
	[sflag:s29] =	ssyncadd.s32 $0xFFFFC000  }
0x5b: {  	[tilespmem:s4], [sflag:$0x5] =	stream.linear.gather [hbm4b:s12+s4], $0x80, $0x38;
	[tilespmem:$0x1C200] =	vst v63  }
0x5c: {  	_ =	swait.ge [sflag:s21], $0x80  }
0x5d: {  	[sflag:s21] =	ssyncset.done $0x0  }
0x5e: {  	s9 =	sadd.s32 s6, s9;
	[sflag:s21] =	ssyncadd.s32 $0xFFFFFF80  }
0x5f: {  	[tilespmem:s22], [sflag:$0x5] =	stream.linear.gather [hbm4b:s9+s4], $0x80, $0x38;
	[tilespmem:$0x1C200] =	vst v63  }
0x60: {  	_ =	swait.ge [sflag:s21], $0x80  }
0x61: {  	[sflag:s21] =	ssyncset.done $0x0  }
0x62: {  	s3 =	sand.u32 $0xFFFFFC00, s3;
	s11 =	sand.u32 $0x380, s0;
	[sflag:s21] =	ssyncadd.s32 $0xFFFFFF80  }
0x63: {  	[tilespmem:s20], [sflag:$0x1] =	stream.indirect.gather [hbm4b:s5+s22], $0x80, s4, s22, $0xb8;
	[tilespmem:$0x1C200] =	vst v63  }
0x64: {  	s3 =	sor.u32 s11, s3;
	_ =	swait.ge [sflag:s30], $0x4000  }
0x65: {  	s3 =	sshrl.u32 s3, $0x3;
	[sflag:s30] =	ssyncset.done $0x0  }
0x66: {  	s12 =	sadd.s32 s1, s3;
	[sflag:s30] =	ssyncadd.s32 $0xFFFFC000  }
0x67: {  	[tilespmem:s23], [sflag:$0x5] =	stream.linear.gather [hbm4b:s12+s4], $0x80, $0x38;
	[tilespmem:$0x1C200] =	vst v63  }
0x68: {  	p0 =	sne.s32 s8, $0x1;
	_ =	swait.ge [sflag:s21], $0x80  }
.Ltmp1:
0x69: {  	[sflag:s21] =	ssyncset.done $0x0;
	(pc) =	sbr.rel @!p0 .LBB2_5-.Ltmp1, $4  }
0x6a: {  	s3 =	sadd.s32 s6, s3;
	[sflag:s21] =	ssyncadd.s32 $0xFFFFFF80  }
0x6b: {  	[tilespmem:s28], [sflag:$0x5] =	stream.linear.gather [hbm4b:s3+s4], $0x80, $0x38;
	[tilespmem:$0x1C200] =	vst v63  }
0x6c: {  	_ =	swait.ge [sflag:s21], $0x80  }
0x6d: {  	s3 =	simm.s32 $0x1;
	[sflag:s21] =	ssyncset.done $0x0  }
.LBB2_4:
0x6e: {  	s3 =	sadd.s32 $0x1, s3;
	[sflag:s21] =	ssyncadd.s32 $0xFFFFFF80;
	s0 =	sadd.s32 $0x100, s0  }
0x6f: {  	[tilespmem:s24], [sflag:$0x2] =	stream.indirect.gather [hbm4b:s5+s22], $0x80, s23, s22, $0xb8;
	[tilespmem:$0x1C200] =	vst v63  }
0x70: {  	p0 =	sne.s32 s8, s3;
	_ =	swait.ge [sflag:s25], $0x4000  }
0x71: {  	[sflag:s25] =	ssyncset.done $0x0  }
0x72: {  	[sflag:s25] =	ssyncadd.s32 $0xFFFFC000  }
0x73: {  	[spmem:s2] =	stream.indirect.scatter.add.f32 [tilespmem:s20], [sflag:$0x3], $0x80, s22, s22, $0xb8;
	[tilespmem:$0x1C200] =	vst v63  }
0x74: {  	s9 =	sadd.s32 s0, s19;
	s10 =	sand.u32 $0x380, s0;
	_ =	swait.ge [sflag:s26], $0x4000  }
0x75: {  	s12 =	sadd.s32 $0xFFFFFF80, s0;
	s11 =	sadd.s32 $0xFFFFFF80, s9;
	[sflag:s26] =	ssyncset.done $0x0  }
0x76: {  	s12 =	sand.u32 $0x300, s12;
	s11 =	sand.u32 $0xFFFFFC00, s11;
	[sflag:s26] =	ssyncadd.s32 $0xFFFFC000  }
0x77: {  	[spmem:s2] =	stream.indirect.scatter.add.f32 [tilespmem:s24], [sflag:$0x4], $0x80, s28, s22, $0xb8;
	[tilespmem:$0x1C200] =	vst v63  }
0x78: {  	s9 =	sand.u32 $0xFFFFFC00, s9;
	s11 =	sor.u32 s12, s11;
	_ =	swait.ge [sflag:s29], $0x4000  }
0x79: {  	s9 =	sor.u32 s10, s9;
	s11 =	sshrl.u32 s11, $0x3;
	[sflag:s29] =	ssyncset.done $0x0  }
0x7a: {  	s9 =	sshrl.u32 s9, $0x3;
	s10 =	sadd.s32 s1, s11;
	[sflag:s29] =	ssyncadd.s32 $0xFFFFC000  }
0x7b: {  	[tilespmem:s4], [sflag:$0x5] =	stream.linear.gather [hbm4b:s10+s4], $0x80, $0x38;
	[tilespmem:$0x1C200] =	vst v63  }
0x7c: {  	_ =	swait.ge [sflag:s21], $0x80  }
0x7d: {  	s10 =	sadd.s32 s6, s11;
	[sflag:s21] =	ssyncset.done $0x0  }
0x7e: {  	[sflag:s21] =	ssyncadd.s32 $0xFFFFFF80  }
0x7f: {  	[tilespmem:s22], [sflag:$0x5] =	stream.linear.gather [hbm4b:s10+s4], $0x80, $0x38;
	[tilespmem:$0x1C200] =	vst v63  }
0x80: {  	_ =	swait.ge [sflag:s21], $0x80  }
0x81: {  	[sflag:s21] =	ssyncset.done $0x0  }
0x82: {  	[sflag:s21] =	ssyncadd.s32 $0xFFFFFF80  }
0x83: {  	[tilespmem:s20], [sflag:$0x1] =	stream.indirect.gather [hbm4b:s5+s22], $0x80, s4, s22, $0xb8;
	[tilespmem:$0x1C200] =	vst v63  }
0x84: {  	_ =	swait.ge [sflag:s30], $0x4000  }
0x85: {  	s10 =	sadd.s32 s1, s9;
	[sflag:s30] =	ssyncset.done $0x0  }
0x86: {  	[sflag:s30] =	ssyncadd.s32 $0xFFFFC000  }
0x87: {  	[tilespmem:s23], [sflag:$0x5] =	stream.linear.gather [hbm4b:s10+s4], $0x80, $0x38;
	[tilespmem:$0x1C200] =	vst v63  }
0x88: {  	_ =	swait.ge [sflag:s21], $0x80  }
.Ltmp2:
0x89: {  	s9 =	sadd.s32 s6, s9;
	[sflag:s21] =	ssyncset.done $0x0;
	(pc) =	sbr.rel @p0 .LBB2_4-.Ltmp2, $4  }
0x8a: {  	[sflag:s21] =	ssyncadd.s32 $0xFFFFFF80  }
0x8b: {  	[tilespmem:s28], [sflag:$0x5] =	stream.linear.gather [hbm4b:s9+s4], $0x80, $0x38;
	[tilespmem:$0x1C200] =	vst v63  }
0x8c: {  	_ =	swait.ge [sflag:s21], $0x80  }
0x8d: {  	[sflag:s21] =	ssyncset.done $0x0  }
.LBB2_5:
0x8e: {  	[sflag:s21] =	ssyncadd.s32 $0xFFFFFF80  }
0x8f: {  	[tilespmem:s24], [sflag:$0x2] =	stream.indirect.gather [hbm4b:s5+s22], $0x80, s23, s22, $0xb8;
	[tilespmem:$0x1C200] =	vst v63  }
0x90: {  	_ =	swait.ge [sflag:s25], $0x4000  }
0x91: {  	[sflag:s25] =	ssyncset.done $0x0  }
0x92: {  	s0 =	sadd.s32 $0x100, s0;
	p0 =	sge.u32 s3, s8;
	[sflag:s25] =	ssyncadd.s32 $0xFFFFC000  }
0x93: {  	[spmem:s2] =	stream.indirect.scatter.add.f32 [tilespmem:s20], [sflag:$0x3], $0x80, s22, s22, $0xb8;
	[tilespmem:$0x1C200] =	vst v63  }
0x94: {  	s3 =	sadd.s32 @!p0 s0, s19;
	s10 =	sadd.s32 @!p0 $0xFFFFFF80, s0;
	_ =	swait.ge [sflag:s26], $0x4000  }
0x95: {  	s11 =	simm.s32 @!p0 $0x3;
	s9 =	sadd.s32 @!p0 $0xFFFFFF80, s3;
	[sflag:s26] =	ssyncset.done $0x0  }
0x96: {  	s10 =	sand.u32 @!p0 $0x300, s10;
	s9 =	sand.u32 @!p0 $0x7FFFFC00, s9;
	[sflag:s26] =	ssyncadd.s32 $0xFFFFC000  }
0x97: {  	[spmem:s2] =	stream.indirect.scatter.add.f32 [tilespmem:s24], [sflag:$0x4], $0x80, s28, s22, $0xb8;
	[tilespmem:$0x1C200] =	vst v63  }
0x98: {  	s9 =	sor.u32 @!p0 s10, s9;
	_ =	swait.ge @!p0 [sflag:s11], $0x4000  }
0x99: {  	s9 =	sshrl.u32 @!p0 s9, $0x3;
	[sflag:s11] =	ssyncset.done @!p0 $0x0  }
0x9a: {  	s10 =	sadd.s32 @!p0 s1, s9;
	[sflag:s11] =	ssyncadd.s32 @!p0 $0xFFFFC000;
	s11 =	simm.s32 @!p0 $0x0  }
0x9b: {  	[tilespmem:s11], [sflag:$0x5] =	stream.linear.gather @!p0 [hbm4b:s10+s11], $0x80, $0x38;
	[tilespmem:$0x1C200] =	vst v63  }
0x9c: {  	s10 =	simm.s32 @!p0 $0x5  }
0x9d: {  	_ =	swait.ge @!p0 [sflag:s10], $0x80  }
0x9e: {  	[sflag:s10] =	ssyncset.done @!p0 $0x0  }
0x9f: {  	s12 =	simm.s32 @!p0 $0x80;
	s9 =	sadd.s32 @!p0 s6, s9;
	[sflag:s10] =	ssyncadd.s32 @!p0 $0xFFFFFF80  }
0xa0: {  	[tilespmem:s12], [sflag:$0x5] =	stream.linear.gather @!p0 [hbm4b:s9+s11], $0x80, $0x38;
	[tilespmem:$0x1C200] =	vst v63  }
0xa1: {  	_ =	swait.ge @!p0 [sflag:s10], $0x80  }
0xa2: {  	[sflag:s10] =	ssyncset.done @!p0 $0x0  }
0xa3: {  	s9 =	simm.s32 @!p0 $0x200;
	[sflag:s10] =	ssyncadd.s32 @!p0 $0xFFFFFF80  }
0xa4: {  	[tilespmem:s9], [sflag:$0x1] =	stream.indirect.gather @!p0 [hbm4b:s5+s12], $0x80, s11, s12, $0xb8;
	[tilespmem:$0x1C200] =	vst v63  }
0xa5: {  	s0 =	sand.u32 @!p0 $0x380, s0;
	s3 =	sand.u32 @!p0 $0x7FFFFC00, s3;
	s9 =	simm.s32 @!p0 $0x4  }
0xa6: {  	s0 =	sor.u32 @!p0 s0, s3;
	_ =	swait.ge @!p0 [sflag:s9], $0x4000  }
0xa7: {  	s0 =	sshrl.u32 @!p0 s0, $0x3;
	[sflag:s9] =	ssyncset.done @!p0 $0x0  }
0xa8: {  	s3 =	sadd.s32 @!p0 s1, s0;
	[sflag:s9] =	ssyncadd.s32 @!p0 $0xFFFFC000;
	s9 =	simm.s32 @!p0 $0x100  }
0xa9: {  	[tilespmem:s9], [sflag:$0x5] =	stream.linear.gather @!p0 [hbm4b:s3+s11], $0x80, $0x38;
	[tilespmem:$0x1C200] =	vst v63  }
0xaa: {  	_ =	swait.ge @!p0 [sflag:s10], $0x80  }
0xab: {  	[sflag:s10] =	ssyncset.done @!p0 $0x0  }
0xac: {  	s0 =	sadd.s32 @!p0 s6, s0;
	s3 =	simm.s32 @!p0 $0x180;
	[sflag:s10] =	ssyncadd.s32 @!p0 $0xFFFFFF80  }
0xad: {  	[tilespmem:s3], [sflag:$0x5] =	stream.linear.gather @!p0 [hbm4b:s0+s11], $0x80, $0x38;
	[tilespmem:$0x1C200] =	vst v63  }
0xae: {  	_ =	swait.ge @!p0 [sflag:s10], $0x80  }
0xaf: {  	[sflag:s10] =	ssyncset.done @!p0 $0x0  }
0xb0: {  	s0 =	simm.s32 @!p0 $0x4200;
	[sflag:s10] =	ssyncadd.s32 @!p0 $0xFFFFFF80  }
0xb1: {  	[tilespmem:s0], [sflag:$0x2] =	stream.indirect.gather @!p0 [hbm4b:s5+s12], $0x80, s9, s12, $0xb8;
	[tilespmem:$0x1C200] =	vst v63  }
0xb2: {  	_ =	swait.ge [sflag:s29], $0x4000  }
0xb3: {  	[sflag:s29] =	ssyncset.done $0x0  }
0xb4: {  	[sflag:s29] =	ssyncadd.s32 $0xFFFFC000  }
0xb5: {  	s11 =	stileid.u32;
	_ =	swait.ge [sflag:s30], $0x4000  }
0xb6: {  	s31 =	sadd.s32 $0x1, s31;
	s0 =	sshll.u32 s11, $0x6;
	[sflag:s30] =	ssyncset.done $0x0  }
0xb7: {  	s12 =	sshrl.u32 s7, $0x3;
	p0 =	sne.s32 s31, s14;
	[sflag:s30] =	ssyncadd.s32 $0xFFFFC000  }
.Ltmp3:
0xb8: {  	s0 =	sor.u32 $0x1C05, s0;
	[bflag:$0x0] =	sbarrier.arrive $0xFFFF;
	(pc) =	sbr.rel @p0 .LBB2_1-.Ltmp3, $4  }
0xb9: {  	[hbm:s13], [sflag:s0] =	dma.local [spmem:s12], $0x2800  }
0xba: {  	_ =	swait.ge [sflag:s21], $0x2800  }
0xbb: {  	[sflag:s21] =	ssyncset.done $0x0  }
0xbc: {  	[sflag:s21] =	ssyncadd.s32 $0xFFFFD800  }
0xbd: {  	_ =	sfence.sel $0x180000  }
0xbe: {  	[bflag:$0x0] =	sbarrier.arrive $0xFFFF  }
0xbf: {  	_ =	strace $0x9000004A  }
0xc0: {  	s0 =	stileid.u32;
	[bflag:$0x2] =	sbarrier.arrive $0xFFFF  }
0xc1: {  	p0 =	sne.s32 s0, $0x0;
	s0 =	rddreg [dreg:$0x3]  }
0xc2: {  	s0 =	sadd.s32 @!p0 $0x100000, s0  }
0xc3: {  	[sflag:s0] =	ssyncadd.tile.s32 @!p0 $0x1;
	_ =	shalt  }
.Lfunc_end2:
_tile_overlayer_lowered:
.L_overlay_start_2:
0xc4: {  	(tag) =	ssettag $0x2  }
0xc5: {  	s0 =	rddreg [dreg:$0x0];
	s2 =	stileid.u32  }
0xc6: {  	s1 =	rddreg [dreg:$0x1];
	p0 =	sne.s32 s2, $0x0  }
0xc7: {  	s3 =	rddreg [dreg:$0x2];
	[bflag:$0x3] =	sbarrier.arrive $0xFFFF;
	s2 =	simm.s32 @!p0 $0x1C05  }
0xc8: {  	[timem:s3], [sflag:s2] =	dma.local @!p0 [hbm:s0], s1  }
0xc9: {  	s0 =	simm.s32 @!p0 $0x5  }
0xca: {  	_ =	swait.ge @!p0 [sflag:s0], s1  }
0xcb: {  	s1 =	ssub.s32 @!p0 $0x0, s1;
	[sflag:s0] =	ssyncset.done @!p0 $0x0  }
0xcc: {  	[sflag:s0] =	ssyncadd.s32 @!p0 s1  }
0xcd: {  	[bflag:$0x3] =	sbarrier.arrive $0xFFFF  }
0xce: {  	_ =	shalt  }

// kernel: kernel.14.cloned.1.call-start
scs
__scs_entry_jumppad:
0x0: {  	(pc) =	sbr.rel $0x88, $3  }
0x1: {  	(tag) =	ssettag $0x0;
	lr =	simm.s32 $0x1  }
0x2: {  	[smem:$0x3F9B] =	sst lr;
	_ =	strace $0xD0000000  }
0x3: {  	_ = 	snop  }
0x4: {  	_ = 	snop  }
0x5: {  	_ = 	snop  }
0x6: {  	_ = 	snop  }
0x7: {  	_ = 	snop  }
__scs_overlays_trampoline_lowered:
0x8: {  	[smem:$0x3FAA] =	sst s0  }
0x9: {  	[smem:$0x3FAB] =	sst s1  }
0xa: {  	[smem:$0x3FAC] =	sst s2  }
0xb: {  	[smem:$0x3FAD] =	sst s3  }
0xc: {  	[smem:$0x3FAE] =	sst s4  }
0xd: {  	[smem:$0x3FAF] =	sst s5  }
0xe: {  	[smem:$0x3FB0] =	sst s6  }
0xf: {  	[smem:$0x3FB1] =	sst s7  }
0x10: {  	[smem:$0x3FB2] =	sst s8  }
0x11: {  	[smem:$0x3FB3] =	sst s9;
	s0 =	simm.s32 @!p0 $0x0  }
0x12: {  	s1 =	sld [smem:$0x3F99];
	s0 =	simm.s32 @p0 $0x1  }
0x13: {  	[smem:$0x3FB4] =	sst s0;
	s0 =	simm.s32 @!p1 $0x0  }
0x14: {  	s2 =	sld [smem:$0x3F98];
	s0 =	simm.s32 @p1 $0x1  }
0x15: {  	[smem:$0x3FB5] =	sst s0;
	s0 =	simm.s32 @!p2 $0x0  }
0x16: {  	s3 =	sld [smem:$0x3FDB];
	s0 =	simm.s32 @p2 $0x1  }
0x17: {  	s4 =	simm.s32 $0x1BF5;
	[smem:$0x3FB7] =	sst s0  }
0x18: {  	s0 =	sld [smem:$0x3F9A];
	_ =	swait.ge [sflag:s4], $0x0  }
0x19: {  	s7 =	sld [smem:$0x3F9B]  }
0x1a: {  	s8 =	sadd.s32 $0xFFFFE003, lr  }
0x1b: {  	s9 =	sadd.s32 $0xFFFFFEF7, lr;
	s5 =	simm.s32 $0xFFFFFFFF;
	p2 =	slt.u32 s8, $0xFFFFF086  }
0x1c: {  	p1 =	slt.u32 s9, $0xF7A;
	s5 =	simm.s32 @!p2 $0x0  }
0x1d: {  	s5 =	simm.s32 @p1 $0x1;
	p0 =	seq.s32 s7, s2  }
0x1e: {  	s7 =	smul.u32 @!p0 $0xF7A, s2;
	p2 =	seq.s32 @!p0 s5, $0x0  }
0x1f: {  	s9 =	smul.u32 $0xF7A, s1;
	s8 =	simm.s32 @!p0 $0x1BF5;
	p2 =	por !p2, p0  }
0x20: {  	[sflag:s8] =	ssyncset.s32 @!p0 $0xFFFFF086;
	s6 =	sadd.s32 @!p0 s3, s7;
	s7 =	simm.s32 @!p0 $0x108  }
0x21: {  	s3 =	sadd.s32 s3, s9;
	s6 =	sadd.s32 @!p0 $0x88, s6;
	s7 =	simm.s32 @p2 $0x1082  }
0x22: {  	[simem:s7], [sflag:s8] =	dma.local @!p0 [hbm:s6], $0xF7A  }
0x23: {  	s9 =	sor.u32 $0xD0000000, s2;
	s6 =	simm.s32 $0x108;
	_ =	swait.ge @!p0 [sflag:s8], $0x0  }
0x24: {  	s3 =	sadd.s32 $0x88, s3;
	s6 =	simm.s32 @!p1 $0x1082;
	[sflag:s4] =	ssyncset.s32 $0xFFFFF086  }
0x25: {  	[simem:s6], [sflag:s4] =	dma.local [hbm:s3], $0xF7A  }
0x26: {  	[smem:$0x3F9B] =	sst s1;
	(tag) =	ssettag s2;
	_ =	strace s9  }
0x27: {  	s1 =	sld [smem:$0x3FAB]  }
0x28: {  	s2 =	sld [smem:$0x3FAC]  }
0x29: {  	s4 =	sld [smem:$0x3FAE]  }
0x2a: {  	p0 =	seq.s32 s5, $0x0;
	s5 =	sld [smem:$0x3FAF]  }
0x2b: {  	s6 =	sld [smem:$0x3FB0]  }
0x2c: {  	s7 =	sld [smem:$0x3FB1]  }
0x2d: {  	s3 =	simm.s32 $0x108;
	s8 =	sld [smem:$0x3FB2]  }
0x2e: {  	s3 =	simm.s32 @!p0 $0x1082;
	s9 =	sld [smem:$0x3FB3]  }
0x2f: {  	lr =	sadd.s32 s0, s3;
	s0 =	sld [smem:$0x3FAA]  }
0x30: {  	s3 =	sld [smem:$0x3FAD]  }
0x31: {  	[smem:$0x3FB6] =	sst s10  }
0x32: {  	s10 =	sld [smem:$0x3FB4];
	_ =	sdelay $0x3  }
0x33: {  	p0 =	seq.s32 s10, $0x1;
	s10 =	sld [smem:$0x3FB6];
	_ =	sdelay $0x3  }
0x34: {  	[smem:$0x3FB6] =	sst s10  }
0x35: {  	s10 =	sld [smem:$0x3FB5];
	_ =	sdelay $0x3  }
0x36: {  	p1 =	seq.s32 s10, $0x1;
	s10 =	sld [smem:$0x3FB6];
	_ =	sdelay $0x3  }
0x37: {  	[smem:$0x3FB6] =	sst s10  }
0x38: {  	s10 =	sld [smem:$0x3FB7]  }
0x39: {  	_ = 	snop;
	(pc) =	sbr.ind lr, $3  }
0x3a: {  	_ = 	snop  }
0x3b: {  	_ = 	snop  }
0x3c: {  	p2 =	seq.s32 s10, $0x1;
	s10 =	sld [smem:$0x3FB6]  }
0x3d: {  	_ =	shalt  }
0x3e: {  	_ =	shalt  }
0x3f: {  	_ =	shalt  }
0x40: {  	_ =	shalt  }
0x41: {  	_ =	shalt  }
0x42: {  	_ =	shalt  }
0x43: {  	_ =	shalt  }
0x44: {  	_ =	shalt  }
0x45: {  	_ =	shalt  }
0x46: {  	_ =	shalt  }
0x47: {  	_ =	shalt  }
0x48: {  	_ =	shalt  }
0x49: {  	_ =	shalt  }
0x4a: {  	_ =	shalt  }
0x4b: {  	_ =	shalt  }
0x4c: {  	_ =	shalt  }
0x4d: {  	_ =	shalt  }
0x4e: {  	_ =	shalt  }
0x4f: {  	_ =	shalt  }
0x50: {  	_ =	shalt  }
0x51: {  	_ =	shalt  }
0x52: {  	_ =	shalt  }
0x53: {  	_ =	shalt  }
0x54: {  	_ =	shalt  }
0x55: {  	_ =	shalt  }
0x56: {  	_ =	shalt  }
0x57: {  	_ =	shalt  }
0x58: {  	_ =	shalt  }
0x59: {  	_ =	shalt  }
0x5a: {  	_ =	shalt  }
0x5b: {  	_ =	shalt  }
0x5c: {  	_ =	shalt  }
0x5d: {  	_ =	shalt  }
0x5e: {  	_ =	shalt  }
0x5f: {  	_ =	shalt  }
0x60: {  	_ =	shalt  }
0x61: {  	_ =	shalt  }
0x62: {  	_ =	shalt  }
0x63: {  	_ =	shalt  }
0x64: {  	_ =	shalt  }
0x65: {  	_ =	shalt  }
0x66: {  	_ =	shalt  }
0x67: {  	_ =	shalt  }
0x68: {  	_ =	shalt  }
0x69: {  	_ =	shalt  }
0x6a: {  	_ =	shalt  }
0x6b: {  	_ =	shalt  }
0x6c: {  	_ =	shalt  }
0x6d: {  	_ =	shalt  }
0x6e: {  	_ =	shalt  }
0x6f: {  	_ =	shalt  }
0x70: {  	_ =	shalt  }
0x71: {  	_ =	shalt  }
0x72: {  	_ =	shalt  }
0x73: {  	_ =	shalt  }
0x74: {  	_ =	shalt  }
0x75: {  	_ =	shalt  }
0x76: {  	_ =	shalt  }
0x77: {  	_ =	shalt  }
0x78: {  	_ =	shalt  }
0x79: {  	_ =	shalt  }
0x7a: {  	_ =	shalt  }
0x7b: {  	_ =	shalt  }
0x7c: {  	_ =	shalt  }
0x7d: {  	_ =	shalt  }
0x7e: {  	_ =	shalt  }
0x7f: {  	_ =	shalt  }
0x80: {  	_ =	shalt  }
0x81: {  	_ =	shalt  }
0x82: {  	_ =	shalt  }
0x83: {  	_ =	shalt  }
0x84: {  	_ =	shalt  }
0x85: {  	_ =	shalt  }
0x86: {  	_ =	shalt  }
0x87: {  	_ =	shalt  }
.Lfunc_end0:
.L_simem_size_0:
called_computation.2_lowered:
.L_overlay_start_0:
0x88: {  	s2 =	sld [smem:$0x3FD9]  }
0x89: {  	s3 =	sld [smem:$0x3FFE];
	_ =	sdelay $0x1  }
0x8a: {  	s1 =	srdreg.scid  }
0x8b: {  	s0 =	sand.u32 $0x1, s1  }
0x8c: {  	s17 =	sshll.u32 s0, $0xA;
	s2 =	sadd.s32 s3, s2  }
0x8d: {  	s2 =	sadd.s32 s2, s17  }
0x8e: {  	[smem:$0x3FC2] =	sst s2  }
0x8f: {  	_ = 	snop  }
0x90: {  	s2 =	sld [smem:$0x3FD0];
	(tm) =	ssettm $0x1  }
0x91: {  	s18 =	sld [smem:$0x3FFB];
	_ =	sdelay $0x3  }
0x92: {  	_ =	strace s18  }
0x93: {  	s3 =	sld [smem:$0x3FFC];
	_ =	sdelay $0x3  }
0x94: {  	_ =	strace s3  }
0x95: {  	s3 =	sld [smem:$0x3FFD];
	_ =	sdelay $0x3  }
0x96: {  	_ =	strace s3  }
0x97: {  	_ =	strace $0x8FFFFFFF  }
0x98: {  	s19 =	sld [smem:$0x3FDB];
	_ =	sdelay $0x1  }
0x99: {  	s4 =	simm.s32 $_scs_section_size  }
0x9a: {  	s5 =	simm.s32 $_size__tile_overlayer_lowered;
	s6 =	simm.s32 $_tile_overlayer_lowered  }
0x9b: {  	s22 =	simm.s32 $0x1BFF;
	s21 =	sshll.u32 s6, $0x1;
	s3 =	sadd.s32 s4, s19  }
0x9c: {  	s7 =	simm.s32 $0x0;
	s20 =	sshll.u32 s5, $0x1;
	s5 =	sadd.s32 s21, s3  }
0x9d: {  	[timem:s7], [sflag:s22] =	dma.local [hbm:s5], s20  }
0x9e: {  	_ =	swait.ge [sflag:s22], s20  }
0x9f: {  	s4 =	ssub.s32 $0x0, s20;
	[sflag:s22] =	ssyncset.done $0x0  }
0xa0: {  	[sflag:s22] =	ssyncadd.s32 s4;
	_ =	sdelay $0x1  }
0xa1: {  	s23 =	simm.s32 $0x1B8B  }
0xa2: {  	_ =	swait.ge [sflag:s23], $0x1  }
0xa3: {  	[sflag:s23] =	ssyncset.done $0x0  }
0xa4: {  	s25 =	simm.s32 $0x1B8E;
	s24 =	sld [smem:$0x3FFE];
	[sflag:s23] =	ssyncadd.s32 $0xFFFFFFFF  }
0xa5: {  	s26 =	simm.s32 $execute0_lowered;
	[smem:$0x3FD2] =	sst s25  }
0xa6: {  	s5 =	sshll.u32 s26, $0x1;
	_ =	strace $0x8000004C;
	[dreg:$0x1] =	wrdreg $0xFFFFFFFF  }
0xa7: {  	s28 =	simm.s32 $_size_execute0_lowered;
	s3 =	sadd.s32 s3, s5;
	[dreg:$0x0] =	wrdreg $0x0  }
0xa8: {  	s5 =	sshll.u32 s28, $0x1;
	[dreg:$0x2] =	wrdreg s3  }
0xa9: {  	[dreg:$0x3] =	wrdreg s5  }
0xaa: {  	[dreg:$0x4] =	wrdreg $0xC0  }
0xab: {  	_ =	task [dreg:s7], $0x5FFFF  }
0xac: {  	[dreg:$0x1] =	wrdreg $0xFFFFFFFF  }
0xad: {  	[dreg:$0x0] =	wrdreg $0x60  }
0xae: {  	[dreg:$0x2] =	wrdreg s24  }
0xaf: {  	[dreg:$0x3] =	wrdreg s2  }
0xb0: {  	[dreg:$0x4] =	wrdreg $0x82000  }
0xb1: {  	[dreg:$0x5] =	wrdreg $0x9  }
0xb2: {  	_ =	task.clear_ibuf [dreg:s7], $0x6FFFF;
	_ =	strace $0x9000004C  }
0xb3: {  	s29 =	simm.s32 $0x9;
	_ =	strace $0x8000004E  }
0xb4: {  	_ =	swait.ge [sflag:s29], $0x1  }
0xb5: {  	[sflag:s29] =	ssyncadd.s32 $0xFFFFFFFF  }
0xb6: {  	_ =	strace $0x9000004E  }
0xb7: {  	_ =	sfence  }
0xb8: {  	s30 =	sld [smem:$0x0];
	_ =	sdelay $0x2  }
0xb9: {  	s31 =	sshll.u32 s1, $0xD;
	s1 =	sshrl.u32 s1, $0x2  }
0xba: {  	s3 =	sand.u32 $0x4000, s31;
	s1 =	sadd.s32 s1, s30  }
0xbb: {  	s0 =	sor.u32 s3, s0;
	s1 =	sshll.u32 s1, $0x11  }
0xbc: {  	s0 =	sor.u32 s1, s0  }
0xbd: {  	s0 =	sadd.s32 $0x8F2B, s0  }
0xbe: {  	[sflag:s0] =	ssyncadd.remote.s32 $0x1  }
0xbf: {  	_ =	sfence.sel $0xFFFF  }
0xc0: {  	[dreg:$0x0] =	wrdreg $0xFFFFFFFF;
	(pc) =	sbr.abs _section_cstart, $3  }
0xc1: {  	[dreg:$0x1] =	wrdreg $0xFFFFFFFF  }
0xc2: {  	_ =	task.clear_ibuf [dreg:s7], $0x2FFFF;
	_ =	strace $0x9FFFFFFF  }
0xc3: {  	(tm) =	ssettm $0x7FFFFFFF  }
tec
execute0_lowered:
.L_overlay_start_1:
0x0: {  	(tag) =	ssettag $0x1  }
0x1: {  	s0 =	rddreg [dreg:$0x0]  }
0x2: {  	s1 =	rddreg [dreg:$0x1]  }
0x3: {  	s2 =	rddreg [dreg:$0x2]  }
0x4: {  	s3 =	srdreg.scid;
	s4 =	simm.s32 $0x0;
	s10 =	stileid.u32  }
0x5: {  	s20 =	simm.s32 $0x200;
	s28 =	simm.s32 $0x180;
	s7 =	smul.u32 $0x14000, s10  }
0x6: {  	s29 =	simm.s32 $0x3;
	s30 =	simm.s32 $0x4;
	s8 =	smul.u32 $0x50000, s10  }
0x7: {  	s31 =	simm.s32 $0x0;
	s3 =	sand.u32 $0x1, s3;
	s9 =	smul.u32 $0x70, s10  }
0x8: {  	[smem:$0x7FF] =	sst s4;
	s5 =	sadd.s32 $0x5C000, s0;
	s10 =	smul.u32 $0x30, s10  }
0x9: {  	s6 =	smul.u32 $0x140000, s3;
	_ =	strace $0x8000004D;
	s21 =	ssub.s32 $0x2, s3  }
0xa: {  	p0 =	seq.s32 s3, $0x0;
	s11 =	sshrl.u32 s21, $0x1;
	s3 =	sadd.s32 $0x300, s9  }
0xb: {  	s22 =	sshrl.u32 s8, $0x2;
	s8 =	simm.s32 $0x17;
	s7 =	sadd.s32 s7, s6  }
0xc: {  	s6 =	sadd.s32 $0x2000, s0;
	s14 =	ssub.s32 s21, s11;
	s3 =	smov.u32 @p0 s10  }
0xd: {  	s8 =	simm.s32 @!p0 $0x37;
	s21 =	simm.s32 $0x5;
	s7 =	sshrl.u32 s7, $0x3  }
0xe: {  	s10 =	sshll.u32 s3, $0x4;
	s14 =	smax.u32 s14, $0x1;
	s19 =	sshll.u32 s3, $0x7  }
0xf: {  	s0 =	sadd.s32 s7, s0;
	s7 =	sadd.s32 s22, s2;
	s23 =	sadd.s32 s1, s10  }
0x10: {  	s12 =	sor.u32 $0x10, s10;
	s24 =	sadd.s32 s6, s10;
	[dreg:$0x4] =	wrdreg s23  }
0x11: {  	s22 =	simm.s32 $0x80;
	[dreg:$0x5] =	wrdreg s24;
	s25 =	sadd.s32 s1, s12  }
0x12: {  	s26 =	sadd.s32 s6, s12;
	s13 =	sadd.s32 $0x84000, s0;
	s15 =	sadd.s32 $0x4000, s7  }
0x13: {  	s16 =	sadd.s32 $0x8000, s7;
	s17 =	sadd.s32 $0xC000, s7;
	s18 =	sadd.s32 $0x10000, s7  }
0x14: {  	s23 =	simm.s32 $0x100;
	s24 =	simm.s32 $0x4200;
	[dreg:$0x6] =	wrdreg s25  }
0x15: {  	v0 =	vimm.f32 $0.0e+00;
	[dreg:$0x7] =	wrdreg s26;
	s25 =	simm.s32 $0x1;
	s26 =	simm.s32 $0x2  }
.LBB2_1:
0x16: {  	s0 =	simm.s32 $0x0;
	s3 =	simm.s32 $0x200  }
.LBB2_2:
0x17: {  	p0 =	sne.s32 s3, $0xFE00;
	[tilespmem:s0+$0x270] =	vst v0  }
0x18: {  	[tilespmem:s0+$0x200] =	vst v0  }
0x19: {  	[tilespmem:s0+$0x210] =	vst v0  }
.Ltmp0:
0x1a: {  	[tilespmem:s0+$0x220] =	vst v0;
	(pc) =	sbr.rel @p0 .LBB2_2-.Ltmp0, $4  }
0x1b: {  	[tilespmem:s0+$0x230] =	vst v0  }
0x1c: {  	[tilespmem:s0+$0x240] =	vst v0  }
0x1d: {  	[tilespmem:s0+$0x250] =	vst v0  }
0x1e: {  	[tilespmem:s0+$0x260] =	vst v0;
	s0 =	sshra.s32 s3, $0x2;
	s3 =	sadd.s32 $0x200, s3  }
0x1f: {  	[tilespmem:s0+$0x270] =	vst v0  }
0x20: {  	[tilespmem:s0+$0x200] =	vst v0  }
0x21: {  	[tilespmem:s0+$0x210] =	vst v0  }
0x22: {  	[tilespmem:s0+$0x220] =	vst v0  }
0x23: {  	[tilespmem:s0+$0x230] =	vst v0  }
0x24: {  	[tilespmem:s0+$0x240] =	vst v0  }
0x25: {  	[tilespmem:s0+$0x250] =	vst v0  }
0x26: {  	[tilespmem:s0+$0x260] =	vst v0  }
0x27: {  	[spmem:s7] =	stream.linear.scatter [tilespmem:s20], [sflag:$0x5], $0x4000, $0x38;
	[tilespmem:$0x1C200] =	vst v63  }
0x28: {  	_ =	swait.ge [sflag:s21], $0x4000  }
0x29: {  	[sflag:s21] =	ssyncset.done $0x0  }
0x2a: {  	[sflag:s21] =	ssyncadd.s32 $0xFFFFC000  }
0x2b: {  	[spmem:s15] =	stream.linear.scatter [tilespmem:s20], [sflag:$0x5], $0x4000, $0x38;
	[tilespmem:$0x1C200] =	vst v63  }
0x2c: {  	_ =	swait.ge [sflag:s21], $0x4000  }
0x2d: {  	[sflag:s21] =	ssyncset.done $0x0  }
0x2e: {  	[sflag:s21] =	ssyncadd.s32 $0xFFFFC000  }
0x2f: {  	[spmem:s16] =	stream.linear.scatter [tilespmem:s20], [sflag:$0x5], $0x4000, $0x38;
	[tilespmem:$0x1C200] =	vst v63  }
0x30: {  	_ =	swait.ge [sflag:s21], $0x4000  }
0x31: {  	[sflag:s21] =	ssyncset.done $0x0  }
0x32: {  	[sflag:s21] =	ssyncadd.s32 $0xFFFFC000  }
0x33: {  	[spmem:s17] =	stream.linear.scatter [tilespmem:s20], [sflag:$0x5], $0x4000, $0x38;
	[tilespmem:$0x1C200] =	vst v63  }
0x34: {  	_ =	swait.ge [sflag:s21], $0x4000  }
0x35: {  	[sflag:s21] =	ssyncset.done $0x0  }
0x36: {  	[sflag:s21] =	ssyncadd.s32 $0xFFFFC000  }
0x37: {  	[spmem:s18] =	stream.linear.scatter [tilespmem:s20], [sflag:$0x5], $0x4000, $0x38;
	[tilespmem:$0x1C200] =	vst v63  }
0x38: {  	_ =	swait.ge [sflag:s21], $0x4000  }
0x39: {  	[sflag:s21] =	ssyncset.done $0x0  }
0x3a: {  	[sflag:s21] =	ssyncadd.s32 $0xFFFFC000  }
0x3b: {  	[bflag:$0x0] =	sbarrier.arrive $0xFFFF  }
0x3c: {  	s3 =	simm.s32 $0x0;
	s12 =	rddreg [dreg:$0x4]  }
0x3d: {  	[tilespmem:s3], [sflag:$0x5] =	stream.linear.gather [hbm4b:s12+s3], $0x80, $0x38;
	[tilespmem:$0x1C200] =	vst v63  }
0x3e: {  	_ =	swait.ge [sflag:s21], $0x80  }
0x3f: {  	[sflag:s21] =	ssyncset.done $0x0  }
0x40: {  	s9 =	rddreg [dreg:$0x5];
	[sflag:s21] =	ssyncadd.s32 $0xFFFFFF80  }
0x41: {  	[tilespmem:s22], [sflag:$0x5] =	stream.linear.gather [hbm4b:s9+s3], $0x80, $0x38;
	[tilespmem:$0x1C200] =	vst v63  }
0x42: {  	_ =	swait.ge [sflag:s21], $0x80  }
0x43: {  	[sflag:s21] =	ssyncset.done $0x0  }
0x44: {  	[sflag:s21] =	ssyncadd.s32 $0xFFFFFF80  }
0x45: {  	[tilespmem:s20], [sflag:$0x1] =	stream.indirect.gather [hbm4b:s5+s22], $0x80, s3, s22, $0xb8;
	[tilespmem:$0x1C200] =	vst v63  }
0x46: {  	s10 =	rddreg [dreg:$0x6]  }
0x47: {  	[tilespmem:s23], [sflag:$0x5] =	stream.linear.gather [hbm4b:s10+s3], $0x80, $0x38;
	[tilespmem:$0x1C200] =	vst v63  }
0x48: {  	_ =	swait.ge [sflag:s21], $0x80  }
0x49: {  	[sflag:s21] =	ssyncset.done $0x0  }
0x4a: {  	s0 =	simm.s32 $0x180;
	s9 =	rddreg [dreg:$0x7];
	[sflag:s21] =	ssyncadd.s32 $0xFFFFFF80  }
0x4b: {  	[tilespmem:s0], [sflag:$0x5] =	stream.linear.gather [hbm4b:s9+s3], $0x80, $0x38;
	[tilespmem:$0x1C200] =	vst v63  }
0x4c: {  	_ =	swait.ge [sflag:s21], $0x80  }
0x4d: {  	[sflag:s21] =	ssyncset.done $0x0  }
0x4e: {  	[sflag:s21] =	ssyncadd.s32 $0xFFFFFF80  }
0x4f: {  	[tilespmem:s24], [sflag:$0x2] =	stream.indirect.gather [hbm4b:s5+s22], $0x80, s23, s22, $0xb8;
	[tilespmem:$0x1C200] =	vst v63  }
0x50: {  	_ =	swait.ge [sflag:s25], $0x4000  }
0x51: {  	[sflag:s25] =	ssyncset.done $0x0  }
0x52: {  	[sflag:s25] =	ssyncadd.s32 $0xFFFFC000  }
0x53: {  	[spmem:s2] =	stream.indirect.scatter.add.f32 [tilespmem:s20], [sflag:$0x3], $0x80, s22, s22, $0xb8;
	[tilespmem:$0x1C200] =	vst v63  }
0x54: {  	s3 =	sadd.s32 $0x180, s19;
	_ =	swait.ge [sflag:s26], $0x4000  }
0x55: {  	s10 =	simm.s32 $0x100;
	s11 =	sadd.s32 $0xFFFFFF80, s3;
	[sflag:s26] =	ssyncset.done $0x0  }
0x56: {  	s10 =	sand.u32 $0x300, s10;
	s9 =	sand.u32 $0xFFFFFC00, s11;
	[sflag:s26] =	ssyncadd.s32 $0xFFFFC000  }
0x57: {  	[spmem:s2] =	stream.indirect.scatter.add.f32 [tilespmem:s24], [sflag:$0x4], $0x80, s28, s22, $0xb8;
	[tilespmem:$0x1C200] =	vst v63  }
0x58: {  	s9 =	sor.u32 s10, s9;
	_ =	swait.ge [sflag:s29], $0x4000  }
0x59: {  	s9 =	sshrl.u32 s9, $0x3;
	[sflag:s29] =	ssyncset.done $0x0  }
0x5a: {  	s12 =	sadd.s32 s1, s9;
	[sflag:s29] =	ssyncadd.s32 $0xFFFFC000  }
0x5b: {  	[tilespmem:s4], [sflag:$0x5] =	stream.linear.gather [hbm4b:s12+s4], $0x80, $0x38;
	[tilespmem:$0x1C200] =	vst v63  }
0x5c: {  	_ =	swait.ge [sflag:s21], $0x80  }
0x5d: {  	[sflag:s21] =	ssyncset.done $0x0  }
0x5e: {  	s9 =	sadd.s32 s6, s9;
	[sflag:s21] =	ssyncadd.s32 $0xFFFFFF80  }
0x5f: {  	[tilespmem:s22], [sflag:$0x5] =	stream.linear.gather [hbm4b:s9+s4], $0x80, $0x38;
	[tilespmem:$0x1C200] =	vst v63  }
0x60: {  	_ =	swait.ge [sflag:s21], $0x80  }
0x61: {  	[sflag:s21] =	ssyncset.done $0x0  }
0x62: {  	s3 =	sand.u32 $0xFFFFFC00, s3;
	s11 =	sand.u32 $0x380, s0;
	[sflag:s21] =	ssyncadd.s32 $0xFFFFFF80  }
0x63: {  	[tilespmem:s20], [sflag:$0x1] =	stream.indirect.gather [hbm4b:s5+s22], $0x80, s4, s22, $0xb8;
	[tilespmem:$0x1C200] =	vst v63  }
0x64: {  	s3 =	sor.u32 s11, s3;
	_ =	swait.ge [sflag:s30], $0x4000  }
0x65: {  	s3 =	sshrl.u32 s3, $0x3;
	[sflag:s30] =	ssyncset.done $0x0  }
0x66: {  	s12 =	sadd.s32 s1, s3;
	[sflag:s30] =	ssyncadd.s32 $0xFFFFC000  }
0x67: {  	[tilespmem:s23], [sflag:$0x5] =	stream.linear.gather [hbm4b:s12+s4], $0x80, $0x38;
	[tilespmem:$0x1C200] =	vst v63  }
0x68: {  	p0 =	sne.s32 s8, $0x1;
	_ =	swait.ge [sflag:s21], $0x80  }
.Ltmp1:
0x69: {  	[sflag:s21] =	ssyncset.done $0x0;
	(pc) =	sbr.rel @!p0 .LBB2_5-.Ltmp1, $4  }
0x6a: {  	s3 =	sadd.s32 s6, s3;
	[sflag:s21] =	ssyncadd.s32 $0xFFFFFF80  }
0x6b: {  	[tilespmem:s28], [sflag:$0x5] =	stream.linear.gather [hbm4b:s3+s4], $0x80, $0x38;
	[tilespmem:$0x1C200] =	vst v63  }
0x6c: {  	_ =	swait.ge [sflag:s21], $0x80  }
0x6d: {  	s3 =	simm.s32 $0x1;
	[sflag:s21] =	ssyncset.done $0x0  }
.LBB2_4:
0x6e: {  	s3 =	sadd.s32 $0x1, s3;
	[sflag:s21] =	ssyncadd.s32 $0xFFFFFF80;
	s0 =	sadd.s32 $0x100, s0  }
0x6f: {  	[tilespmem:s24], [sflag:$0x2] =	stream.indirect.gather [hbm4b:s5+s22], $0x80, s23, s22, $0xb8;
	[tilespmem:$0x1C200] =	vst v63  }
0x70: {  	p0 =	sne.s32 s8, s3;
	_ =	swait.ge [sflag:s25], $0x4000  }
0x71: {  	[sflag:s25] =	ssyncset.done $0x0  }
0x72: {  	[sflag:s25] =	ssyncadd.s32 $0xFFFFC000  }
0x73: {  	[spmem:s2] =	stream.indirect.scatter.add.f32 [tilespmem:s20], [sflag:$0x3], $0x80, s22, s22, $0xb8;
	[tilespmem:$0x1C200] =	vst v63  }
0x74: {  	s9 =	sadd.s32 s0, s19;
	s10 =	sand.u32 $0x380, s0;
	_ =	swait.ge [sflag:s26], $0x4000  }
0x75: {  	s12 =	sadd.s32 $0xFFFFFF80, s0;
	s11 =	sadd.s32 $0xFFFFFF80, s9;
	[sflag:s26] =	ssyncset.done $0x0  }
0x76: {  	s12 =	sand.u32 $0x300, s12;
	s11 =	sand.u32 $0xFFFFFC00, s11;
	[sflag:s26] =	ssyncadd.s32 $0xFFFFC000  }
0x77: {  	[spmem:s2] =	stream.indirect.scatter.add.f32 [tilespmem:s24], [sflag:$0x4], $0x80, s28, s22, $0xb8;
	[tilespmem:$0x1C200] =	vst v63  }
0x78: {  	s9 =	sand.u32 $0xFFFFFC00, s9;
	s11 =	sor.u32 s12, s11;
	_ =	swait.ge [sflag:s29], $0x4000  }
0x79: {  	s9 =	sor.u32 s10, s9;
	s11 =	sshrl.u32 s11, $0x3;
	[sflag:s29] =	ssyncset.done $0x0  }
0x7a: {  	s9 =	sshrl.u32 s9, $0x3;
	s10 =	sadd.s32 s1, s11;
	[sflag:s29] =	ssyncadd.s32 $0xFFFFC000  }
0x7b: {  	[tilespmem:s4], [sflag:$0x5] =	stream.linear.gather [hbm4b:s10+s4], $0x80, $0x38;
	[tilespmem:$0x1C200] =	vst v63  }
0x7c: {  	_ =	swait.ge [sflag:s21], $0x80  }
0x7d: {  	s10 =	sadd.s32 s6, s11;
	[sflag:s21] =	ssyncset.done $0x0  }
0x7e: {  	[sflag:s21] =	ssyncadd.s32 $0xFFFFFF80  }
0x7f: {  	[tilespmem:s22], [sflag:$0x5] =	stream.linear.gather [hbm4b:s10+s4], $0x80, $0x38;
	[tilespmem:$0x1C200] =	vst v63  }
0x80: {  	_ =	swait.ge [sflag:s21], $0x80  }
0x81: {  	[sflag:s21] =	ssyncset.done $0x0  }
0x82: {  	[sflag:s21] =	ssyncadd.s32 $0xFFFFFF80  }
0x83: {  	[tilespmem:s20], [sflag:$0x1] =	stream.indirect.gather [hbm4b:s5+s22], $0x80, s4, s22, $0xb8;
	[tilespmem:$0x1C200] =	vst v63  }
0x84: {  	_ =	swait.ge [sflag:s30], $0x4000  }
0x85: {  	s10 =	sadd.s32 s1, s9;
	[sflag:s30] =	ssyncset.done $0x0  }
0x86: {  	[sflag:s30] =	ssyncadd.s32 $0xFFFFC000  }
0x87: {  	[tilespmem:s23], [sflag:$0x5] =	stream.linear.gather [hbm4b:s10+s4], $0x80, $0x38;
	[tilespmem:$0x1C200] =	vst v63  }
0x88: {  	_ =	swait.ge [sflag:s21], $0x80  }
.Ltmp2:
0x89: {  	s9 =	sadd.s32 s6, s9;
	[sflag:s21] =	ssyncset.done $0x0;
	(pc) =	sbr.rel @p0 .LBB2_4-.Ltmp2, $4  }
0x8a: {  	[sflag:s21] =	ssyncadd.s32 $0xFFFFFF80  }
0x8b: {  	[tilespmem:s28], [sflag:$0x5] =	stream.linear.gather [hbm4b:s9+s4], $0x80, $0x38;
	[tilespmem:$0x1C200] =	vst v63  }
0x8c: {  	_ =	swait.ge [sflag:s21], $0x80  }
0x8d: {  	[sflag:s21] =	ssyncset.done $0x0  }
.LBB2_5:
0x8e: {  	[sflag:s21] =	ssyncadd.s32 $0xFFFFFF80  }
0x8f: {  	[tilespmem:s24], [sflag:$0x2] =	stream.indirect.gather [hbm4b:s5+s22], $0x80, s23, s22, $0xb8;
	[tilespmem:$0x1C200] =	vst v63  }
0x90: {  	_ =	swait.ge [sflag:s25], $0x4000  }
0x91: {  	[sflag:s25] =	ssyncset.done $0x0  }
0x92: {  	s0 =	sadd.s32 $0x100, s0;
	p0 =	sge.u32 s3, s8;
	[sflag:s25] =	ssyncadd.s32 $0xFFFFC000  }
0x93: {  	[spmem:s2] =	stream.indirect.scatter.add.f32 [tilespmem:s20], [sflag:$0x3], $0x80, s22, s22, $0xb8;
	[tilespmem:$0x1C200] =	vst v63  }
0x94: {  	s3 =	sadd.s32 @!p0 s0, s19;
	s10 =	sadd.s32 @!p0 $0xFFFFFF80, s0;
	_ =	swait.ge [sflag:s26], $0x4000  }
0x95: {  	s11 =	simm.s32 @!p0 $0x3;
	s9 =	sadd.s32 @!p0 $0xFFFFFF80, s3;
	[sflag:s26] =	ssyncset.done $0x0  }
0x96: {  	s10 =	sand.u32 @!p0 $0x300, s10;
	s9 =	sand.u32 @!p0 $0x7FFFFC00, s9;
	[sflag:s26] =	ssyncadd.s32 $0xFFFFC000  }
0x97: {  	[spmem:s2] =	stream.indirect.scatter.add.f32 [tilespmem:s24], [sflag:$0x4], $0x80, s28, s22, $0xb8;
	[tilespmem:$0x1C200] =	vst v63  }
0x98: {  	s9 =	sor.u32 @!p0 s10, s9;
	_ =	swait.ge @!p0 [sflag:s11], $0x4000  }
0x99: {  	s9 =	sshrl.u32 @!p0 s9, $0x3;
	[sflag:s11] =	ssyncset.done @!p0 $0x0  }
0x9a: {  	s10 =	sadd.s32 @!p0 s1, s9;
	[sflag:s11] =	ssyncadd.s32 @!p0 $0xFFFFC000;
	s11 =	simm.s32 @!p0 $0x0  }
0x9b: {  	[tilespmem:s11], [sflag:$0x5] =	stream.linear.gather @!p0 [hbm4b:s10+s11], $0x80, $0x38;
	[tilespmem:$0x1C200] =	vst v63  }
0x9c: {  	s10 =	simm.s32 @!p0 $0x5  }
0x9d: {  	_ =	swait.ge @!p0 [sflag:s10], $0x80  }
0x9e: {  	[sflag:s10] =	ssyncset.done @!p0 $0x0  }
0x9f: {  	s12 =	simm.s32 @!p0 $0x80;
	s9 =	sadd.s32 @!p0 s6, s9;
	[sflag:s10] =	ssyncadd.s32 @!p0 $0xFFFFFF80  }
0xa0: {  	[tilespmem:s12], [sflag:$0x5] =	stream.linear.gather @!p0 [hbm4b:s9+s11], $0x80, $0x38;
	[tilespmem:$0x1C200] =	vst v63  }
0xa1: {  	_ =	swait.ge @!p0 [sflag:s10], $0x80  }
0xa2: {  	[sflag:s10] =	ssyncset.done @!p0 $0x0  }
0xa3: {  	s9 =	simm.s32 @!p0 $0x200;
	[sflag:s10] =	ssyncadd.s32 @!p0 $0xFFFFFF80  }
0xa4: {  	[tilespmem:s9], [sflag:$0x1] =	stream.indirect.gather @!p0 [hbm4b:s5+s12], $0x80, s11, s12, $0xb8;
	[tilespmem:$0x1C200] =	vst v63  }
0xa5: {  	s0 =	sand.u32 @!p0 $0x380, s0;
	s3 =	sand.u32 @!p0 $0x7FFFFC00, s3;
	s9 =	simm.s32 @!p0 $0x4  }
0xa6: {  	s0 =	sor.u32 @!p0 s0, s3;
	_ =	swait.ge @!p0 [sflag:s9], $0x4000  }
0xa7: {  	s0 =	sshrl.u32 @!p0 s0, $0x3;
	[sflag:s9] =	ssyncset.done @!p0 $0x0  }
0xa8: {  	s3 =	sadd.s32 @!p0 s1, s0;
	[sflag:s9] =	ssyncadd.s32 @!p0 $0xFFFFC000;
	s9 =	simm.s32 @!p0 $0x100  }
0xa9: {  	[tilespmem:s9], [sflag:$0x5] =	stream.linear.gather @!p0 [hbm4b:s3+s11], $0x80, $0x38;
	[tilespmem:$0x1C200] =	vst v63  }
0xaa: {  	_ =	swait.ge @!p0 [sflag:s10], $0x80  }
0xab: {  	[sflag:s10] =	ssyncset.done @!p0 $0x0  }
0xac: {  	s0 =	sadd.s32 @!p0 s6, s0;
	s3 =	simm.s32 @!p0 $0x180;
	[sflag:s10] =	ssyncadd.s32 @!p0 $0xFFFFFF80  }
0xad: {  	[tilespmem:s3], [sflag:$0x5] =	stream.linear.gather @!p0 [hbm4b:s0+s11], $0x80, $0x38;
	[tilespmem:$0x1C200] =	vst v63  }
0xae: {  	_ =	swait.ge @!p0 [sflag:s10], $0x80  }
0xaf: {  	[sflag:s10] =	ssyncset.done @!p0 $0x0  }
0xb0: {  	s0 =	simm.s32 @!p0 $0x4200;
	[sflag:s10] =	ssyncadd.s32 @!p0 $0xFFFFFF80  }
0xb1: {  	[tilespmem:s0], [sflag:$0x2] =	stream.indirect.gather @!p0 [hbm4b:s5+s12], $0x80, s9, s12, $0xb8;
	[tilespmem:$0x1C200] =	vst v63  }
0xb2: {  	_ =	swait.ge [sflag:s29], $0x4000  }
0xb3: {  	[sflag:s29] =	ssyncset.done $0x0  }
0xb4: {  	[sflag:s29] =	ssyncadd.s32 $0xFFFFC000  }
0xb5: {  	s11 =	stileid.u32;
	_ =	swait.ge [sflag:s30], $0x4000  }
0xb6: {  	s31 =	sadd.s32 $0x1, s31;
	s0 =	sshll.u32 s11, $0x6;
	[sflag:s30] =	ssyncset.done $0x0  }
0xb7: {  	s12 =	sshrl.u32 s7, $0x3;
	p0 =	sne.s32 s31, s14;
	[sflag:s30] =	ssyncadd.s32 $0xFFFFC000  }
.Ltmp3:
0xb8: {  	s0 =	sor.u32 $0x1C05, s0;
	[bflag:$0x0] =	sbarrier.arrive $0xFFFF;
	(pc) =	sbr.rel @p0 .LBB2_1-.Ltmp3, $4  }
0xb9: {  	[hbm:s13], [sflag:s0] =	dma.local [spmem:s12], $0x2800  }
0xba: {  	_ =	swait.ge [sflag:s21], $0x2800  }
0xbb: {  	[sflag:s21] =	ssyncset.done $0x0  }
0xbc: {  	[sflag:s21] =	ssyncadd.s32 $0xFFFFD800  }
0xbd: {  	_ =	sfence.sel $0x180000  }
0xbe: {  	[bflag:$0x0] =	sbarrier.arrive $0xFFFF  }
0xbf: {  	_ =	strace $0x9000004D  }
0xc0: {  	s0 =	stileid.u32;
	[bflag:$0x2] =	sbarrier.arrive $0xFFFF  }
0xc1: {  	p0 =	sne.s32 s0, $0x0;
	s0 =	rddreg [dreg:$0x3]  }
0xc2: {  	s0 =	sadd.s32 @!p0 $0x100000, s0  }
0xc3: {  	[sflag:s0] =	ssyncadd.tile.s32 @!p0 $0x1;
	_ =	shalt  }
.Lfunc_end2:
_tile_overlayer_lowered:
.L_overlay_start_2:
0xc4: {  	(tag) =	ssettag $0x2  }
0xc5: {  	s0 =	rddreg [dreg:$0x0];
	s2 =	stileid.u32  }
0xc6: {  	s1 =	rddreg [dreg:$0x1];
	p0 =	sne.s32 s2, $0x0  }
0xc7: {  	s3 =	rddreg [dreg:$0x2];
	[bflag:$0x3] =	sbarrier.arrive $0xFFFF;
	s2 =	simm.s32 @!p0 $0x1C05  }
0xc8: {  	[timem:s3], [sflag:s2] =	dma.local @!p0 [hbm:s0], s1  }
0xc9: {  	s0 =	simm.s32 @!p0 $0x5  }
0xca: {  	_ =	swait.ge @!p0 [sflag:s0], s1  }
0xcb: {  	s1 =	ssub.s32 @!p0 $0x0, s1;
	[sflag:s0] =	ssyncset.done @!p0 $0x0  }
0xcc: {  	[sflag:s0] =	ssyncadd.s32 @!p0 s1  }
0xcd: {  	[bflag:$0x3] =	sbarrier.arrive $0xFFFF  }
0xce: {  	_ =	shalt  }

// kernel: kernel.8.cloned.1.call-start
scs
__scs_entry_jumppad:
0x0: {  	(pc) =	sbr.rel $0x88, $3  }
0x1: {  	(tag) =	ssettag $0x0;
	lr =	simm.s32 $0x1  }
0x2: {  	[smem:$0x3F9B] =	sst lr;
	_ =	strace $0xD0000000  }
0x3: {  	_ = 	snop  }
0x4: {  	_ = 	snop  }
0x5: {  	_ = 	snop  }
0x6: {  	_ = 	snop  }
0x7: {  	_ = 	snop  }
__scs_overlays_trampoline_lowered:
0x8: {  	[smem:$0x3FAA] =	sst s0  }
0x9: {  	[smem:$0x3FAB] =	sst s1  }
0xa: {  	[smem:$0x3FAC] =	sst s2  }
0xb: {  	[smem:$0x3FAD] =	sst s3  }
0xc: {  	[smem:$0x3FAE] =	sst s4  }
0xd: {  	[smem:$0x3FAF] =	sst s5  }
0xe: {  	[smem:$0x3FB0] =	sst s6  }
0xf: {  	[smem:$0x3FB1] =	sst s7  }
0x10: {  	[smem:$0x3FB2] =	sst s8  }
0x11: {  	[smem:$0x3FB3] =	sst s9;
	s0 =	simm.s32 @!p0 $0x0  }
0x12: {  	s1 =	sld [smem:$0x3F99];
	s0 =	simm.s32 @p0 $0x1  }
0x13: {  	[smem:$0x3FB4] =	sst s0;
	s0 =	simm.s32 @!p1 $0x0  }
0x14: {  	s2 =	sld [smem:$0x3F98];
	s0 =	simm.s32 @p1 $0x1  }
0x15: {  	[smem:$0x3FB5] =	sst s0;
	s0 =	simm.s32 @!p2 $0x0  }
0x16: {  	s3 =	sld [smem:$0x3FDB];
	s0 =	simm.s32 @p2 $0x1  }
0x17: {  	s4 =	simm.s32 $0x1BF5;
	[smem:$0x3FB7] =	sst s0  }
0x18: {  	s0 =	sld [smem:$0x3F9A];
	_ =	swait.ge [sflag:s4], $0x0  }
0x19: {  	s7 =	sld [smem:$0x3F9B]  }
0x1a: {  	s8 =	sadd.s32 $0xFFFFE003, lr  }
0x1b: {  	s9 =	sadd.s32 $0xFFFFFEF7, lr;
	s5 =	simm.s32 $0xFFFFFFFF;
	p2 =	slt.u32 s8, $0xFFFFF086  }
0x1c: {  	p1 =	slt.u32 s9, $0xF7A;
	s5 =	simm.s32 @!p2 $0x0  }
0x1d: {  	s5 =	simm.s32 @p1 $0x1;
	p0 =	seq.s32 s7, s2  }
0x1e: {  	s7 =	smul.u32 @!p0 $0xF7A, s2;
	p2 =	seq.s32 @!p0 s5, $0x0  }
0x1f: {  	s9 =	smul.u32 $0xF7A, s1;
	s8 =	simm.s32 @!p0 $0x1BF5;
	p2 =	por !p2, p0  }
0x20: {  	[sflag:s8] =	ssyncset.s32 @!p0 $0xFFFFF086;
	s6 =	sadd.s32 @!p0 s3, s7;
	s7 =	simm.s32 @!p0 $0x108  }
0x21: {  	s3 =	sadd.s32 s3, s9;
	s6 =	sadd.s32 @!p0 $0x88, s6;
	s7 =	simm.s32 @p2 $0x1082  }
0x22: {  	[simem:s7], [sflag:s8] =	dma.local @!p0 [hbm:s6], $0xF7A  }
0x23: {  	s9 =	sor.u32 $0xD0000000, s2;
	s6 =	simm.s32 $0x108;
	_ =	swait.ge @!p0 [sflag:s8], $0x0  }
0x24: {  	s3 =	sadd.s32 $0x88, s3;
	s6 =	simm.s32 @!p1 $0x1082;
	[sflag:s4] =	ssyncset.s32 $0xFFFFF086  }
0x25: {  	[simem:s6], [sflag:s4] =	dma.local [hbm:s3], $0xF7A  }
0x26: {  	[smem:$0x3F9B] =	sst s1;
	(tag) =	ssettag s2;
	_ =	strace s9  }
0x27: {  	s1 =	sld [smem:$0x3FAB]  }
0x28: {  	s2 =	sld [smem:$0x3FAC]  }
0x29: {  	s4 =	sld [smem:$0x3FAE]  }
0x2a: {  	p0 =	seq.s32 s5, $0x0;
	s5 =	sld [smem:$0x3FAF]  }
0x2b: {  	s6 =	sld [smem:$0x3FB0]  }
0x2c: {  	s7 =	sld [smem:$0x3FB1]  }
0x2d: {  	s3 =	simm.s32 $0x108;
	s8 =	sld [smem:$0x3FB2]  }
0x2e: {  	s3 =	simm.s32 @!p0 $0x1082;
	s9 =	sld [smem:$0x3FB3]  }
0x2f: {  	lr =	sadd.s32 s0, s3;
	s0 =	sld [smem:$0x3FAA]  }
0x30: {  	s3 =	sld [smem:$0x3FAD]  }
0x31: {  	[smem:$0x3FB6] =	sst s10  }
0x32: {  	s10 =	sld [smem:$0x3FB4];
	_ =	sdelay $0x3  }
0x33: {  	p0 =	seq.s32 s10, $0x1;
	s10 =	sld [smem:$0x3FB6];
	_ =	sdelay $0x3  }
0x34: {  	[smem:$0x3FB6] =	sst s10  }
0x35: {  	s10 =	sld [smem:$0x3FB5];
	_ =	sdelay $0x3  }
0x36: {  	p1 =	seq.s32 s10, $0x1;
	s10 =	sld [smem:$0x3FB6];
	_ =	sdelay $0x3  }
0x37: {  	[smem:$0x3FB6] =	sst s10  }
0x38: {  	s10 =	sld [smem:$0x3FB7]  }
0x39: {  	_ = 	snop;
	(pc) =	sbr.ind lr, $3  }
0x3a: {  	_ = 	snop  }
0x3b: {  	_ = 	snop  }
0x3c: {  	p2 =	seq.s32 s10, $0x1;
	s10 =	sld [smem:$0x3FB6]  }
0x3d: {  	_ =	shalt  }
0x3e: {  	_ =	shalt  }
0x3f: {  	_ =	shalt  }
0x40: {  	_ =	shalt  }
0x41: {  	_ =	shalt  }
0x42: {  	_ =	shalt  }
0x43: {  	_ =	shalt  }
0x44: {  	_ =	shalt  }
0x45: {  	_ =	shalt  }
0x46: {  	_ =	shalt  }
0x47: {  	_ =	shalt  }
0x48: {  	_ =	shalt  }
0x49: {  	_ =	shalt  }
0x4a: {  	_ =	shalt  }
0x4b: {  	_ =	shalt  }
0x4c: {  	_ =	shalt  }
0x4d: {  	_ =	shalt  }
0x4e: {  	_ =	shalt  }
0x4f: {  	_ =	shalt  }
0x50: {  	_ =	shalt  }
0x51: {  	_ =	shalt  }
0x52: {  	_ =	shalt  }
0x53: {  	_ =	shalt  }
0x54: {  	_ =	shalt  }
0x55: {  	_ =	shalt  }
0x56: {  	_ =	shalt  }
0x57: {  	_ =	shalt  }
0x58: {  	_ =	shalt  }
0x59: {  	_ =	shalt  }
0x5a: {  	_ =	shalt  }
0x5b: {  	_ =	shalt  }
0x5c: {  	_ =	shalt  }
0x5d: {  	_ =	shalt  }
0x5e: {  	_ =	shalt  }
0x5f: {  	_ =	shalt  }
0x60: {  	_ =	shalt  }
0x61: {  	_ =	shalt  }
0x62: {  	_ =	shalt  }
0x63: {  	_ =	shalt  }
0x64: {  	_ =	shalt  }
0x65: {  	_ =	shalt  }
0x66: {  	_ =	shalt  }
0x67: {  	_ =	shalt  }
0x68: {  	_ =	shalt  }
0x69: {  	_ =	shalt  }
0x6a: {  	_ =	shalt  }
0x6b: {  	_ =	shalt  }
0x6c: {  	_ =	shalt  }
0x6d: {  	_ =	shalt  }
0x6e: {  	_ =	shalt  }
0x6f: {  	_ =	shalt  }
0x70: {  	_ =	shalt  }
0x71: {  	_ =	shalt  }
0x72: {  	_ =	shalt  }
0x73: {  	_ =	shalt  }
0x74: {  	_ =	shalt  }
0x75: {  	_ =	shalt  }
0x76: {  	_ =	shalt  }
0x77: {  	_ =	shalt  }
0x78: {  	_ =	shalt  }
0x79: {  	_ =	shalt  }
0x7a: {  	_ =	shalt  }
0x7b: {  	_ =	shalt  }
0x7c: {  	_ =	shalt  }
0x7d: {  	_ =	shalt  }
0x7e: {  	_ =	shalt  }
0x7f: {  	_ =	shalt  }
0x80: {  	_ =	shalt  }
0x81: {  	_ =	shalt  }
0x82: {  	_ =	shalt  }
0x83: {  	_ =	shalt  }
0x84: {  	_ =	shalt  }
0x85: {  	_ =	shalt  }
0x86: {  	_ =	shalt  }
0x87: {  	_ =	shalt  }
.Lfunc_end0:
.L_simem_size_0:
called_computation_lowered:
.L_overlay_start_0:
0x88: {  	s2 =	sld [smem:$0x3FD9]  }
0x89: {  	s3 =	sld [smem:$0x3FFE];
	_ =	sdelay $0x1  }
0x8a: {  	s1 =	srdreg.scid  }
0x8b: {  	s0 =	sand.u32 $0x1, s1  }
0x8c: {  	s16 =	sshll.u32 s0, $0xA;
	s2 =	sadd.s32 s3, s2  }
0x8d: {  	s2 =	sadd.s32 s2, s16  }
0x8e: {  	[smem:$0x3FC2] =	sst s2  }
0x8f: {  	_ = 	snop  }
0x90: {  	(tm) =	ssettm $0x1  }
0x91: {  	s17 =	sld [smem:$0x3FFB];
	_ =	sdelay $0x3  }
0x92: {  	_ =	strace s17  }
0x93: {  	s2 =	sld [smem:$0x3FFC];
	_ =	sdelay $0x3  }
0x94: {  	_ =	strace s2  }
0x95: {  	s2 =	sld [smem:$0x3FFD];
	_ =	sdelay $0x3  }
0x96: {  	_ =	strace s2  }
0x97: {  	_ =	strace $0x8FFFFFFF  }
0x98: {  	s18 =	sld [smem:$0x3FDB];
	_ =	sdelay $0x1  }
0x99: {  	s19 =	simm.s32 $_scs_section_size  }
0x9a: {  	s4 =	simm.s32 $_size__tile_overlayer_lowered;
	s5 =	simm.s32 $_tile_overlayer_lowered  }
0x9b: {  	s22 =	simm.s32 $0x1BFF;
	s21 =	sshll.u32 s5, $0x1;
	s2 =	sadd.s32 s19, s18  }
0x9c: {  	s6 =	simm.s32 $0x0;
	s20 =	sshll.u32 s4, $0x1;
	s4 =	sadd.s32 s21, s2  }
0x9d: {  	[timem:s6], [sflag:s22] =	dma.local [hbm:s4], s20  }
0x9e: {  	_ =	swait.ge [sflag:s22], s20  }
0x9f: {  	s3 =	ssub.s32 $0x0, s20;
	[sflag:s22] =	ssyncset.done $0x0  }
0xa0: {  	[sflag:s22] =	ssyncadd.s32 s3;
	_ =	sdelay $0x1  }
0xa1: {  	s23 =	simm.s32 $0x1B8B  }
0xa2: {  	_ =	swait.ge [sflag:s23], $0x1  }
0xa3: {  	[sflag:s23] =	ssyncset.done $0x0  }
0xa4: {  	s25 =	simm.s32 $0x1B8E;
	s24 =	sld [smem:$0x3FFE];
	[sflag:s23] =	ssyncadd.s32 $0xFFFFFFFF  }
0xa5: {  	s26 =	simm.s32 $execute0_lowered;
	[smem:$0x3FD2] =	sst s25  }
0xa6: {  	s4 =	sshll.u32 s26, $0x1;
	_ =	strace $0x80000046;
	[dreg:$0x1] =	wrdreg $0xFFFFFFFF  }
0xa7: {  	s28 =	simm.s32 $_size_execute0_lowered;
	s2 =	sadd.s32 s2, s4;
	[dreg:$0x0] =	wrdreg $0x0  }
0xa8: {  	s4 =	sshll.u32 s28, $0x1;
	[dreg:$0x2] =	wrdreg s2  }
0xa9: {  	[dreg:$0x3] =	wrdreg s4  }
0xaa: {  	[dreg:$0x4] =	wrdreg $0xC0  }
0xab: {  	_ =	task [dreg:s6], $0x5FFFF  }
0xac: {  	[dreg:$0x1] =	wrdreg $0xFFFFFFFF  }
0xad: {  	[dreg:$0x0] =	wrdreg $0x60  }
0xae: {  	[dreg:$0x2] =	wrdreg s24  }
0xaf: {  	[dreg:$0x3] =	wrdreg $0x40800  }
0xb0: {  	[dreg:$0x4] =	wrdreg $0x9  }
0xb1: {  	_ =	task.clear_ibuf [dreg:s6], $0x5FFFF;
	_ =	strace $0x90000046  }
0xb2: {  	s29 =	simm.s32 $0x9;
	_ =	strace $0x80000048  }
0xb3: {  	_ =	swait.ge [sflag:s29], $0x1  }
0xb4: {  	[sflag:s29] =	ssyncadd.s32 $0xFFFFFFFF  }
0xb5: {  	_ =	strace $0x90000048  }
0xb6: {  	_ =	sfence  }
0xb7: {  	s30 =	sld [smem:$0x0];
	_ =	sdelay $0x2  }
0xb8: {  	s31 =	sshll.u32 s1, $0xD;
	s1 =	sshrl.u32 s1, $0x2  }
0xb9: {  	s3 =	sand.u32 $0x4000, s31;
	s1 =	sadd.s32 s1, s30  }
0xba: {  	s0 =	sor.u32 s3, s0;
	s1 =	sshll.u32 s1, $0x11  }
0xbb: {  	s0 =	sor.u32 s1, s0  }
0xbc: {  	s0 =	sadd.s32 $0x8F2B, s0  }
0xbd: {  	[sflag:s0] =	ssyncadd.remote.s32 $0x1  }
0xbe: {  	_ =	sfence.sel $0xFFFF  }
0xbf: {  	[dreg:$0x0] =	wrdreg $0xFFFFFFFF;
	(pc) =	sbr.abs _section_cstart, $3  }
0xc0: {  	[dreg:$0x1] =	wrdreg $0xFFFFFFFF  }
0xc1: {  	_ =	task.clear_ibuf [dreg:s6], $0x2FFFF;
	_ =	strace $0x9FFFFFFF  }
0xc2: {  	(tm) =	ssettm $0x7FFFFFFF  }
0xc3: {  	_ =	shalt  }
tec
execute0_lowered:
.L_overlay_start_1:
0x0: {  	(tag) =	ssettag $0x1  }
0x1: {  	s5 =	rddreg [dreg:$0x0]  }
0x2: {  	s0 =	srdreg.scid;
	s1 =	stileid.u32  }
0x3: {  	s2 =	rddreg [dreg:$0x1];
	s3 =	simm.s32 $0x0;
	s6 =	smul.u32 $0x14000, s1  }
0x4: {  	s14 =	simm.s32 $0x1;
	s17 =	simm.s32 $0x0;
	s9 =	smul.u32 $0x50000, s1  }
0x5: {  	s7 =	sand.u32 $0x1, s0;
	s0 =	rddreg [dreg:$0x2];
	s12 =	smul.u32 $0xA00, s1  }
0x6: {  	[smem:$0x7FF] =	sst s3;
	s15 =	sshll.u32 s1, $0x6;
	s4 =	smul.u32 $0x140000, s7  }
0x7: {  	_ =	strace $0x80000047;
	s8 =	ssub.s32 $0x2, s7;
	s13 =	smul.u32 $0x500, s7  }
0x8: {  	s15 =	sor.u32 $0x1C01, s15;
	s30 =	sshrl.u32 s8, $0x1;
	s31 =	sshrl.u32 s9, $0x2  }
0x9: {  	s4 =	sadd.s32 s6, s4;
	s8 =	ssub.s32 s8, s30;
	s12 =	sadd.s32 s13, s12  }
0xa: {  	s13 =	simm.s32 $0x80;
	s6 =	sshrl.u32 s4, $0x3;
	s4 =	sadd.s32 $0x2000, s5  }
0xb: {  	s7 =	smax.u32 s8, $0x1;
	s6 =	sadd.s32 s6, s5;
	s5 =	sadd.s32 s31, s2  }
0xc: {  	s6 =	sadd.s32 $0xC000, s6;
	s8 =	sadd.s32 $0x4000, s5;
	s9 =	sadd.s32 $0x8000, s5  }
0xd: {  	v0 =	vimm.f32 $1.000000000e+00;
	v1 =	vimm.f32 $0.0e+00;
	s10 =	sadd.s32 $0xC000, s5;
	s11 =	sadd.s32 $0x10000, s5;
	s16 =	sshrl.u32 s5, $0x3  }
.LBB2_1:
0xe: {  	s18 =	simm.s32 $0x0;
	s19 =	simm.s32 $0x200  }
.LBB2_2:
0xf: {  	p0 =	sne.s32 s19, $0xFE00;
	[tilespmem:s18+$0xF0] =	vst v0  }
0x10: {  	[tilespmem:s18+$0x80] =	vst v0  }
0x11: {  	[tilespmem:s18+$0x90] =	vst v0  }
.Ltmp0:
0x12: {  	[tilespmem:s18+$0xA0] =	vst v0;
	(pc) =	sbr.rel @p0 .LBB2_2-.Ltmp0, $4  }
0x13: {  	[tilespmem:s18+$0xB0] =	vst v0  }
0x14: {  	[tilespmem:s18+$0xC0] =	vst v0  }
0x15: {  	[tilespmem:s18+$0xD0] =	vst v0  }
0x16: {  	[tilespmem:s18+$0xE0] =	vst v0;
	s18 =	sshra.s32 s19, $0x2;
	s19 =	sadd.s32 $0x200, s19  }
0x17: {  	[tilespmem:s18+$0xF0] =	vst v0  }
0x18: {  	[tilespmem:s18+$0x80] =	vst v0  }
0x19: {  	[tilespmem:s18+$0x90] =	vst v0  }
0x1a: {  	[tilespmem:s18+$0xA0] =	vst v0  }
0x1b: {  	[tilespmem:s18+$0xB0] =	vst v0  }
0x1c: {  	[tilespmem:s18+$0xC0] =	vst v0  }
0x1d: {  	[tilespmem:s18+$0xD0] =	vst v0  }
0x1e: {  	[tilespmem:s18+$0xE0] =	vst v0;
	s18 =	simm.s32 $0x0;
	s19 =	simm.s32 $0x200  }
.LBB2_4:
0x1f: {  	p0 =	sne.s32 s19, $0xFE00;
	[tilespmem:s18+$0xF0] =	vst v1  }
0x20: {  	[tilespmem:s18+$0x80] =	vst v1  }
0x21: {  	[tilespmem:s18+$0x90] =	vst v1  }
.Ltmp1:
0x22: {  	[tilespmem:s18+$0xA0] =	vst v1;
	(pc) =	sbr.rel @p0 .LBB2_4-.Ltmp1, $4  }
0x23: {  	[tilespmem:s18+$0xB0] =	vst v1  }
0x24: {  	[tilespmem:s18+$0xC0] =	vst v1  }
0x25: {  	[tilespmem:s18+$0xD0] =	vst v1  }
0x26: {  	[tilespmem:s18+$0xE0] =	vst v1;
	s18 =	sshra.s32 s19, $0x2;
	s19 =	sadd.s32 $0x200, s19  }
0x27: {  	[tilespmem:s18+$0xF0] =	vst v1  }
0x28: {  	[tilespmem:s18+$0x80] =	vst v1  }
0x29: {  	[tilespmem:s18+$0x90] =	vst v1  }
0x2a: {  	[tilespmem:s18+$0xA0] =	vst v1  }
0x2b: {  	[tilespmem:s18+$0xB0] =	vst v1  }
0x2c: {  	[tilespmem:s18+$0xC0] =	vst v1  }
0x2d: {  	[tilespmem:s18+$0xD0] =	vst v1  }
0x2e: {  	[tilespmem:s18+$0xE0] =	vst v1  }
0x2f: {  	[spmem:s5] =	stream.linear.scatter [tilespmem:s13], [sflag:$0x1], $0x4000, $0x38;
	[tilespmem:$0x18080] =	vst v63  }
0x30: {  	_ =	swait.ge [sflag:s14], $0x4000  }
0x31: {  	[sflag:s14] =	ssyncset.done $0x0  }
0x32: {  	[sflag:s14] =	ssyncadd.s32 $0xFFFFC000  }
0x33: {  	[spmem:s8] =	stream.linear.scatter [tilespmem:s13], [sflag:$0x1], $0x4000, $0x38;
	[tilespmem:$0x18080] =	vst v63  }
0x34: {  	_ =	swait.ge [sflag:s14], $0x4000  }
0x35: {  	[sflag:s14] =	ssyncset.done $0x0  }
0x36: {  	[sflag:s14] =	ssyncadd.s32 $0xFFFFC000  }
0x37: {  	[spmem:s9] =	stream.linear.scatter [tilespmem:s13], [sflag:$0x1], $0x4000, $0x38;
	[tilespmem:$0x18080] =	vst v63  }
0x38: {  	_ =	swait.ge [sflag:s14], $0x4000  }
0x39: {  	[sflag:s14] =	ssyncset.done $0x0  }
0x3a: {  	[sflag:s14] =	ssyncadd.s32 $0xFFFFC000  }
0x3b: {  	[spmem:s10] =	stream.linear.scatter [tilespmem:s13], [sflag:$0x1], $0x4000, $0x38;
	[tilespmem:$0x18080] =	vst v63  }
0x3c: {  	_ =	swait.ge [sflag:s14], $0x4000  }
0x3d: {  	[sflag:s14] =	ssyncset.done $0x0  }
0x3e: {  	[sflag:s14] =	ssyncadd.s32 $0xFFFFC000  }
0x3f: {  	[spmem:s11] =	stream.linear.scatter [tilespmem:s13], [sflag:$0x1], $0x4000, $0x38;
	[tilespmem:$0x18080] =	vst v63  }
0x40: {  	_ =	swait.ge [sflag:s14], $0x4000  }
0x41: {  	[sflag:s14] =	ssyncset.done $0x0  }
0x42: {  	s18 =	simm.s32 $0x0;
	s19 =	simm.s32 $0x200;
	[sflag:s14] =	ssyncadd.s32 $0xFFFFC000  }
.LBB2_6:
0x43: {  	p0 =	sne.s32 s19, $0xFE00;
	[tilespmem:s18+$0xF0] =	vst v0  }
0x44: {  	[tilespmem:s18+$0x80] =	vst v0  }
0x45: {  	[tilespmem:s18+$0x90] =	vst v0  }
.Ltmp2:
0x46: {  	[tilespmem:s18+$0xA0] =	vst v0;
	(pc) =	sbr.rel @p0 .LBB2_6-.Ltmp2, $4  }
0x47: {  	[tilespmem:s18+$0xB0] =	vst v0  }
0x48: {  	[tilespmem:s18+$0xC0] =	vst v0  }
0x49: {  	[tilespmem:s18+$0xD0] =	vst v0  }
0x4a: {  	[tilespmem:s18+$0xE0] =	vst v0;
	s18 =	sshra.s32 s19, $0x2;
	s19 =	sadd.s32 $0x200, s19  }
0x4b: {  	[tilespmem:s18+$0xF0] =	vst v0  }
0x4c: {  	[tilespmem:s18+$0x80] =	vst v0  }
0x4d: {  	[tilespmem:s18+$0x90] =	vst v0  }
0x4e: {  	[tilespmem:s18+$0xA0] =	vst v0  }
0x4f: {  	[tilespmem:s18+$0xB0] =	vst v0  }
0x50: {  	[tilespmem:s18+$0xC0] =	vst v0;
	s19 =	simm.s32 $0x0  }
0x51: {  	[tilespmem:s18+$0xD0] =	vst v0;
	s20 =	sadd.s32 $0x0, s12;
	s19 =	sand.u32 $0x70, s19  }
0x52: {  	[tilespmem:s18+$0xE0] =	vst v0;
	s29 =	sand.u32 $0xFFFFF80, s20;
	s19 =	sadd.s32 s4, s19  }
0x53: {  	[bflag:$0x0] =	sbarrier.arrive $0xFFFF;
	s18 =	sadd.s32 s29, s19  }
0x54: {  	[tilespmem:s3], [sflag:$0x1] =	stream.linear.gather [hbm4b:s18+s3], $0x80, $0x38;
	[tilespmem:$0x18080] =	vst v63  }
0x55: {  	_ =	swait.ge [sflag:s14], $0x80  }
0x56: {  	s30 =	simm.s32 $0x10;
	[sflag:s14] =	ssyncset.done $0x0  }
0x57: {  	s21 =	sand.u32 $0x70, s30;
	[sflag:s14] =	ssyncadd.s32 $0xFFFFFF80  }
0x58: {  	[spmem:s2] =	stream.indirect.scatter.add.f32 [tilespmem:s13], [sflag:$0x1], $0x80, s3, s13, $0xb8;
	[tilespmem:$0x18080] =	vst v63  }
0x59: {  	s31 =	sadd.s32 $0x10, s12;
	s20 =	sadd.s32 s4, s21;
	_ =	swait.ge [sflag:s14], $0x4000  }
0x5a: {  	s19 =	sand.u32 $0xFFFFF80, s31;
	s18 =	simm.s32 $0x20;
	[sflag:s14] =	ssyncset.done $0x0  }
.LBB2_8:
0x5b: {  	s19 =	sadd.s32 s19, s20  }
0x5c: {  	[sflag:s14] =	ssyncadd.s32 $0xFFFFC000;
	s20 =	smov.u32 s18;
	s21 =	sadd.s32 $0x10, s18  }
0x5d: {  	[tilespmem:s3], [sflag:$0x1] =	stream.linear.gather [hbm4b:s19+s3], $0x80, $0x38;
	[tilespmem:$0x18080] =	vst v63  }
0x5e: {  	p0 =	sne.s32 s18, $0x4F0;
	_ =	swait.ge [sflag:s14], $0x80  }
.Ltmp3:
0x5f: {  	[sflag:s14] =	ssyncset.done $0x0;
	(pc) =	sbr.rel @p0 .LBB2_8-.Ltmp3, $4  }
0x60: {  	s18 =	sadd.s32 s20, s12;
	[sflag:s14] =	ssyncadd.s32 $0xFFFFFF80  }
0x61: {  	[spmem:s2] =	stream.indirect.scatter.add.f32 [tilespmem:s13], [sflag:$0x1], $0x80, s3, s13, $0xb8;
	[tilespmem:$0x18080] =	vst v63  }
0x62: {  	s20 =	sand.u32 $0x70, s20;
	s19 =	sand.u32 $0xFFFFF80, s18;
	_ =	swait.ge [sflag:s14], $0x4000  }
0x63: {  	s20 =	sadd.s32 s4, s20;
	s18 =	smov.u32 s21;
	[sflag:s14] =	ssyncset.done $0x0  }
0x64: {  	s18 =	sadd.s32 s19, s20;
	[sflag:s14] =	ssyncadd.s32 $0xFFFFC000  }
0x65: {  	[tilespmem:s3], [sflag:$0x1] =	stream.linear.gather [hbm4b:s18+s3], $0x80, $0x38;
	[tilespmem:$0x18080] =	vst v63  }
0x66: {  	_ =	swait.ge [sflag:s14], $0x80  }
0x67: {  	[sflag:s14] =	ssyncset.done $0x0  }
0x68: {  	[sflag:s14] =	ssyncadd.s32 $0xFFFFFF80  }
0x69: {  	[spmem:s2] =	stream.indirect.scatter.add.f32 [tilespmem:s13], [sflag:$0x1], $0x80, s3, s13, $0xb8;
	[tilespmem:$0x18080] =	vst v63  }
0x6a: {  	_ =	swait.ge [sflag:s14], $0x4000  }
0x6b: {  	s17 =	sadd.s32 $0x1, s17;
	[sflag:s14] =	ssyncset.done $0x0  }
0x6c: {  	p0 =	sne.s32 s17, s7;
	[sflag:s14] =	ssyncadd.s32 $0xFFFFC000  }
.Ltmp4:
0x6d: {  	[bflag:$0x0] =	sbarrier.arrive $0xFFFF;
	(pc) =	sbr.rel @p0 .LBB2_1-.Ltmp4, $4  }
0x6e: {  	[hbm:s6], [sflag:s15] =	dma.local [spmem:s16], $0x2800  }
0x6f: {  	_ =	swait.ge [sflag:s14], $0x2800  }
0x70: {  	[sflag:s14] =	ssyncset.done $0x0  }
0x71: {  	[sflag:s14] =	ssyncadd.s32 $0xFFFFD800  }
0x72: {  	_ =	sfence.sel $0x180000  }
0x73: {  	[bflag:$0x0] =	sbarrier.arrive $0xFFFF  }
0x74: {  	p0 =	sne.s32 s1, $0x0;
	_ =	strace $0x90000047  }
0x75: {  	s0 =	sadd.s32 @!p0 $0x100000, s0;
	[bflag:$0x2] =	sbarrier.arrive $0xFFFF  }
0x76: {  	[sflag:s0] =	ssyncadd.tile.s32 @!p0 $0x1;
	_ =	shalt  }
.Lfunc_end2:
_tile_overlayer_lowered:
.L_overlay_start_2:
0x77: {  	(tag) =	ssettag $0x2  }
0x78: {  	s0 =	rddreg [dreg:$0x0];
	s2 =	stileid.u32  }
0x79: {  	s1 =	rddreg [dreg:$0x1];
	p0 =	sne.s32 s2, $0x0  }
0x7a: {  	s3 =	rddreg [dreg:$0x2];
	[bflag:$0x3] =	sbarrier.arrive $0xFFFF;
	s2 =	simm.s32 @!p0 $0x1C01  }
0x7b: {  	[timem:s3], [sflag:s2] =	dma.local @!p0 [hbm:s0], s1  }
0x7c: {  	s0 =	simm.s32 @!p0 $0x1  }
0x7d: {  	_ =	swait.ge @!p0 [sflag:s0], s1  }
0x7e: {  	s1 =	ssub.s32 @!p0 $0x0, s1;
	[sflag:s0] =	ssyncset.done @!p0 $0x0  }
0x7f: {  	[sflag:s0] =	ssyncadd.s32 @!p0 s1  }
0x80: {  	[bflag:$0x3] =	sbarrier.arrive $0xFFFF  }
0x81: {  	_ =	shalt  }

</sc_bundles>
